<compile_context>
chip_gen: v7x
topology: tpu7x:2x2x1
jax: 0.10.2.dev20260603
libtpu: 0.0.44.dev20260713+nightly
codegen_flags: <defaults>
</compile_context>

<pallas_src>
import jax
import jax.numpy as jnp
from jax import lax
from jax.experimental import pallas as pl
from jax.experimental.pallas import tpu as pltpu
from jax.experimental.pallas import tpu_sc as plsc

B, C, F, H, W = 8, 3, 5, 224, 224
HIN, WIN = H + F - 1, W + F - 1
NC, NS, L = 2, 16, 16
RB = 28
RBW = RB * W
NQ = H // RB
NTASK = B * C * NQ
TPW = NTASK // (NC * NS)
GX = W // L
NG = RB * GX
K = F * F

PADW = 240
PADH = 234
PADN = PADH * PADW
PX, PY = 8, 2
IDXC = (PY - 4) * PADW + (PX - 4)
BLO, BHI = 2.0, 232.9


def _body(in_ref, vert_ref, horiz_ref, offx_ref, offy_ref, mask_ref,
          out_ref, img, acc,
          offx_a, offy_a, msk_a, vert_a, horiz_a,
          offx_b, offy_b, msk_b, vert_b, horiz_b,
          sem_a, sem_b):
  wid = lax.axis_index("s") * NC + lax.axis_index("c")
  xiota = lax.broadcasted_iota(jnp.int32, (L,), 0).astype(jnp.float32)
  fzero = jnp.zeros((L,), jnp.float32)

  bufs = ((offx_a, offy_a, msk_a, vert_a, horiz_a, sem_a),
          (offx_b, offy_b, msk_b, vert_b, horiz_b, sem_b))

  def issue(k, b, r0w, par):
    k = jnp.minimum(k, K - 1)
    fy = k // F
    fx = k % F
    ox, oy, mk, vt, hz, sem = bufs[par]
    pltpu.async_copy(offx_ref.at[b, k, pl.ds(r0w, RBW)], ox, sem)
    pltpu.async_copy(offy_ref.at[b, k, pl.ds(r0w, RBW)], oy, sem)
    pltpu.async_copy(mask_ref.at[b, k, pl.ds(r0w, RBW)], mk, sem)
    pltpu.async_copy(vert_ref.at[b, fy, pl.ds(r0w, RBW)], vt, sem)
    pltpu.async_copy(horiz_ref.at[b, fx, pl.ds(r0w, RBW)], hz, sem)

  def drain(par):
    ox, oy, mk, vt, hz, sem = bufs[par]
    pltpu.make_async_copy(offx_ref.at[0, 0, pl.ds(0, RBW)], ox, sem).wait()
    pltpu.make_async_copy(offy_ref.at[0, 0, pl.ds(0, RBW)], oy, sem).wait()
    pltpu.make_async_copy(mask_ref.at[0, 0, pl.ds(0, RBW)], mk, sem).wait()
    pltpu.make_async_copy(vert_ref.at[0, 0, pl.ds(0, RBW)], vt, sem).wait()
    pltpu.make_async_copy(horiz_ref.at[0, 0, pl.ds(0, RBW)], hz, sem).wait()

  def compute(k, r0, par, first=False):
    ox, oy, mk, vt, hz, _ = bufs[par]
    fy = k // F
    ybase0 = r0 + fy + 4
    fxf = (k % F + 4).astype(jnp.float32)

    @plsc.parallel_loop(0, NG, 1, unroll=2)
    def g_loop(i):
      sl = pl.ds(i * L, L)
      ybase = (ybase0 + i // GX).astype(jnp.float32)
      xb = ((i % GX) * L).astype(jnp.float32) + fxf
      posy = oy[sl] + ybase
      posx = (ox[sl] + xb) + xiota
      posy = jnp.clip(posy, BLO, BHI)
      posx = jnp.clip(posx, BLO, BHI)
      ty = posy.astype(jnp.int32)
      tx = posx.astype(jnp.int32)
      ay = posy - ty.astype(jnp.float32)
      ax = posx - tx.astype(jnp.float32)
      f00 = ty * PADW + (tx + IDXC)
      f10 = f00 + PADW
      g00 = plsc.load_gather(img, [f00])
      g01 = plsc.load_gather(img, [f00 + 1])
      g10 = plsc.load_gather(img, [f10])
      g11 = plsc.load_gather(img, [f10 + 1])
      by = 1.0 - ay
      bx = 1.0 - ax
      samp = by * (bx * g00 + ax * g01) + ay * (bx * g10 + ax * g11)
      wsep = vt[sl] * hz[sl] * mk[sl]
      if first:
        acc[sl] = samp * wsep
      else:
        acc[sl] = acc[sl] + samp * wsep

  def task_loop(ti, carry):
    in_main = wid < 24
    bc = jnp.where(in_main, wid, 3 * (wid - 24) + ti // 2)
    q = jnp.where(in_main, ti, 6 + ti % 2)
    b = bc // C
    c = bc % C
    r0 = q * RB
    r0w = q * RBW

    issue(jnp.int32(0), b, r0w, 0)
    issue(jnp.int32(1), b, r0w, 1)

    @pl.when(jnp.logical_or(ti == 0, jnp.logical_and(~in_main, ti % 2 == 0)))
    def _():
      pltpu.sync_copy(in_ref.at[b, c], img)

    drain(0)
    compute(jnp.int32(0), r0, 0, first=True)
    issue(jnp.int32(2), b, r0w, 0)

    def kk_loop(kk, _):
      k = 2 * kk + 1
      drain(1)
      compute(k, r0, 1)
      issue(k + 2, b, r0w, 1)
      drain(0)
      compute(k + 1, r0, 0)
      issue(k + 3, b, r0w, 0)
      return 0
    lax.fori_loop(0, (K - 1) // 2, kk_loop, 0)

    drain(1)
    drain(0)

    pltpu.sync_copy(acc, out_ref.at[b, c, pl.ds(r0w, RBW)])
    return 0

  lax.fori_loop(0, TPW, task_loop, 0)


@jax.jit
def kernel(input, vertical, horizontal, offset_x, offset_y, mask):
  inp = jnp.pad(input, ((0, 0), (0, 0),
                        (PY, PADH - HIN - PY),
                        (PX, PADW - WIN - PX))).reshape(B, C, PADN)
  mesh = plsc.VectorSubcoreMesh(
      core_axis_name="c", subcore_axis_name="s",
      num_cores=NC, num_subcores=NS)
  blk = pltpu.VMEM((RBW,), jnp.float32)
  f = pl.kernel(
      _body,
      out_type=jax.ShapeDtypeStruct((B, C, H * W), jnp.float32),
      mesh=mesh,
      compiler_params=pltpu.CompilerParams(
          use_tc_tiling_on_sc=False, needs_layout_passes=False),
      scratch_types=[
          pltpu.VMEM((PADN,), jnp.float32),
          blk,
          blk, blk, blk, blk, blk,
          blk, blk, blk, blk, blk,
          pltpu.SemaphoreType.DMA,
          pltpu.SemaphoreType.DMA,
      ],
  )
  out = f(inp, vertical.reshape(B, F, H * W), horizontal.reshape(B, F, H * W),
          offset_x.reshape(B, K, H * W), offset_y.reshape(B, K, H * W),
          mask.reshape(B, K, H * W))
  return out.reshape(B, C, H, W)

# --- scband reference (transcript-rebuilt; emitter-appended) ---
"""Pipeline reference for scband-module-dsepconv-51238959841432 (READ-ONLY COPY).

The authoritative reference and input builder live on the scoring server;
editing this copy changes nothing except your own understanding.
"""

import jax, jax.numpy as jnp
import numpy as np


def setup_inputs(seed: int = 0) -> dict:
    key = jax.random.key(seed)
    k1, k2, k3, k4, k5, k6 = jax.random.split(key, 6)
    B, C, F, H, W = 8, 3, 5, 224, 224
    inputs = {
        'input': jax.random.normal(k1, (B, C, H + F - 1, W + F - 1), dtype=jnp.float32),
        'vertical': jax.random.uniform(k2, (B, F, H, W), dtype=jnp.float32),
        'horizontal': jax.random.uniform(k3, (B, F, H, W), dtype=jnp.float32),
        'offset_x': jax.random.normal(k4, (B, F * F, H, W), dtype=jnp.float32),
        'offset_y': jax.random.normal(k5, (B, F * F, H, W), dtype=jnp.float32),
        'mask': jax.random.uniform(k6, (B, F * F, H, W), dtype=jnp.float32),
    }
    return inputs


def _dsepconv(inp, vertical, horizontal, offset_x, offset_y, mask):
    B, C, Hin, Win = inp.shape
    F = min(vertical.shape[1], horizontal.shape[1])
    Hout = min(vertical.shape[2], horizontal.shape[2])
    Wout = min(vertical.shape[3], horizontal.shape[3])
    K = F * F
    fy = jnp.repeat(jnp.arange(F), F)
    fx = jnp.tile(jnp.arange(F), F)
    ys = jnp.arange(Hout)
    xs = jnp.arange(Wout)
    dt = inp.dtype
    pos_y = offset_y + fy[None, :, None, None].astype(dt) + ys[None, None, :, None].astype(dt)
    pos_x = offset_x + fx[None, :, None, None].astype(dt) + xs[None, None, None, :].astype(dt)
    y0f = jnp.floor(pos_y)
    x0f = jnp.floor(pos_x)
    ay = pos_y - y0f
    ax = pos_x - x0f
    y0 = y0f.astype(jnp.int32)
    x0 = x0f.astype(jnp.int32)
    imgf = inp.reshape(B, C, Hin * Win)

    def gather(yy, xx):
        valid = (yy >= 0) & (yy < Hin) & (xx >= 0) & (xx < Win)
        yc = jnp.clip(yy, 0, Hin - 1)
        xc = jnp.clip(xx, 0, Win - 1)
        flat = (yc * Win + xc).reshape(B, -1)
        g = jax.vmap(lambda im, ix: jnp.take(im, ix, axis=1))(imgf, flat)
        g = g.reshape(B, C, K, Hout, Wout)
        return g * valid[:, None].astype(dt)

    v00 = gather(y0, x0)
    v01 = gather(y0, x0 + 1)
    v10 = gather(y0 + 1, x0)
    v11 = gather(y0 + 1, x0 + 1)
    w00 = ((1.0 - ay) * (1.0 - ax))[:, None]
    w01 = ((1.0 - ay) * ax)[:, None]
    w10 = (ay * (1.0 - ax))[:, None]
    w11 = (ay * ax)[:, None]
    sampled = v00 * w00 + v01 * w01 + v10 * w10 + v11 * w11
    wsep = vertical[:, fy] * horizontal[:, fx] * mask
    out = jnp.sum(sampled * wsep[:, None], axis=2)
    return out


def reference(input, vertical, horizontal, offset_x, offset_y, mask):
    return _dsepconv(input, vertical, horizontal, offset_x, offset_y, mask)

if __name__ == "__main__":
    import jax
    _d = setup_inputs()
    print(jax.jit(kernel)(*tuple(_d.values())))

</pallas_src>

<mosaic_0001>
#map = affine_map<(d0, d1) -> (0, 0, 0)>
module attributes {stable_mosaic.version = 14 : i64} {
  func.func @_body(%arg0: i32, %arg1: i32, %arg2: memref<8x3x56160xf32, #tpu.memory_space<hbm>>, %arg3: memref<8x5x50176xf32, #tpu.memory_space<hbm>>, %arg4: memref<8x5x50176xf32, #tpu.memory_space<hbm>>, %arg5: memref<8x25x50176xf32, #tpu.memory_space<hbm>>, %arg6: memref<8x25x50176xf32, #tpu.memory_space<hbm>>, %arg7: memref<8x25x50176xf32, #tpu.memory_space<hbm>>, %arg8: memref<8x3x50176xf32, #tpu.memory_space<hbm>>, %arg9: memref<56160xf32, #tpu.memory_space<vmem>>, %arg10: memref<6272xf32, #tpu.memory_space<vmem>>, %arg11: memref<6272xf32, #tpu.memory_space<vmem>>, %arg12: memref<6272xf32, #tpu.memory_space<vmem>>, %arg13: memref<6272xf32, #tpu.memory_space<vmem>>, %arg14: memref<6272xf32, #tpu.memory_space<vmem>>, %arg15: memref<6272xf32, #tpu.memory_space<vmem>>, %arg16: memref<6272xf32, #tpu.memory_space<vmem>>, %arg17: memref<6272xf32, #tpu.memory_space<vmem>>, %arg18: memref<6272xf32, #tpu.memory_space<vmem>>, %arg19: memref<6272xf32, #tpu.memory_space<vmem>>, %arg20: memref<6272xf32, #tpu.memory_space<vmem>>, %arg21: memref<!tpu.dma_semaphore, #tpu.memory_space<semaphore_mem>>, %arg22: memref<!tpu.dma_semaphore, #tpu.memory_space<semaphore_mem>>) attributes {dimension_semantics = [#tpu.dimension_semantics<core_parallel>, #tpu.dimension_semantics<subcore_parallel>], iteration_bounds = array<i64: 2, 16>, scalar_prefetch = 0 : i64, scratch_operands = 14 : i64, tpu.core_type = #tpu.core_type<sc_vector_subcore>, window_params = [{transform_indices = #map}, {transform_indices = #map}, {transform_indices = #map}, {transform_indices = #map}, {transform_indices = #map}, {transform_indices = #map}, {transform_indices = #map}]} {
    %mul3A = arith.constant 2 : i32
    %mul3A_0 = arith.muli %arg1, %mul3A : i32
    %add3A = arith.addi %mul3A_0, %arg0 : i32
    %iota3A = tpu.iota {dimensions = array<i32: 0>} : vector<16xi32>
    %convert_element_type3A = arith.sitofp %iota3A : vector<16xi32> to vector<16xf32>
    %broadcast_in_dim3A = arith.constant 0.000000e+00 : f32
    %broadcast_in_dim3A_1 = vector.broadcast %broadcast_in_dim3A : f32 to vector<16xf32>
    %scan3A = arith.constant 0 : i32
    %scan3A_2 = arith.constant 0 : i32
    %scan3A_3 = arith.constant 6 : i32
    %scan3A_4 = arith.addi %scan3A_2, %scan3A_3 : i32
    %scan3A_5 = arith.constant 1 : i32
    %scan3A_6 = scf.for %scan3A_8 = %scan3A_2 to %scan3A_4 step %scan3A_5 iter_args(%scan3A_9 = %scan3A) -> (i32)  : i32 {
      %lt3A = arith.constant 24 : i32
      %lt3A_10 = arith.cmpi slt, %add3A, %lt3A : i32
      %sub3A = arith.constant 24 : i32
      %sub3A_11 = arith.subi %add3A, %sub3A : i32
      %mul3A_12 = arith.constant 3 : i32
      %mul3A_13 = arith.muli %mul3A_12, %sub3A_11 : i32
      %jit3A = arith.constant 2 : i32
      %div3A = arith.divsi %scan3A_8, %jit3A : i32
      %sign3A = arith.constant 0 : i32
      %sign3A_14 = arith.cmpi sgt, %scan3A_8, %sign3A : i32
      %sign3A_15 = arith.extui %sign3A_14 : i1 to i32
      %sign3A_16 = arith.constant 0 : i32
      %sign3A_17 = arith.cmpi slt, %scan3A_8, %sign3A_16 : i32
      %sign3A_18 = arith.extui %sign3A_17 : i1 to i32
      %sign3A_19 = arith.subi %sign3A_15, %sign3A_18 : i32
      %sign3A_20 = arith.constant 0 : i32
      %sign3A_21 = arith.cmpi sgt, %jit3A, %sign3A_20 : i32
      %sign3A_22 = arith.extui %sign3A_21 : i1 to i32
      %sign3A_23 = arith.constant 0 : i32
      %sign3A_24 = arith.cmpi slt, %jit3A, %sign3A_23 : i32
      %sign3A_25 = arith.extui %sign3A_24 : i1 to i32
      %sign3A_26 = arith.subi %sign3A_22, %sign3A_25 : i32
      %ne3A = arith.cmpi ne, %sign3A_19, %sign3A_26 : i32
      %rem3A = arith.remsi %scan3A_8, %jit3A : i32
      %ne3A_27 = arith.constant 0 : i32
      %ne3A_28 = arith.cmpi ne, %rem3A, %ne3A_27 : i32
      %and3A = arith.andi %ne3A, %ne3A_28 : i1
      %sub3A_29 = arith.constant 1 : i32
      %sub3A_30 = arith.subi %div3A, %sub3A_29 : i32
      %select_n3A = arith.select %and3A, %sub3A_30, %div3A : i32
      %add3A_31 = arith.addi %mul3A_13, %select_n3A : i32
      %select_n3A_32 = arith.select %lt3A_10, %add3A, %add3A_31 : i32
      %jit3A_33 = arith.constant 2 : i32
      %eq3A = arith.constant 0 : i32
      %eq3A_34 = arith.cmpi eq, %jit3A_33, %eq3A : i32
      %jit3A_35 = arith.constant 1 : i32
      %select_n3A_36 = arith.select %eq3A_34, %jit3A_35, %jit3A_33 : i32
      %rem3A_37 = arith.remsi %scan3A_8, %select_n3A_36 : i32
      %ne3A_38 = arith.constant 0 : i32
      %ne3A_39 = arith.cmpi ne, %rem3A_37, %ne3A_38 : i32
      %lt3A_40 = arith.constant 0 : i32
      %lt3A_41 = arith.cmpi slt, %rem3A_37, %lt3A_40 : i32
      %lt3A_42 = arith.constant 0 : i32
      %lt3A_43 = arith.cmpi slt, %select_n3A_36, %lt3A_42 : i32
      %ne3A_44 = arith.xori %lt3A_41, %lt3A_43 : i1
      %and3A_45 = arith.andi %ne3A_44, %ne3A_39 : i1
      %add3A_46 = arith.addi %rem3A_37, %select_n3A_36 : i32
      %select_n3A_47 = arith.select %and3A_45, %add3A_46, %rem3A_37 : i32
      %add3A_48 = arith.constant 6 : i32
      %add3A_49 = arith.addi %add3A_48, %select_n3A_47 : i32
      %select_n3A_50 = arith.select %lt3A_10, %scan3A_8, %add3A_49 : i32
      %jit3A_51 = arith.constant 3 : i32
      %div3A_52 = arith.divsi %select_n3A_32, %jit3A_51 : i32
      %sign3A_53 = arith.constant 0 : i32
      %sign3A_54 = arith.cmpi sgt, %select_n3A_32, %sign3A_53 : i32
      %sign3A_55 = arith.extui %sign3A_54 : i1 to i32
      %sign3A_56 = arith.constant 0 : i32
      %sign3A_57 = arith.cmpi slt, %select_n3A_32, %sign3A_56 : i32
      %sign3A_58 = arith.extui %sign3A_57 : i1 to i32
      %sign3A_59 = arith.subi %sign3A_55, %sign3A_58 : i32
      %sign3A_60 = arith.constant 0 : i32
      %sign3A_61 = arith.cmpi sgt, %jit3A_51, %sign3A_60 : i32
      %sign3A_62 = arith.extui %sign3A_61 : i1 to i32
      %sign3A_63 = arith.constant 0 : i32
      %sign3A_64 = arith.cmpi slt, %jit3A_51, %sign3A_63 : i32
      %sign3A_65 = arith.extui %sign3A_64 : i1 to i32
      %sign3A_66 = arith.subi %sign3A_62, %sign3A_65 : i32
      %ne3A_67 = arith.cmpi ne, %sign3A_59, %sign3A_66 : i32
      %rem3A_68 = arith.remsi %select_n3A_32, %jit3A_51 : i32
      %ne3A_69 = arith.constant 0 : i32
      %ne3A_70 = arith.cmpi ne, %rem3A_68, %ne3A_69 : i32
      %and3A_71 = arith.andi %ne3A_67, %ne3A_70 : i1
      %sub3A_72 = arith.constant 1 : i32
      %sub3A_73 = arith.subi %div3A_52, %sub3A_72 : i32
      %select_n3A_74 = arith.select %and3A_71, %sub3A_73, %div3A_52 : i32
      %jit3A_75 = arith.constant 3 : i32
      %eq3A_76 = arith.constant 0 : i32
      %eq3A_77 = arith.cmpi eq, %jit3A_75, %eq3A_76 : i32
      %jit3A_78 = arith.constant 1 : i32
      %select_n3A_79 = arith.select %eq3A_77, %jit3A_78, %jit3A_75 : i32
      %rem3A_80 = arith.remsi %select_n3A_32, %select_n3A_79 : i32
      %ne3A_81 = arith.constant 0 : i32
      %ne3A_82 = arith.cmpi ne, %rem3A_80, %ne3A_81 : i32
      %lt3A_83 = arith.constant 0 : i32
      %lt3A_84 = arith.cmpi slt, %rem3A_80, %lt3A_83 : i32
      %lt3A_85 = arith.constant 0 : i32
      %lt3A_86 = arith.cmpi slt, %select_n3A_79, %lt3A_85 : i32
      %ne3A_87 = arith.xori %lt3A_84, %lt3A_86 : i1
      %and3A_88 = arith.andi %ne3A_87, %ne3A_82 : i1
      %add3A_89 = arith.addi %rem3A_80, %select_n3A_79 : i32
      %select_n3A_90 = arith.select %and3A_88, %add3A_89, %rem3A_80 : i32
      %mul3A_91 = arith.constant 28 : i32
      %mul3A_92 = arith.muli %select_n3A_50, %mul3A_91 : i32
      %mul3A_93 = arith.constant 6272 : i32
      %mul3A_94 = arith.muli %select_n3A_50, %mul3A_93 : i32
      %min3A = arith.constant 0 : i32
      %min3A_95 = arith.constant 24 : i32
      %min3A_96 = arith.minsi %min3A, %min3A_95 : i32
      %jit3A_97 = arith.constant 5 : i32
      %div3A_98 = arith.divsi %min3A_96, %jit3A_97 : i32
      %sign3A_99 = arith.constant 0 : i32
      %sign3A_100 = arith.cmpi sgt, %min3A_96, %sign3A_99 : i32
      %sign3A_101 = arith.extui %sign3A_100 : i1 to i32
      %sign3A_102 = arith.constant 0 : i32
      %sign3A_103 = arith.cmpi slt, %min3A_96, %sign3A_102 : i32
      %sign3A_104 = arith.extui %sign3A_103 : i1 to i32
      %sign3A_105 = arith.subi %sign3A_101, %sign3A_104 : i32
      %sign3A_106 = arith.constant 0 : i32
      %sign3A_107 = arith.cmpi sgt, %jit3A_97, %sign3A_106 : i32
      %sign3A_108 = arith.extui %sign3A_107 : i1 to i32
      %sign3A_109 = arith.constant 0 : i32
      %sign3A_110 = arith.cmpi slt, %jit3A_97, %sign3A_109 : i32
      %sign3A_111 = arith.extui %sign3A_110 : i1 to i32
      %sign3A_112 = arith.subi %sign3A_108, %sign3A_111 : i32
      %ne3A_113 = arith.cmpi ne, %sign3A_105, %sign3A_112 : i32
      %rem3A_114 = arith.remsi %min3A_96, %jit3A_97 : i32
      %ne3A_115 = arith.constant 0 : i32
      %ne3A_116 = arith.cmpi ne, %rem3A_114, %ne3A_115 : i32
      %and3A_117 = arith.andi %ne3A_113, %ne3A_116 : i1
      %sub3A_118 = arith.constant 1 : i32
      %sub3A_119 = arith.subi %div3A_98, %sub3A_118 : i32
      %select_n3A_120 = arith.select %and3A_117, %sub3A_119, %div3A_98 : i32
      %jit3A_121 = arith.constant 5 : i32
      %eq3A_122 = arith.constant 0 : i32
      %eq3A_123 = arith.cmpi eq, %jit3A_121, %eq3A_122 : i32
      %jit3A_124 = arith.constant 1 : i32
      %select_n3A_125 = arith.select %eq3A_123, %jit3A_124, %jit3A_121 : i32
      %rem3A_126 = arith.remsi %min3A_96, %select_n3A_125 : i32
      %ne3A_127 = arith.constant 0 : i32
      %ne3A_128 = arith.cmpi ne, %rem3A_126, %ne3A_127 : i32
      %lt3A_129 = arith.constant 0 : i32
      %lt3A_130 = arith.cmpi slt, %rem3A_126, %lt3A_129 : i32
      %lt3A_131 = arith.constant 0 : i32
      %lt3A_132 = arith.cmpi slt, %select_n3A_125, %lt3A_131 : i32
      %ne3A_133 = arith.xori %lt3A_130, %lt3A_132 : i1
      %and3A_134 = arith.andi %ne3A_133, %ne3A_128 : i1
      %add3A_135 = arith.addi %rem3A_126, %select_n3A_125 : i32
      %select_n3A_136 = arith.select %and3A_134, %add3A_135, %rem3A_126 : i32
      %dma_start3A = tpu.memref_slice %arg5[%select_n3A_74, %min3A_96, %mul3A_94] : memref<8x25x50176xf32, #tpu.memory_space<hbm>> -> memref<1x1x6272xf32, #tpu.memory_space<hbm>>
      %dma_start3A_137 = tpu.memref_squeeze %dma_start3A : memref<1x1x6272xf32, #tpu.memory_space<hbm>> -> memref<6272xf32, #tpu.memory_space<hbm>>
      %dma_start3A_138 = tpu.memref_slice %arg5[%select_n3A_74, %min3A_96, %mul3A_94] : memref<8x25x50176xf32, #tpu.memory_space<hbm>> -> memref<1x1x6272xf32, #tpu.memory_space<hbm>>
      %dma_start3A_139 = tpu.memref_squeeze %dma_start3A_138 : memref<1x1x6272xf32, #tpu.memory_space<hbm>> -> memref<6272xf32, #tpu.memory_space<hbm>>
      tpu.enqueue_dma source(%dma_start3A_139 : memref<6272xf32, #tpu.memory_space<hbm>>) target(%arg11 : memref<6272xf32, #tpu.memory_space<vmem>>) target_semaphore(%arg21 : memref<!tpu.dma_semaphore, #tpu.memory_space<semaphore_mem>>)
      %dma_start3A_140 = tpu.memref_slice %arg6[%select_n3A_74, %min3A_96, %mul3A_94] : memref<8x25x50176xf32, #tpu.memory_space<hbm>> -> memref<1x1x6272xf32, #tpu.memory_space<hbm>>
      %dma_start3A_141 = tpu.memref_squeeze %dma_start3A_140 : memref<1x1x6272xf32, #tpu.memory_space<hbm>> -> memref<6272xf32, #tpu.memory_space<hbm>>
      %dma_start3A_142 = tpu.memref_slice %arg6[%select_n3A_74, %min3A_96, %mul3A_94] : memref<8x25x50176xf32, #tpu.memory_space<hbm>> -> memref<1x1x6272xf32, #tpu.memory_space<hbm>>
      %dma_start3A_143 = tpu.memref_squeeze %dma_start3A_142 : memref<1x1x6272xf32, #tpu.memory_space<hbm>> -> memref<6272xf32, #tpu.memory_space<hbm>>
      tpu.enqueue_dma source(%dma_start3A_143 : memref<6272xf32, #tpu.memory_space<hbm>>) target(%arg12 : memref<6272xf32, #tpu.memory_space<vmem>>) target_semaphore(%arg21 : memref<!tpu.dma_semaphore, #tpu.memory_space<semaphore_mem>>)
      %dma_start3A_144 = tpu.memref_slice %arg7[%select_n3A_74, %min3A_96, %mul3A_94] : memref<8x25x50176xf32, #tpu.memory_space<hbm>> -> memref<1x1x6272xf32, #tpu.memory_space<hbm>>
      %dma_start3A_145 = tpu.memref_squeeze %dma_start3A_144 : memref<1x1x6272xf32, #tpu.memory_space<hbm>> -> memref<6272xf32, #tpu.memory_space<hbm>>
      %dma_start3A_146 = tpu.memref_slice %arg7[%select_n3A_74, %min3A_96, %mul3A_94] : memref<8x25x50176xf32, #tpu.memory_space<hbm>> -> memref<1x1x6272xf32, #tpu.memory_space<hbm>>
      %dma_start3A_147 = tpu.memref_squeeze %dma_start3A_146 : memref<1x1x6272xf32, #tpu.memory_space<hbm>> -> memref<6272xf32, #tpu.memory_space<hbm>>
      tpu.enqueue_dma source(%dma_start3A_147 : memref<6272xf32, #tpu.memory_space<hbm>>) target(%arg13 : memref<6272xf32, #tpu.memory_space<vmem>>) target_semaphore(%arg21 : memref<!tpu.dma_semaphore, #tpu.memory_space<semaphore_mem>>)
      %dma_start3A_148 = tpu.memref_slice %arg3[%select_n3A_74, %select_n3A_120, %mul3A_94] : memref<8x5x50176xf32, #tpu.memory_space<hbm>> -> memref<1x1x6272xf32, #tpu.memory_space<hbm>>
      %dma_start3A_149 = tpu.memref_squeeze %dma_start3A_148 : memref<1x1x6272xf32, #tpu.memory_space<hbm>> -> memref<6272xf32, #tpu.memory_space<hbm>>
      %dma_start3A_150 = tpu.memref_slice %arg3[%select_n3A_74, %select_n3A_120, %mul3A_94] : memref<8x5x50176xf32, #tpu.memory_space<hbm>> -> memref<1x1x6272xf32, #tpu.memory_space<hbm>>
      %dma_start3A_151 = tpu.memref_squeeze %dma_start3A_150 : memref<1x1x6272xf32, #tpu.memory_space<hbm>> -> memref<6272xf32, #tpu.memory_space<hbm>>
      tpu.enqueue_dma source(%dma_start3A_151 : memref<6272xf32, #tpu.memory_space<hbm>>) target(%arg14 : memref<6272xf32, #tpu.memory_space<vmem>>) target_semaphore(%arg21 : memref<!tpu.dma_semaphore, #tpu.memory_space<semaphore_mem>>)
      %dma_start3A_152 = tpu.memref_slice %arg4[%select_n3A_74, %select_n3A_136, %mul3A_94] : memref<8x5x50176xf32, #tpu.memory_space<hbm>> -> memref<1x1x6272xf32, #tpu.memory_space<hbm>>
      %dma_start3A_153 = tpu.memref_squeeze %dma_start3A_152 : memref<1x1x6272xf32, #tpu.memory_space<hbm>> -> memref<6272xf32, #tpu.memory_space<hbm>>
      %dma_start3A_154 = tpu.memref_slice %arg4[%select_n3A_74, %select_n3A_136, %mul3A_94] : memref<8x5x50176xf32, #tpu.memory_space<hbm>> -> memref<1x1x6272xf32, #tpu.memory_space<hbm>>
      %dma_start3A_155 = tpu.memref_squeeze %dma_start3A_154 : memref<1x1x6272xf32, #tpu.memory_space<hbm>> -> memref<6272xf32, #tpu.memory_space<hbm>>
      tpu.enqueue_dma source(%dma_start3A_155 : memref<6272xf32, #tpu.memory_space<hbm>>) target(%arg15 : memref<6272xf32, #tpu.memory_space<vmem>>) target_semaphore(%arg21 : memref<!tpu.dma_semaphore, #tpu.memory_space<semaphore_mem>>)
      %min3A_156 = arith.constant 1 : i32
      %min3A_157 = arith.constant 24 : i32
      %min3A_158 = arith.minsi %min3A_156, %min3A_157 : i32
      %jit3A_159 = arith.constant 5 : i32
      %div3A_160 = arith.divsi %min3A_158, %jit3A_159 : i32
      %sign3A_161 = arith.constant 0 : i32
      %sign3A_162 = arith.cmpi sgt, %min3A_158, %sign3A_161 : i32
      %sign3A_163 = arith.extui %sign3A_162 : i1 to i32
      %sign3A_164 = arith.constant 0 : i32
      %sign3A_165 = arith.cmpi slt, %min3A_158, %sign3A_164 : i32
      %sign3A_166 = arith.extui %sign3A_165 : i1 to i32
      %sign3A_167 = arith.subi %sign3A_163, %sign3A_166 : i32
      %sign3A_168 = arith.constant 0 : i32
      %sign3A_169 = arith.cmpi sgt, %jit3A_159, %sign3A_168 : i32
      %sign3A_170 = arith.extui %sign3A_169 : i1 to i32
      %sign3A_171 = arith.constant 0 : i32
      %sign3A_172 = arith.cmpi slt, %jit3A_159, %sign3A_171 : i32
      %sign3A_173 = arith.extui %sign3A_172 : i1 to i32
      %sign3A_174 = arith.subi %sign3A_170, %sign3A_173 : i32
      %ne3A_175 = arith.cmpi ne, %sign3A_167, %sign3A_174 : i32
      %rem3A_176 = arith.remsi %min3A_158, %jit3A_159 : i32
      %ne3A_177 = arith.constant 0 : i32
      %ne3A_178 = arith.cmpi ne, %rem3A_176, %ne3A_177 : i32
      %and3A_179 = arith.andi %ne3A_175, %ne3A_178 : i1
      %sub3A_180 = arith.constant 1 : i32
      %sub3A_181 = arith.subi %div3A_160, %sub3A_180 : i32
      %select_n3A_182 = arith.select %and3A_179, %sub3A_181, %div3A_160 : i32
      %jit3A_183 = arith.constant 5 : i32
      %eq3A_184 = arith.constant 0 : i32
      %eq3A_185 = arith.cmpi eq, %jit3A_183, %eq3A_184 : i32
      %jit3A_186 = arith.constant 1 : i32
      %select_n3A_187 = arith.select %eq3A_185, %jit3A_186, %jit3A_183 : i32
      %rem3A_188 = arith.remsi %min3A_158, %select_n3A_187 : i32
      %ne3A_189 = arith.constant 0 : i32
      %ne3A_190 = arith.cmpi ne, %rem3A_188, %ne3A_189 : i32
      %lt3A_191 = arith.constant 0 : i32
      %lt3A_192 = arith.cmpi slt, %rem3A_188, %lt3A_191 : i32
      %lt3A_193 = arith.constant 0 : i32
      %lt3A_194 = arith.cmpi slt, %select_n3A_187, %lt3A_193 : i32
      %ne3A_195 = arith.xori %lt3A_192, %lt3A_194 : i1
      %and3A_196 = arith.andi %ne3A_195, %ne3A_190 : i1
      %add3A_197 = arith.addi %rem3A_188, %select_n3A_187 : i32
      %select_n3A_198 = arith.select %and3A_196, %add3A_197, %rem3A_188 : i32
      %dma_start3A_199 = tpu.memref_slice %arg5[%select_n3A_74, %min3A_158, %mul3A_94] : memref<8x25x50176xf32, #tpu.memory_space<hbm>> -> memref<1x1x6272xf32, #tpu.memory_space<hbm>>
      %dma_start3A_200 = tpu.memref_squeeze %dma_start3A_199 : memref<1x1x6272xf32, #tpu.memory_space<hbm>> -> memref<6272xf32, #tpu.memory_space<hbm>>
      %dma_start3A_201 = tpu.memref_slice %arg5[%select_n3A_74, %min3A_158, %mul3A_94] : memref<8x25x50176xf32, #tpu.memory_space<hbm>> -> memref<1x1x6272xf32, #tpu.memory_space<hbm>>
      %dma_start3A_202 = tpu.memref_squeeze %dma_start3A_201 : memref<1x1x6272xf32, #tpu.memory_space<hbm>> -> memref<6272xf32, #tpu.memory_space<hbm>>
      tpu.enqueue_dma source(%dma_start3A_202 : memref<6272xf32, #tpu.memory_space<hbm>>) target(%arg16 : memref<6272xf32, #tpu.memory_space<vmem>>) target_semaphore(%arg22 : memref<!tpu.dma_semaphore, #tpu.memory_space<semaphore_mem>>)
      %dma_start3A_203 = tpu.memref_slice %arg6[%select_n3A_74, %min3A_158, %mul3A_94] : memref<8x25x50176xf32, #tpu.memory_space<hbm>> -> memref<1x1x6272xf32, #tpu.memory_space<hbm>>
      %dma_start3A_204 = tpu.memref_squeeze %dma_start3A_203 : memref<1x1x6272xf32, #tpu.memory_space<hbm>> -> memref<6272xf32, #tpu.memory_space<hbm>>
      %dma_start3A_205 = tpu.memref_slice %arg6[%select_n3A_74, %min3A_158, %mul3A_94] : memref<8x25x50176xf32, #tpu.memory_space<hbm>> -> memref<1x1x6272xf32, #tpu.memory_space<hbm>>
      %dma_start3A_206 = tpu.memref_squeeze %dma_start3A_205 : memref<1x1x6272xf32, #tpu.memory_space<hbm>> -> memref<6272xf32, #tpu.memory_space<hbm>>
      tpu.enqueue_dma source(%dma_start3A_206 : memref<6272xf32, #tpu.memory_space<hbm>>) target(%arg17 : memref<6272xf32, #tpu.memory_space<vmem>>) target_semaphore(%arg22 : memref<!tpu.dma_semaphore, #tpu.memory_space<semaphore_mem>>)
      %dma_start3A_207 = tpu.memref_slice %arg7[%select_n3A_74, %min3A_158, %mul3A_94] : memref<8x25x50176xf32, #tpu.memory_space<hbm>> -> memref<1x1x6272xf32, #tpu.memory_space<hbm>>
      %dma_start3A_208 = tpu.memref_squeeze %dma_start3A_207 : memref<1x1x6272xf32, #tpu.memory_space<hbm>> -> memref<6272xf32, #tpu.memory_space<hbm>>
      %dma_start3A_209 = tpu.memref_slice %arg7[%select_n3A_74, %min3A_158, %mul3A_94] : memref<8x25x50176xf32, #tpu.memory_space<hbm>> -> memref<1x1x6272xf32, #tpu.memory_space<hbm>>
      %dma_start3A_210 = tpu.memref_squeeze %dma_start3A_209 : memref<1x1x6272xf32, #tpu.memory_space<hbm>> -> memref<6272xf32, #tpu.memory_space<hbm>>
      tpu.enqueue_dma source(%dma_start3A_210 : memref<6272xf32, #tpu.memory_space<hbm>>) target(%arg18 : memref<6272xf32, #tpu.memory_space<vmem>>) target_semaphore(%arg22 : memref<!tpu.dma_semaphore, #tpu.memory_space<semaphore_mem>>)
      %dma_start3A_211 = tpu.memref_slice %arg3[%select_n3A_74, %select_n3A_182, %mul3A_94] : memref<8x5x50176xf32, #tpu.memory_space<hbm>> -> memref<1x1x6272xf32, #tpu.memory_space<hbm>>
      %dma_start3A_212 = tpu.memref_squeeze %dma_start3A_211 : memref<1x1x6272xf32, #tpu.memory_space<hbm>> -> memref<6272xf32, #tpu.memory_space<hbm>>
      %dma_start3A_213 = tpu.memref_slice %arg3[%select_n3A_74, %select_n3A_182, %mul3A_94] : memref<8x5x50176xf32, #tpu.memory_space<hbm>> -> memref<1x1x6272xf32, #tpu.memory_space<hbm>>
      %dma_start3A_214 = tpu.memref_squeeze %dma_start3A_213 : memref<1x1x6272xf32, #tpu.memory_space<hbm>> -> memref<6272xf32, #tpu.memory_space<hbm>>
      tpu.enqueue_dma source(%dma_start3A_214 : memref<6272xf32, #tpu.memory_space<hbm>>) target(%arg19 : memref<6272xf32, #tpu.memory_space<vmem>>) target_semaphore(%arg22 : memref<!tpu.dma_semaphore, #tpu.memory_space<semaphore_mem>>)
      %dma_start3A_215 = tpu.memref_slice %arg4[%select_n3A_74, %select_n3A_198, %mul3A_94] : memref<8x5x50176xf32, #tpu.memory_space<hbm>> -> memref<1x1x6272xf32, #tpu.memory_space<hbm>>
      %dma_start3A_216 = tpu.memref_squeeze %dma_start3A_215 : memref<1x1x6272xf32, #tpu.memory_space<hbm>> -> memref<6272xf32, #tpu.memory_space<hbm>>
      %dma_start3A_217 = tpu.memref_slice %arg4[%select_n3A_74, %select_n3A_198, %mul3A_94] : memref<8x5x50176xf32, #tpu.memory_space<hbm>> -> memref<1x1x6272xf32, #tpu.memory_space<hbm>>
      %dma_start3A_218 = tpu.memref_squeeze %dma_start3A_217 : memref<1x1x6272xf32, #tpu.memory_space<hbm>> -> memref<6272xf32, #tpu.memory_space<hbm>>
      tpu.enqueue_dma source(%dma_start3A_218 : memref<6272xf32, #tpu.memory_space<hbm>>) target(%arg20 : memref<6272xf32, #tpu.memory_space<vmem>>) target_semaphore(%arg22 : memref<!tpu.dma_semaphore, #tpu.memory_space<semaphore_mem>>)
      %eq3A_219 = arith.constant 0 : i32
      %eq3A_220 = arith.cmpi eq, %scan3A_8, %eq3A_219 : i32
      %not3A = arith.constant true
      %not3A_221 = arith.xori %lt3A_10, %not3A : i1
      %jit3A_222 = arith.constant 2 : i32
      %eq3A_223 = arith.constant 0 : i32
      %eq3A_224 = arith.cmpi eq, %jit3A_222, %eq3A_223 : i32
      %jit3A_225 = arith.constant 1 : i32
      %select_n3A_226 = arith.select %eq3A_224, %jit3A_225, %jit3A_222 : i32
      %rem3A_227 = arith.remsi %scan3A_8, %select_n3A_226 : i32
      %ne3A_228 = arith.constant 0 : i32
      %ne3A_229 = arith.cmpi ne, %rem3A_227, %ne3A_228 : i32
      %lt3A_230 = arith.constant 0 : i32
      %lt3A_231 = arith.cmpi slt, %rem3A_227, %lt3A_230 : i32
      %lt3A_232 = arith.constant 0 : i32
      %lt3A_233 = arith.cmpi slt, %select_n3A_226, %lt3A_232 : i32
      %ne3A_234 = arith.xori %lt3A_231, %lt3A_233 : i1
      %and3A_235 = arith.andi %ne3A_234, %ne3A_229 : i1
      %add3A_236 = arith.addi %rem3A_227, %select_n3A_226 : i32
      %select_n3A_237 = arith.select %and3A_235, %add3A_236, %rem3A_227 : i32
      %eq3A_238 = arith.constant 0 : i32
      %eq3A_239 = arith.cmpi eq, %select_n3A_237, %eq3A_238 : i32
      %and3A_240 = arith.andi %not3A_221, %eq3A_239 : i1
      %or3A = arith.ori %eq3A_220, %and3A_240 : i1
      %convert_element_type3A_241 = arith.extui %or3A : i1 to i32
      %cond3A = arith.constant 0 : i32
      %cond3A_242 = arith.cmpi ne, %convert_element_type3A_241, %cond3A : i32
      scf.if %cond3A_242 {
        "tpu.region"() ({
          %run_scoped3A = tpu.sem_alloc : memref<!tpu.dma_semaphore, #tpu.memory_space<semaphore_mem>>
          %dma_start3A_483 = arith.constant 0 : i32
          %dma_start3A_484 = tpu.memref_slice %arg2[%select_n3A_74, %select_n3A_90, %dma_start3A_483] : memref<8x3x56160xf32, #tpu.memory_space<hbm>> -> memref<1x1x56160xf32, #tpu.memory_space<hbm>>
          %dma_start3A_485 = tpu.memref_squeeze %dma_start3A_484 : memref<1x1x56160xf32, #tpu.memory_space<hbm>> -> memref<56160xf32, #tpu.memory_space<hbm>>
          %dma_start3A_486 = arith.constant 0 : i32
          %dma_start3A_487 = tpu.memref_slice %arg2[%select_n3A_74, %select_n3A_90, %dma_start3A_486] : memref<8x3x56160xf32, #tpu.memory_space<hbm>> -> memref<1x1x56160xf32, #tpu.memory_space<hbm>>
          %dma_start3A_488 = tpu.memref_squeeze %dma_start3A_487 : memref<1x1x56160xf32, #tpu.memory_space<hbm>> -> memref<56160xf32, #tpu.memory_space<hbm>>
          tpu.enqueue_dma source(%dma_start3A_488 : memref<56160xf32, #tpu.memory_space<hbm>>) target(%arg9 : memref<56160xf32, #tpu.memory_space<vmem>>) target_semaphore(%run_scoped3A : memref<!tpu.dma_semaphore, #tpu.memory_space<semaphore_mem>>)
          %dma_wait3A_489 = arith.constant 0 : i32
          %dma_wait3A_490 = tpu.memref_slice %arg2[%select_n3A_74, %select_n3A_90, %dma_wait3A_489] : memref<8x3x56160xf32, #tpu.memory_space<hbm>> -> memref<1x1x56160xf32, #tpu.memory_space<hbm>>
          %dma_wait3A_491 = tpu.memref_squeeze %dma_wait3A_490 : memref<1x1x56160xf32, #tpu.memory_space<hbm>> -> memref<56160xf32, #tpu.memory_space<hbm>>
          %dma_wait3A_492 = arith.constant 0 : i32
          %dma_wait3A_493 = tpu.memref_slice %arg2[%select_n3A_74, %select_n3A_90, %dma_wait3A_492] : memref<8x3x56160xf32, #tpu.memory_space<hbm>> -> memref<1x1x56160xf32, #tpu.memory_space<hbm>>
          %dma_wait3A_494 = tpu.memref_squeeze %dma_wait3A_493 : memref<1x1x56160xf32, #tpu.memory_space<hbm>> -> memref<56160xf32, #tpu.memory_space<hbm>>
          tpu.wait_dma2 semaphore(%run_scoped3A : memref<!tpu.dma_semaphore, #tpu.memory_space<semaphore_mem>>) src(%dma_wait3A_494 : memref<56160xf32, #tpu.memory_space<hbm>>) dst(%arg9 : memref<56160xf32, #tpu.memory_space<vmem>>)
          tpu.yield
        }) : () -> ()
      } else {
      }
      %dma_wait3A = arith.constant 0 : i32
      %dma_wait3A_243 = arith.constant 0 : i32
      %dma_wait3A_244 = arith.constant 0 : i32
      %dma_wait3A_245 = tpu.memref_slice %arg5[%dma_wait3A, %dma_wait3A_243, %dma_wait3A_244] : memref<8x25x50176xf32, #tpu.memory_space<hbm>> -> memref<1x1x6272xf32, #tpu.memory_space<hbm>>
      %dma_wait3A_246 = tpu.memref_squeeze %dma_wait3A_245 : memref<1x1x6272xf32, #tpu.memory_space<hbm>> -> memref<6272xf32, #tpu.memory_space<hbm>>
      %dma_wait3A_247 = arith.constant 0 : i32
      %dma_wait3A_248 = tpu.memref_slice %arg5[%dma_wait3A, %dma_wait3A_243, %dma_wait3A_247] : memref<8x25x50176xf32, #tpu.memory_space<hbm>> -> memref<1x1x6272xf32, #tpu.memory_space<hbm>>
      %dma_wait3A_249 = tpu.memref_squeeze %dma_wait3A_248 : memref<1x1x6272xf32, #tpu.memory_space<hbm>> -> memref<6272xf32, #tpu.memory_space<hbm>>
      tpu.wait_dma2 semaphore(%arg21 : memref<!tpu.dma_semaphore, #tpu.memory_space<semaphore_mem>>) src(%dma_wait3A_249 : memref<6272xf32, #tpu.memory_space<hbm>>) dst(%arg11 : memref<6272xf32, #tpu.memory_space<vmem>>)
      %dma_wait3A_250 = arith.constant 0 : i32
      %dma_wait3A_251 = arith.constant 0 : i32
      %dma_wait3A_252 = arith.constant 0 : i32
      %dma_wait3A_253 = tpu.memref_slice %arg6[%dma_wait3A_250, %dma_wait3A_251, %dma_wait3A_252] : memref<8x25x50176xf32, #tpu.memory_space<hbm>> -> memref<1x1x6272xf32, #tpu.memory_space<hbm>>
      %dma_wait3A_254 = tpu.memref_squeeze %dma_wait3A_253 : memref<1x1x6272xf32, #tpu.memory_space<hbm>> -> memref<6272xf32, #tpu.memory_space<hbm>>
      %dma_wait3A_255 = arith.constant 0 : i32
      %dma_wait3A_256 = tpu.memref_slice %arg6[%dma_wait3A_250, %dma_wait3A_251, %dma_wait3A_255] : memref<8x25x50176xf32, #tpu.memory_space<hbm>> -> memref<1x1x6272xf32, #tpu.memory_space<hbm>>
      %dma_wait3A_257 = tpu.memref_squeeze %dma_wait3A_256 : memref<1x1x6272xf32, #tpu.memory_space<hbm>> -> memref<6272xf32, #tpu.memory_space<hbm>>
      tpu.wait_dma2 semaphore(%arg21 : memref<!tpu.dma_semaphore, #tpu.memory_space<semaphore_mem>>) src(%dma_wait3A_257 : memref<6272xf32, #tpu.memory_space<hbm>>) dst(%arg12 : memref<6272xf32, #tpu.memory_space<vmem>>)
      %dma_wait3A_258 = arith.constant 0 : i32
      %dma_wait3A_259 = arith.constant 0 : i32
      %dma_wait3A_260 = arith.constant 0 : i32
      %dma_wait3A_261 = tpu.memref_slice %arg7[%dma_wait3A_258, %dma_wait3A_259, %dma_wait3A_260] : memref<8x25x50176xf32, #tpu.memory_space<hbm>> -> memref<1x1x6272xf32, #tpu.memory_space<hbm>>
      %dma_wait3A_262 = tpu.memref_squeeze %dma_wait3A_261 : memref<1x1x6272xf32, #tpu.memory_space<hbm>> -> memref<6272xf32, #tpu.memory_space<hbm>>
      %dma_wait3A_263 = arith.constant 0 : i32
      %dma_wait3A_264 = tpu.memref_slice %arg7[%dma_wait3A_258, %dma_wait3A_259, %dma_wait3A_263] : memref<8x25x50176xf32, #tpu.memory_space<hbm>> -> memref<1x1x6272xf32, #tpu.memory_space<hbm>>
      %dma_wait3A_265 = tpu.memref_squeeze %dma_wait3A_264 : memref<1x1x6272xf32, #tpu.memory_space<hbm>> -> memref<6272xf32, #tpu.memory_space<hbm>>
      tpu.wait_dma2 semaphore(%arg21 : memref<!tpu.dma_semaphore, #tpu.memory_space<semaphore_mem>>) src(%dma_wait3A_265 : memref<6272xf32, #tpu.memory_space<hbm>>) dst(%arg13 : memref<6272xf32, #tpu.memory_space<vmem>>)
      %dma_wait3A_266 = arith.constant 0 : i32
      %dma_wait3A_267 = arith.constant 0 : i32
      %dma_wait3A_268 = arith.constant 0 : i32
      %dma_wait3A_269 = tpu.memref_slice %arg3[%dma_wait3A_266, %dma_wait3A_267, %dma_wait3A_268] : memref<8x5x50176xf32, #tpu.memory_space<hbm>> -> memref<1x1x6272xf32, #tpu.memory_space<hbm>>
      %dma_wait3A_270 = tpu.memref_squeeze %dma_wait3A_269 : memref<1x1x6272xf32, #tpu.memory_space<hbm>> -> memref<6272xf32, #tpu.memory_space<hbm>>
      %dma_wait3A_271 = arith.constant 0 : i32
      %dma_wait3A_272 = tpu.memref_slice %arg3[%dma_wait3A_266, %dma_wait3A_267, %dma_wait3A_271] : memref<8x5x50176xf32, #tpu.memory_space<hbm>> -> memref<1x1x6272xf32, #tpu.memory_space<hbm>>
      %dma_wait3A_273 = tpu.memref_squeeze %dma_wait3A_272 : memref<1x1x6272xf32, #tpu.memory_space<hbm>> -> memref<6272xf32, #tpu.memory_space<hbm>>
      tpu.wait_dma2 semaphore(%arg21 : memref<!tpu.dma_semaphore, #tpu.memory_space<semaphore_mem>>) src(%dma_wait3A_273 : memref<6272xf32, #tpu.memory_space<hbm>>) dst(%arg14 : memref<6272xf32, #tpu.memory_space<vmem>>)
      %dma_wait3A_274 = arith.constant 0 : i32
      %dma_wait3A_275 = arith.constant 0 : i32
      %dma_wait3A_276 = arith.constant 0 : i32
      %dma_wait3A_277 = tpu.memref_slice %arg4[%dma_wait3A_274, %dma_wait3A_275, %dma_wait3A_276] : memref<8x5x50176xf32, #tpu.memory_space<hbm>> -> memref<1x1x6272xf32, #tpu.memory_space<hbm>>
      %dma_wait3A_278 = tpu.memref_squeeze %dma_wait3A_277 : memref<1x1x6272xf32, #tpu.memory_space<hbm>> -> memref<6272xf32, #tpu.memory_space<hbm>>
      %dma_wait3A_279 = arith.constant 0 : i32
      %dma_wait3A_280 = tpu.memref_slice %arg4[%dma_wait3A_274, %dma_wait3A_275, %dma_wait3A_279] : memref<8x5x50176xf32, #tpu.memory_space<hbm>> -> memref<1x1x6272xf32, #tpu.memory_space<hbm>>
      %dma_wait3A_281 = tpu.memref_squeeze %dma_wait3A_280 : memref<1x1x6272xf32, #tpu.memory_space<hbm>> -> memref<6272xf32, #tpu.memory_space<hbm>>
      tpu.wait_dma2 semaphore(%arg21 : memref<!tpu.dma_semaphore, #tpu.memory_space<semaphore_mem>>) src(%dma_wait3A_281 : memref<6272xf32, #tpu.memory_space<hbm>>) dst(%arg15 : memref<6272xf32, #tpu.memory_space<vmem>>)
      %jit3A_282 = arith.constant 0 : i32
      %jit3A_283 = arith.constant 5 : i32
      %div3A_284 = arith.divsi %jit3A_282, %jit3A_283 : i32
      %sign3A_285 = arith.constant 0 : i32
      %sign3A_286 = arith.cmpi sgt, %jit3A_282, %sign3A_285 : i32
      %sign3A_287 = arith.extui %sign3A_286 : i1 to i32
      %sign3A_288 = arith.constant 0 : i32
      %sign3A_289 = arith.cmpi slt, %jit3A_282, %sign3A_288 : i32
      %sign3A_290 = arith.extui %sign3A_289 : i1 to i32
      %sign3A_291 = arith.subi %sign3A_287, %sign3A_290 : i32
      %sign3A_292 = arith.constant 0 : i32
      %sign3A_293 = arith.cmpi sgt, %jit3A_283, %sign3A_292 : i32
      %sign3A_294 = arith.extui %sign3A_293 : i1 to i32
      %sign3A_295 = arith.constant 0 : i32
      %sign3A_296 = arith.cmpi slt, %jit3A_283, %sign3A_295 : i32
      %sign3A_297 = arith.extui %sign3A_296 : i1 to i32
      %sign3A_298 = arith.subi %sign3A_294, %sign3A_297 : i32
      %ne3A_299 = arith.cmpi ne, %sign3A_291, %sign3A_298 : i32
      %rem3A_300 = arith.remsi %jit3A_282, %jit3A_283 : i32
      %ne3A_301 = arith.constant 0 : i32
      %ne3A_302 = arith.cmpi ne, %rem3A_300, %ne3A_301 : i32
      %and3A_303 = arith.andi %ne3A_299, %ne3A_302 : i1
      %sub3A_304 = arith.constant 1 : i32
      %sub3A_305 = arith.subi %div3A_284, %sub3A_304 : i32
      %select_n3A_306 = arith.select %and3A_303, %sub3A_305, %div3A_284 : i32
      %add3A_307 = arith.addi %mul3A_92, %select_n3A_306 : i32
      %add3A_308 = arith.constant 4 : i32
      %add3A_309 = arith.addi %add3A_307, %add3A_308 : i32
      %jit3A_310 = arith.constant 0 : i32
      %jit3A_311 = arith.constant 5 : i32
      %eq3A_312 = arith.constant 0 : i32
      %eq3A_313 = arith.cmpi eq, %jit3A_311, %eq3A_312 : i32
      %jit3A_314 = arith.constant 1 : i32
      %select_n3A_315 = arith.select %eq3A_313, %jit3A_314, %jit3A_311 : i32
      %rem3A_316 = arith.remsi %jit3A_310, %select_n3A_315 : i32
      %ne3A_317 = arith.constant 0 : i32
      %ne3A_318 = arith.cmpi ne, %rem3A_316, %ne3A_317 : i32
      %lt3A_319 = arith.constant 0 : i32
      %lt3A_320 = arith.cmpi slt, %rem3A_316, %lt3A_319 : i32
      %lt3A_321 = arith.constant 0 : i32
      %lt3A_322 = arith.cmpi slt, %select_n3A_315, %lt3A_321 : i32
      %ne3A_323 = arith.xori %lt3A_320, %lt3A_322 : i1
      %and3A_324 = arith.andi %ne3A_323, %ne3A_318 : i1
      %add3A_325 = arith.addi %rem3A_316, %select_n3A_315 : i32
      %select_n3A_326 = arith.select %and3A_324, %add3A_325, %rem3A_316 : i32
      %add3A_327 = arith.constant 4 : i32
      %add3A_328 = arith.addi %select_n3A_326, %add3A_327 : i32
      %convert_element_type3A_329 = arith.sitofp %add3A_328 : i32 to f32
      %parallel_loop3A = arith.constant 0 : i32
      %parallel_loop3A_330 = arith.constant 392 : i32
      %parallel_loop3A_331 = arith.constant 1 : i32
      scf.for %parallel_loop3A_483 = %parallel_loop3A to %parallel_loop3A_330 step %parallel_loop3A_331  : i32 {
        %parallel_loop3A_484 = arith.constant 16 : i32
        %parallel_loop3A_485 = arith.muli %parallel_loop3A_483, %parallel_loop3A_484 : i32
        %parallel_loop3A_486 = arith.constant 14 : i32
        %parallel_loop3A_487 = arith.divsi %parallel_loop3A_483, %parallel_loop3A_486 : i32
        %parallel_loop3A_488 = arith.constant 0 : i32
        %parallel_loop3A_489 = arith.cmpi sgt, %parallel_loop3A_483, %parallel_loop3A_488 : i32
        %parallel_loop3A_490 = arith.extui %parallel_loop3A_489 : i1 to i32
        %parallel_loop3A_491 = arith.constant 0 : i32
        %parallel_loop3A_492 = arith.cmpi slt, %parallel_loop3A_483, %parallel_loop3A_491 : i32
        %parallel_loop3A_493 = arith.extui %parallel_loop3A_492 : i1 to i32
        %parallel_loop3A_494 = arith.subi %parallel_loop3A_490, %parallel_loop3A_493 : i32
        %parallel_loop3A_495 = arith.constant 0 : i32
        %parallel_loop3A_496 = arith.cmpi sgt, %parallel_loop3A_486, %parallel_loop3A_495 : i32
        %parallel_loop3A_497 = arith.extui %parallel_loop3A_496 : i1 to i32
        %parallel_loop3A_498 = arith.constant 0 : i32
        %parallel_loop3A_499 = arith.cmpi slt, %parallel_loop3A_486, %parallel_loop3A_498 : i32
        %parallel_loop3A_500 = arith.extui %parallel_loop3A_499 : i1 to i32
        %parallel_loop3A_501 = arith.subi %parallel_loop3A_497, %parallel_loop3A_500 : i32
        %parallel_loop3A_502 = arith.cmpi ne, %parallel_loop3A_494, %parallel_loop3A_501 : i32
        %parallel_loop3A_503 = arith.remsi %parallel_loop3A_483, %parallel_loop3A_486 : i32
        %parallel_loop3A_504 = arith.constant 0 : i32
        %parallel_loop3A_505 = arith.cmpi ne, %parallel_loop3A_503, %parallel_loop3A_504 : i32
        %parallel_loop3A_506 = arith.andi %parallel_loop3A_502, %parallel_loop3A_505 : i1
        %parallel_loop3A_507 = arith.constant 1 : i32
        %parallel_loop3A_508 = arith.subi %parallel_loop3A_487, %parallel_loop3A_507 : i32
        %parallel_loop3A_509 = arith.select %parallel_loop3A_506, %parallel_loop3A_508, %parallel_loop3A_487 : i32
        %parallel_loop3A_510 = arith.addi %add3A_309, %parallel_loop3A_509 : i32
        %parallel_loop3A_511 = arith.sitofp %parallel_loop3A_510 : i32 to f32
        %parallel_loop3A_512 = arith.constant 14 : i32
        %parallel_loop3A_513 = arith.constant 0 : i32
        %parallel_loop3A_514 = arith.cmpi eq, %parallel_loop3A_512, %parallel_loop3A_513 : i32
        %parallel_loop3A_515 = arith.constant 1 : i32
        %parallel_loop3A_516 = arith.select %parallel_loop3A_514, %parallel_loop3A_515, %parallel_loop3A_512 : i32
        %parallel_loop3A_517 = arith.remsi %parallel_loop3A_483, %parallel_loop3A_516 : i32
        %parallel_loop3A_518 = arith.constant 0 : i32
        %parallel_loop3A_519 = arith.cmpi ne, %parallel_loop3A_517, %parallel_loop3A_518 : i32
        %parallel_loop3A_520 = arith.constant 0 : i32
        %parallel_loop3A_521 = arith.cmpi slt, %parallel_loop3A_517, %parallel_loop3A_520 : i32
        %parallel_loop3A_522 = arith.constant 0 : i32
        %parallel_loop3A_523 = arith.cmpi slt, %parallel_loop3A_516, %parallel_loop3A_522 : i32
        %parallel_loop3A_524 = arith.xori %parallel_loop3A_521, %parallel_loop3A_523 : i1
        %parallel_loop3A_525 = arith.andi %parallel_loop3A_524, %parallel_loop3A_519 : i1
        %parallel_loop3A_526 = arith.addi %parallel_loop3A_517, %parallel_loop3A_516 : i32
        %parallel_loop3A_527 = arith.select %parallel_loop3A_525, %parallel_loop3A_526, %parallel_loop3A_517 : i32
        %parallel_loop3A_528 = arith.constant 16 : i32
        %parallel_loop3A_529 = arith.muli %parallel_loop3A_527, %parallel_loop3A_528 : i32
        %parallel_loop3A_530 = arith.sitofp %parallel_loop3A_529 : i32 to f32
        %parallel_loop3A_531 = arith.addf %parallel_loop3A_530, %convert_element_type3A_329 : f32
        %parallel_loop3A_532 = arith.index_cast %parallel_loop3A_485 : i32 to index
        %parallel_loop3A_533 = tpu.vector_load %arg12[%parallel_loop3A_532] {strides = array<i32>} : memref<6272xf32, #tpu.memory_space<vmem>>, vector<16xf32>,
        %parallel_loop3A_534 = vector.broadcast %parallel_loop3A_511 : f32 to vector<16xf32>
        %parallel_loop3A_535 = arith.addf %parallel_loop3A_533, %parallel_loop3A_534 : vector<16xf32>
        %parallel_loop3A_536 = arith.index_cast %parallel_loop3A_485 : i32 to index
        %parallel_loop3A_537 = tpu.vector_load %arg11[%parallel_loop3A_536] {strides = array<i32>} : memref<6272xf32, #tpu.memory_space<vmem>>, vector<16xf32>,
        %parallel_loop3A_538 = vector.broadcast %parallel_loop3A_531 : f32 to vector<16xf32>
        %parallel_loop3A_539 = arith.addf %parallel_loop3A_537, %parallel_loop3A_538 : vector<16xf32>
        %parallel_loop3A_540 = arith.addf %parallel_loop3A_539, %convert_element_type3A : vector<16xf32>
        %parallel_loop3A_541 = arith.constant 2.000000e+00 : f32
        %parallel_loop3A_542 = arith.constant 2.329000e+02 : f32
        %parallel_loop3A_543 = vector.broadcast %parallel_loop3A_541 : f32 to vector<16xf32>
        %parallel_loop3A_544 = arith.maximumf %parallel_loop3A_543, %parallel_loop3A_535 : vector<16xf32>
        %parallel_loop3A_545 = vector.broadcast %parallel_loop3A_542 : f32 to vector<16xf32>
        %parallel_loop3A_546 = arith.minimumf %parallel_loop3A_545, %parallel_loop3A_544 : vector<16xf32>
        %parallel_loop3A_547 = arith.constant 2.000000e+00 : f32
        %parallel_loop3A_548 = arith.constant 2.329000e+02 : f32
        %parallel_loop3A_549 = vector.broadcast %parallel_loop3A_547 : f32 to vector<16xf32>
        %parallel_loop3A_550 = arith.maximumf %parallel_loop3A_549, %parallel_loop3A_540 : vector<16xf32>
        %parallel_loop3A_551 = vector.broadcast %parallel_loop3A_548 : f32 to vector<16xf32>
        %parallel_loop3A_552 = arith.minimumf %parallel_loop3A_551, %parallel_loop3A_550 : vector<16xf32>
        %parallel_loop3A_553 = arith.fptosi %parallel_loop3A_546 : vector<16xf32> to vector<16xi32>
        %parallel_loop3A_554 = arith.fptosi %parallel_loop3A_552 : vector<16xf32> to vector<16xi32>
        %parallel_loop3A_555 = arith.sitofp %parallel_loop3A_553 : vector<16xi32> to vector<16xf32>
        %parallel_loop3A_556 = arith.subf %parallel_loop3A_546, %parallel_loop3A_555 : vector<16xf32>
        %parallel_loop3A_557 = arith.sitofp %parallel_loop3A_554 : vector<16xi32> to vector<16xf32>
        %parallel_loop3A_558 = arith.subf %parallel_loop3A_552, %parallel_loop3A_557 : vector<16xf32>
        %parallel_loop3A_559 = arith.constant 240 : i32
        %parallel_loop3A_560 = vector.broadcast %parallel_loop3A_559 : i32 to vector<16xi32>
        %parallel_loop3A_561 = arith.muli %parallel_loop3A_553, %parallel_loop3A_560 : vector<16xi32>
        %parallel_loop3A_562 = arith.constant -476 : i32
        %parallel_loop3A_563 = vector.broadcast %parallel_loop3A_562 : i32 to vector<16xi32>
        %parallel_loop3A_564 = arith.addi %parallel_loop3A_554, %parallel_loop3A_563 : vector<16xi32>
        %parallel_loop3A_565 = arith.addi %parallel_loop3A_561, %parallel_loop3A_564 : vector<16xi32>
        %parallel_loop3A_566 = arith.constant 240 : i32
        %parallel_loop3A_567 = vector.broadcast %parallel_loop3A_566 : i32 to vector<16xi32>
        %parallel_loop3A_568 = arith.addi %parallel_loop3A_565, %parallel_loop3A_567 : vector<16xi32>
        %parallel_loop3A_569 = tpu.vector_load_idx %arg9[%parallel_loop3A_565] : memref<56160xf32, #tpu.memory_space<vmem>>[vector<16xi32>], vector<16xf32>,
        %parallel_loop3A_570 = arith.constant 1 : i32
        %parallel_loop3A_571 = vector.broadcast %parallel_loop3A_570 : i32 to vector<16xi32>
        %parallel_loop3A_572 = arith.addi %parallel_loop3A_565, %parallel_loop3A_571 : vector<16xi32>
        %parallel_loop3A_573 = tpu.vector_load_idx %arg9[%parallel_loop3A_572] : memref<56160xf32, #tpu.memory_space<vmem>>[vector<16xi32>], vector<16xf32>,
        %parallel_loop3A_574 = tpu.vector_load_idx %arg9[%parallel_loop3A_568] : memref<56160xf32, #tpu.memory_space<vmem>>[vector<16xi32>], vector<16xf32>,
        %parallel_loop3A_575 = arith.constant 1 : i32
        %parallel_loop3A_576 = vector.broadcast %parallel_loop3A_575 : i32 to vector<16xi32>
        %parallel_loop3A_577 = arith.addi %parallel_loop3A_568, %parallel_loop3A_576 : vector<16xi32>
        %parallel_loop3A_578 = tpu.vector_load_idx %arg9[%parallel_loop3A_577] : memref<56160xf32, #tpu.memory_space<vmem>>[vector<16xi32>], vector<16xf32>,
        %parallel_loop3A_579 = arith.constant 1.000000e+00 : f32
        %parallel_loop3A_580 = vector.broadcast %parallel_loop3A_579 : f32 to vector<16xf32>
        %parallel_loop3A_581 = arith.subf %parallel_loop3A_580, %parallel_loop3A_556 : vector<16xf32>
        %parallel_loop3A_582 = arith.constant 1.000000e+00 : f32
        %parallel_loop3A_583 = vector.broadcast %parallel_loop3A_582 : f32 to vector<16xf32>
        %parallel_loop3A_584 = arith.subf %parallel_loop3A_583, %parallel_loop3A_558 : vector<16xf32>
        %parallel_loop3A_585 = arith.mulf %parallel_loop3A_584, %parallel_loop3A_569 : vector<16xf32>
        %parallel_loop3A_586 = arith.mulf %parallel_loop3A_558, %parallel_loop3A_573 : vector<16xf32>
        %parallel_loop3A_587 = arith.addf %parallel_loop3A_585, %parallel_loop3A_586 : vector<16xf32>
        %parallel_loop3A_588 = arith.mulf %parallel_loop3A_581, %parallel_loop3A_587 : vector<16xf32>
        %parallel_loop3A_589 = arith.mulf %parallel_loop3A_584, %parallel_loop3A_574 : vector<16xf32>
        %parallel_loop3A_590 = arith.mulf %parallel_loop3A_558, %parallel_loop3A_578 : vector<16xf32>
        %parallel_loop3A_591 = arith.addf %parallel_loop3A_589, %parallel_loop3A_590 : vector<16xf32>
        %parallel_loop3A_592 = arith.mulf %parallel_loop3A_556, %parallel_loop3A_591 : vector<16xf32>
        %parallel_loop3A_593 = arith.addf %parallel_loop3A_588, %parallel_loop3A_592 : vector<16xf32>
        %parallel_loop3A_594 = arith.index_cast %parallel_loop3A_485 : i32 to index
        %parallel_loop3A_595 = tpu.vector_load %arg14[%parallel_loop3A_594] {strides = array<i32>} : memref<6272xf32, #tpu.memory_space<vmem>>, vector<16xf32>,
        %parallel_loop3A_596 = arith.index_cast %parallel_loop3A_485 : i32 to index
        %parallel_loop3A_597 = tpu.vector_load %arg15[%parallel_loop3A_596] {strides = array<i32>} : memref<6272xf32, #tpu.memory_space<vmem>>, vector<16xf32>,
        %parallel_loop3A_598 = arith.mulf %parallel_loop3A_595, %parallel_loop3A_597 : vector<16xf32>
        %parallel_loop3A_599 = arith.index_cast %parallel_loop3A_485 : i32 to index
        %parallel_loop3A_600 = tpu.vector_load %arg13[%parallel_loop3A_599] {strides = array<i32>} : memref<6272xf32, #tpu.memory_space<vmem>>, vector<16xf32>,
        %parallel_loop3A_601 = arith.mulf %parallel_loop3A_598, %parallel_loop3A_600 : vector<16xf32>
        %parallel_loop3A_602 = arith.mulf %parallel_loop3A_593, %parallel_loop3A_601 : vector<16xf32>
        %parallel_loop3A_603 = arith.index_cast %parallel_loop3A_485 : i32 to index
        %parallel_loop3A_604 = tpu.vector_load %arg10[%parallel_loop3A_603] {strides = array<i32>} : memref<6272xf32, #tpu.memory_space<vmem>>, vector<16xf32>,
        tpu.vector_store %arg10[%parallel_loop3A_603], %parallel_loop3A_602 {strides = array<i32>} : memref<6272xf32, #tpu.memory_space<vmem>>, vector<16xf32>,
      } {sc.loop_unroll_factor = 2 : i64, sc.parallel_access}
      %min3A_332 = arith.constant 2 : i32
      %min3A_333 = arith.constant 24 : i32
      %min3A_334 = arith.minsi %min3A_332, %min3A_333 : i32
      %jit3A_335 = arith.constant 5 : i32
      %div3A_336 = arith.divsi %min3A_334, %jit3A_335 : i32
      %sign3A_337 = arith.constant 0 : i32
      %sign3A_338 = arith.cmpi sgt, %min3A_334, %sign3A_337 : i32
      %sign3A_339 = arith.extui %sign3A_338 : i1 to i32
      %sign3A_340 = arith.constant 0 : i32
      %sign3A_341 = arith.cmpi slt, %min3A_334, %sign3A_340 : i32
      %sign3A_342 = arith.extui %sign3A_341 : i1 to i32
      %sign3A_343 = arith.subi %sign3A_339, %sign3A_342 : i32
      %sign3A_344 = arith.constant 0 : i32
      %sign3A_345 = arith.cmpi sgt, %jit3A_335, %sign3A_344 : i32
      %sign3A_346 = arith.extui %sign3A_345 : i1 to i32
      %sign3A_347 = arith.constant 0 : i32
      %sign3A_348 = arith.cmpi slt, %jit3A_335, %sign3A_347 : i32
      %sign3A_349 = arith.extui %sign3A_348 : i1 to i32
      %sign3A_350 = arith.subi %sign3A_346, %sign3A_349 : i32
      %ne3A_351 = arith.cmpi ne, %sign3A_343, %sign3A_350 : i32
      %rem3A_352 = arith.remsi %min3A_334, %jit3A_335 : i32
      %ne3A_353 = arith.constant 0 : i32
      %ne3A_354 = arith.cmpi ne, %rem3A_352, %ne3A_353 : i32
      %and3A_355 = arith.andi %ne3A_351, %ne3A_354 : i1
      %sub3A_356 = arith.constant 1 : i32
      %sub3A_357 = arith.subi %div3A_336, %sub3A_356 : i32
      %select_n3A_358 = arith.select %and3A_355, %sub3A_357, %div3A_336 : i32
      %jit3A_359 = arith.constant 5 : i32
      %eq3A_360 = arith.constant 0 : i32
      %eq3A_361 = arith.cmpi eq, %jit3A_359, %eq3A_360 : i32
      %jit3A_362 = arith.constant 1 : i32
      %select_n3A_363 = arith.select %eq3A_361, %jit3A_362, %jit3A_359 : i32
      %rem3A_364 = arith.remsi %min3A_334, %select_n3A_363 : i32
      %ne3A_365 = arith.constant 0 : i32
      %ne3A_366 = arith.cmpi ne, %rem3A_364, %ne3A_365 : i32
      %lt3A_367 = arith.constant 0 : i32
      %lt3A_368 = arith.cmpi slt, %rem3A_364, %lt3A_367 : i32
      %lt3A_369 = arith.constant 0 : i32
      %lt3A_370 = arith.cmpi slt, %select_n3A_363, %lt3A_369 : i32
      %ne3A_371 = arith.xori %lt3A_368, %lt3A_370 : i1
      %and3A_372 = arith.andi %ne3A_371, %ne3A_366 : i1
      %add3A_373 = arith.addi %rem3A_364, %select_n3A_363 : i32
      %select_n3A_374 = arith.select %and3A_372, %add3A_373, %rem3A_364 : i32
      %dma_start3A_375 = tpu.memref_slice %arg5[%select_n3A_74, %min3A_334, %mul3A_94] : memref<8x25x50176xf32, #tpu.memory_space<hbm>> -> memref<1x1x6272xf32, #tpu.memory_space<hbm>>
      %dma_start3A_376 = tpu.memref_squeeze %dma_start3A_375 : memref<1x1x6272xf32, #tpu.memory_space<hbm>> -> memref<6272xf32, #tpu.memory_space<hbm>>
      %dma_start3A_377 = tpu.memref_slice %arg5[%select_n3A_74, %min3A_334, %mul3A_94] : memref<8x25x50176xf32, #tpu.memory_space<hbm>> -> memref<1x1x6272xf32, #tpu.memory_space<hbm>>
      %dma_start3A_378 = tpu.memref_squeeze %dma_start3A_377 : memref<1x1x6272xf32, #tpu.memory_space<hbm>> -> memref<6272xf32, #tpu.memory_space<hbm>>
      tpu.enqueue_dma source(%dma_start3A_378 : memref<6272xf32, #tpu.memory_space<hbm>>) target(%arg11 : memref<6272xf32, #tpu.memory_space<vmem>>) target_semaphore(%arg21 : memref<!tpu.dma_semaphore, #tpu.memory_space<semaphore_mem>>)
      %dma_start3A_379 = tpu.memref_slice %arg6[%select_n3A_74, %min3A_334, %mul3A_94] : memref<8x25x50176xf32, #tpu.memory_space<hbm>> -> memref<1x1x6272xf32, #tpu.memory_space<hbm>>
      %dma_start3A_380 = tpu.memref_squeeze %dma_start3A_379 : memref<1x1x6272xf32, #tpu.memory_space<hbm>> -> memref<6272xf32, #tpu.memory_space<hbm>>
      %dma_start3A_381 = tpu.memref_slice %arg6[%select_n3A_74, %min3A_334, %mul3A_94] : memref<8x25x50176xf32, #tpu.memory_space<hbm>> -> memref<1x1x6272xf32, #tpu.memory_space<hbm>>
      %dma_start3A_382 = tpu.memref_squeeze %dma_start3A_381 : memref<1x1x6272xf32, #tpu.memory_space<hbm>> -> memref<6272xf32, #tpu.memory_space<hbm>>
      tpu.enqueue_dma source(%dma_start3A_382 : memref<6272xf32, #tpu.memory_space<hbm>>) target(%arg12 : memref<6272xf32, #tpu.memory_space<vmem>>) target_semaphore(%arg21 : memref<!tpu.dma_semaphore, #tpu.memory_space<semaphore_mem>>)
      %dma_start3A_383 = tpu.memref_slice %arg7[%select_n3A_74, %min3A_334, %mul3A_94] : memref<8x25x50176xf32, #tpu.memory_space<hbm>> -> memref<1x1x6272xf32, #tpu.memory_space<hbm>>
      %dma_start3A_384 = tpu.memref_squeeze %dma_start3A_383 : memref<1x1x6272xf32, #tpu.memory_space<hbm>> -> memref<6272xf32, #tpu.memory_space<hbm>>
      %dma_start3A_385 = tpu.memref_slice %arg7[%select_n3A_74, %min3A_334, %mul3A_94] : memref<8x25x50176xf32, #tpu.memory_space<hbm>> -> memref<1x1x6272xf32, #tpu.memory_space<hbm>>
      %dma_start3A_386 = tpu.memref_squeeze %dma_start3A_385 : memref<1x1x6272xf32, #tpu.memory_space<hbm>> -> memref<6272xf32, #tpu.memory_space<hbm>>
      tpu.enqueue_dma source(%dma_start3A_386 : memref<6272xf32, #tpu.memory_space<hbm>>) target(%arg13 : memref<6272xf32, #tpu.memory_space<vmem>>) target_semaphore(%arg21 : memref<!tpu.dma_semaphore, #tpu.memory_space<semaphore_mem>>)
      %dma_start3A_387 = tpu.memref_slice %arg3[%select_n3A_74, %select_n3A_358, %mul3A_94] : memref<8x5x50176xf32, #tpu.memory_space<hbm>> -> memref<1x1x6272xf32, #tpu.memory_space<hbm>>
      %dma_start3A_388 = tpu.memref_squeeze %dma_start3A_387 : memref<1x1x6272xf32, #tpu.memory_space<hbm>> -> memref<6272xf32, #tpu.memory_space<hbm>>
      %dma_start3A_389 = tpu.memref_slice %arg3[%select_n3A_74, %select_n3A_358, %mul3A_94] : memref<8x5x50176xf32, #tpu.memory_space<hbm>> -> memref<1x1x6272xf32, #tpu.memory_space<hbm>>
      %dma_start3A_390 = tpu.memref_squeeze %dma_start3A_389 : memref<1x1x6272xf32, #tpu.memory_space<hbm>> -> memref<6272xf32, #tpu.memory_space<hbm>>
      tpu.enqueue_dma source(%dma_start3A_390 : memref<6272xf32, #tpu.memory_space<hbm>>) target(%arg14 : memref<6272xf32, #tpu.memory_space<vmem>>) target_semaphore(%arg21 : memref<!tpu.dma_semaphore, #tpu.memory_space<semaphore_mem>>)
      %dma_start3A_391 = tpu.memref_slice %arg4[%select_n3A_74, %select_n3A_374, %mul3A_94] : memref<8x5x50176xf32, #tpu.memory_space<hbm>> -> memref<1x1x6272xf32, #tpu.memory_space<hbm>>
      %dma_start3A_392 = tpu.memref_squeeze %dma_start3A_391 : memref<1x1x6272xf32, #tpu.memory_space<hbm>> -> memref<6272xf32, #tpu.memory_space<hbm>>
      %dma_start3A_393 = tpu.memref_slice %arg4[%select_n3A_74, %select_n3A_374, %mul3A_94] : memref<8x5x50176xf32, #tpu.memory_space<hbm>> -> memref<1x1x6272xf32, #tpu.memory_space<hbm>>
      %dma_start3A_394 = tpu.memref_squeeze %dma_start3A_393 : memref<1x1x6272xf32, #tpu.memory_space<hbm>> -> memref<6272xf32, #tpu.memory_space<hbm>>
      tpu.enqueue_dma source(%dma_start3A_394 : memref<6272xf32, #tpu.memory_space<hbm>>) target(%arg15 : memref<6272xf32, #tpu.memory_space<vmem>>) target_semaphore(%arg21 : memref<!tpu.dma_semaphore, #tpu.memory_space<semaphore_mem>>)
      %scan3A_395 = arith.constant 0 : i32
      %scan3A_396 = arith.constant 0 : i32
      %scan3A_397 = arith.constant 12 : i32
      %scan3A_398 = arith.addi %scan3A_396, %scan3A_397 : i32
      %scan3A_399 = arith.constant 1 : i32
      %scan3A_400 = scf.for %scan3A_483 = %scan3A_396 to %scan3A_398 step %scan3A_399 iter_args(%scan3A_484 = %scan3A_395) -> (i32)  : i32 {
        %mul3A_485 = arith.constant 2 : i32
        %mul3A_486 = arith.muli %mul3A_485, %scan3A_483 : i32
        %add3A_487 = arith.constant 1 : i32
        %add3A_488 = arith.addi %mul3A_486, %add3A_487 : i32
        %dma_wait3A_489 = arith.constant 0 : i32
        %dma_wait3A_490 = arith.constant 0 : i32
        %dma_wait3A_491 = arith.constant 0 : i32
        %dma_wait3A_492 = tpu.memref_slice %arg5[%dma_wait3A_489, %dma_wait3A_490, %dma_wait3A_491] : memref<8x25x50176xf32, #tpu.memory_space<hbm>> -> memref<1x1x6272xf32, #tpu.memory_space<hbm>>
        %dma_wait3A_493 = tpu.memref_squeeze %dma_wait3A_492 : memref<1x1x6272xf32, #tpu.memory_space<hbm>> -> memref<6272xf32, #tpu.memory_space<hbm>>
        %dma_wait3A_494 = arith.constant 0 : i32
        %dma_wait3A_495 = tpu.memref_slice %arg5[%dma_wait3A_489, %dma_wait3A_490, %dma_wait3A_494] : memref<8x25x50176xf32, #tpu.memory_space<hbm>> -> memref<1x1x6272xf32, #tpu.memory_space<hbm>>
        %dma_wait3A_496 = tpu.memref_squeeze %dma_wait3A_495 : memref<1x1x6272xf32, #tpu.memory_space<hbm>> -> memref<6272xf32, #tpu.memory_space<hbm>>
        tpu.wait_dma2 semaphore(%arg22 : memref<!tpu.dma_semaphore, #tpu.memory_space<semaphore_mem>>) src(%dma_wait3A_496 : memref<6272xf32, #tpu.memory_space<hbm>>) dst(%arg16 : memref<6272xf32, #tpu.memory_space<vmem>>)
        %dma_wait3A_497 = arith.constant 0 : i32
        %dma_wait3A_498 = arith.constant 0 : i32
        %dma_wait3A_499 = arith.constant 0 : i32
        %dma_wait3A_500 = tpu.memref_slice %arg6[%dma_wait3A_497, %dma_wait3A_498, %dma_wait3A_499] : memref<8x25x50176xf32, #tpu.memory_space<hbm>> -> memref<1x1x6272xf32, #tpu.memory_space<hbm>>
        %dma_wait3A_501 = tpu.memref_squeeze %dma_wait3A_500 : memref<1x1x6272xf32, #tpu.memory_space<hbm>> -> memref<6272xf32, #tpu.memory_space<hbm>>
        %dma_wait3A_502 = arith.constant 0 : i32
        %dma_wait3A_503 = tpu.memref_slice %arg6[%dma_wait3A_497, %dma_wait3A_498, %dma_wait3A_502] : memref<8x25x50176xf32, #tpu.memory_space<hbm>> -> memref<1x1x6272xf32, #tpu.memory_space<hbm>>
        %dma_wait3A_504 = tpu.memref_squeeze %dma_wait3A_503 : memref<1x1x6272xf32, #tpu.memory_space<hbm>> -> memref<6272xf32, #tpu.memory_space<hbm>>
        tpu.wait_dma2 semaphore(%arg22 : memref<!tpu.dma_semaphore, #tpu.memory_space<semaphore_mem>>) src(%dma_wait3A_504 : memref<6272xf32, #tpu.memory_space<hbm>>) dst(%arg17 : memref<6272xf32, #tpu.memory_space<vmem>>)
        %dma_wait3A_505 = arith.constant 0 : i32
        %dma_wait3A_506 = arith.constant 0 : i32
        %dma_wait3A_507 = arith.constant 0 : i32
        %dma_wait3A_508 = tpu.memref_slice %arg7[%dma_wait3A_505, %dma_wait3A_506, %dma_wait3A_507] : memref<8x25x50176xf32, #tpu.memory_space<hbm>> -> memref<1x1x6272xf32, #tpu.memory_space<hbm>>
        %dma_wait3A_509 = tpu.memref_squeeze %dma_wait3A_508 : memref<1x1x6272xf32, #tpu.memory_space<hbm>> -> memref<6272xf32, #tpu.memory_space<hbm>>
        %dma_wait3A_510 = arith.constant 0 : i32
        %dma_wait3A_511 = tpu.memref_slice %arg7[%dma_wait3A_505, %dma_wait3A_506, %dma_wait3A_510] : memref<8x25x50176xf32, #tpu.memory_space<hbm>> -> memref<1x1x6272xf32, #tpu.memory_space<hbm>>
        %dma_wait3A_512 = tpu.memref_squeeze %dma_wait3A_511 : memref<1x1x6272xf32, #tpu.memory_space<hbm>> -> memref<6272xf32, #tpu.memory_space<hbm>>
        tpu.wait_dma2 semaphore(%arg22 : memref<!tpu.dma_semaphore, #tpu.memory_space<semaphore_mem>>) src(%dma_wait3A_512 : memref<6272xf32, #tpu.memory_space<hbm>>) dst(%arg18 : memref<6272xf32, #tpu.memory_space<vmem>>)
        %dma_wait3A_513 = arith.constant 0 : i32
        %dma_wait3A_514 = arith.constant 0 : i32
        %dma_wait3A_515 = arith.constant 0 : i32
        %dma_wait3A_516 = tpu.memref_slice %arg3[%dma_wait3A_513, %dma_wait3A_514, %dma_wait3A_515] : memref<8x5x50176xf32, #tpu.memory_space<hbm>> -> memref<1x1x6272xf32, #tpu.memory_space<hbm>>
        %dma_wait3A_517 = tpu.memref_squeeze %dma_wait3A_516 : memref<1x1x6272xf32, #tpu.memory_space<hbm>> -> memref<6272xf32, #tpu.memory_space<hbm>>
        %dma_wait3A_518 = arith.constant 0 : i32
        %dma_wait3A_519 = tpu.memref_slice %arg3[%dma_wait3A_513, %dma_wait3A_514, %dma_wait3A_518] : memref<8x5x50176xf32, #tpu.memory_space<hbm>> -> memref<1x1x6272xf32, #tpu.memory_space<hbm>>
        %dma_wait3A_520 = tpu.memref_squeeze %dma_wait3A_519 : memref<1x1x6272xf32, #tpu.memory_space<hbm>> -> memref<6272xf32, #tpu.memory_space<hbm>>
        tpu.wait_dma2 semaphore(%arg22 : memref<!tpu.dma_semaphore, #tpu.memory_space<semaphore_mem>>) src(%dma_wait3A_520 : memref<6272xf32, #tpu.memory_space<hbm>>) dst(%arg19 : memref<6272xf32, #tpu.memory_space<vmem>>)
        %dma_wait3A_521 = arith.constant 0 : i32
        %dma_wait3A_522 = arith.constant 0 : i32
        %dma_wait3A_523 = arith.constant 0 : i32
        %dma_wait3A_524 = tpu.memref_slice %arg4[%dma_wait3A_521, %dma_wait3A_522, %dma_wait3A_523] : memref<8x5x50176xf32, #tpu.memory_space<hbm>> -> memref<1x1x6272xf32, #tpu.memory_space<hbm>>
        %dma_wait3A_525 = tpu.memref_squeeze %dma_wait3A_524 : memref<1x1x6272xf32, #tpu.memory_space<hbm>> -> memref<6272xf32, #tpu.memory_space<hbm>>
        %dma_wait3A_526 = arith.constant 0 : i32
        %dma_wait3A_527 = tpu.memref_slice %arg4[%dma_wait3A_521, %dma_wait3A_522, %dma_wait3A_526] : memref<8x5x50176xf32, #tpu.memory_space<hbm>> -> memref<1x1x6272xf32, #tpu.memory_space<hbm>>
        %dma_wait3A_528 = tpu.memref_squeeze %dma_wait3A_527 : memref<1x1x6272xf32, #tpu.memory_space<hbm>> -> memref<6272xf32, #tpu.memory_space<hbm>>
        tpu.wait_dma2 semaphore(%arg22 : memref<!tpu.dma_semaphore, #tpu.memory_space<semaphore_mem>>) src(%dma_wait3A_528 : memref<6272xf32, #tpu.memory_space<hbm>>) dst(%arg20 : memref<6272xf32, #tpu.memory_space<vmem>>)
        %jit3A_529 = arith.constant 5 : i32
        %div3A_530 = arith.divsi %add3A_488, %jit3A_529 : i32
        %sign3A_531 = arith.constant 0 : i32
        %sign3A_532 = arith.cmpi sgt, %add3A_488, %sign3A_531 : i32
        %sign3A_533 = arith.extui %sign3A_532 : i1 to i32
        %sign3A_534 = arith.constant 0 : i32
        %sign3A_535 = arith.cmpi slt, %add3A_488, %sign3A_534 : i32
        %sign3A_536 = arith.extui %sign3A_535 : i1 to i32
        %sign3A_537 = arith.subi %sign3A_533, %sign3A_536 : i32
        %sign3A_538 = arith.constant 0 : i32
        %sign3A_539 = arith.cmpi sgt, %jit3A_529, %sign3A_538 : i32
        %sign3A_540 = arith.extui %sign3A_539 : i1 to i32
        %sign3A_541 = arith.constant 0 : i32
        %sign3A_542 = arith.cmpi slt, %jit3A_529, %sign3A_541 : i32
        %sign3A_543 = arith.extui %sign3A_542 : i1 to i32
        %sign3A_544 = arith.subi %sign3A_540, %sign3A_543 : i32
        %ne3A_545 = arith.cmpi ne, %sign3A_537, %sign3A_544 : i32
        %rem3A_546 = arith.remsi %add3A_488, %jit3A_529 : i32
        %ne3A_547 = arith.constant 0 : i32
        %ne3A_548 = arith.cmpi ne, %rem3A_546, %ne3A_547 : i32
        %and3A_549 = arith.andi %ne3A_545, %ne3A_548 : i1
        %sub3A_550 = arith.constant 1 : i32
        %sub3A_551 = arith.subi %div3A_530, %sub3A_550 : i32
        %select_n3A_552 = arith.select %and3A_549, %sub3A_551, %div3A_530 : i32
        %add3A_553 = arith.addi %mul3A_92, %select_n3A_552 : i32
        %add3A_554 = arith.constant 4 : i32
        %add3A_555 = arith.addi %add3A_553, %add3A_554 : i32
        %jit3A_556 = arith.constant 5 : i32
        %eq3A_557 = arith.constant 0 : i32
        %eq3A_558 = arith.cmpi eq, %jit3A_556, %eq3A_557 : i32
        %jit3A_559 = arith.constant 1 : i32
        %select_n3A_560 = arith.select %eq3A_558, %jit3A_559, %jit3A_556 : i32
        %rem3A_561 = arith.remsi %add3A_488, %select_n3A_560 : i32
        %ne3A_562 = arith.constant 0 : i32
        %ne3A_563 = arith.cmpi ne, %rem3A_561, %ne3A_562 : i32
        %lt3A_564 = arith.constant 0 : i32
        %lt3A_565 = arith.cmpi slt, %rem3A_561, %lt3A_564 : i32
        %lt3A_566 = arith.constant 0 : i32
        %lt3A_567 = arith.cmpi slt, %select_n3A_560, %lt3A_566 : i32
        %ne3A_568 = arith.xori %lt3A_565, %lt3A_567 : i1
        %and3A_569 = arith.andi %ne3A_568, %ne3A_563 : i1
        %add3A_570 = arith.addi %rem3A_561, %select_n3A_560 : i32
        %select_n3A_571 = arith.select %and3A_569, %add3A_570, %rem3A_561 : i32
        %add3A_572 = arith.constant 4 : i32
        %add3A_573 = arith.addi %select_n3A_571, %add3A_572 : i32
        %convert_element_type3A_574 = arith.sitofp %add3A_573 : i32 to f32
        %parallel_loop3A_575 = arith.constant 0 : i32
        %parallel_loop3A_576 = arith.constant 392 : i32
        %parallel_loop3A_577 = arith.constant 1 : i32
        scf.for %parallel_loop3A_798 = %parallel_loop3A_575 to %parallel_loop3A_576 step %parallel_loop3A_577  : i32 {
          %parallel_loop3A_799 = arith.constant 16 : i32
          %parallel_loop3A_800 = arith.muli %parallel_loop3A_798, %parallel_loop3A_799 : i32
          %parallel_loop3A_801 = arith.constant 14 : i32
          %parallel_loop3A_802 = arith.divsi %parallel_loop3A_798, %parallel_loop3A_801 : i32
          %parallel_loop3A_803 = arith.constant 0 : i32
          %parallel_loop3A_804 = arith.cmpi sgt, %parallel_loop3A_798, %parallel_loop3A_803 : i32
          %parallel_loop3A_805 = arith.extui %parallel_loop3A_804 : i1 to i32
          %parallel_loop3A_806 = arith.constant 0 : i32
          %parallel_loop3A_807 = arith.cmpi slt, %parallel_loop3A_798, %parallel_loop3A_806 : i32
          %parallel_loop3A_808 = arith.extui %parallel_loop3A_807 : i1 to i32
          %parallel_loop3A_809 = arith.subi %parallel_loop3A_805, %parallel_loop3A_808 : i32
          %parallel_loop3A_810 = arith.constant 0 : i32
          %parallel_loop3A_811 = arith.cmpi sgt, %parallel_loop3A_801, %parallel_loop3A_810 : i32
          %parallel_loop3A_812 = arith.extui %parallel_loop3A_811 : i1 to i32
          %parallel_loop3A_813 = arith.constant 0 : i32
          %parallel_loop3A_814 = arith.cmpi slt, %parallel_loop3A_801, %parallel_loop3A_813 : i32
          %parallel_loop3A_815 = arith.extui %parallel_loop3A_814 : i1 to i32
          %parallel_loop3A_816 = arith.subi %parallel_loop3A_812, %parallel_loop3A_815 : i32
          %parallel_loop3A_817 = arith.cmpi ne, %parallel_loop3A_809, %parallel_loop3A_816 : i32
          %parallel_loop3A_818 = arith.remsi %parallel_loop3A_798, %parallel_loop3A_801 : i32
          %parallel_loop3A_819 = arith.constant 0 : i32
          %parallel_loop3A_820 = arith.cmpi ne, %parallel_loop3A_818, %parallel_loop3A_819 : i32
          %parallel_loop3A_821 = arith.andi %parallel_loop3A_817, %parallel_loop3A_820 : i1
          %parallel_loop3A_822 = arith.constant 1 : i32
          %parallel_loop3A_823 = arith.subi %parallel_loop3A_802, %parallel_loop3A_822 : i32
          %parallel_loop3A_824 = arith.select %parallel_loop3A_821, %parallel_loop3A_823, %parallel_loop3A_802 : i32
          %parallel_loop3A_825 = arith.addi %add3A_555, %parallel_loop3A_824 : i32
          %parallel_loop3A_826 = arith.sitofp %parallel_loop3A_825 : i32 to f32
          %parallel_loop3A_827 = arith.constant 14 : i32
          %parallel_loop3A_828 = arith.constant 0 : i32
          %parallel_loop3A_829 = arith.cmpi eq, %parallel_loop3A_827, %parallel_loop3A_828 : i32
          %parallel_loop3A_830 = arith.constant 1 : i32
          %parallel_loop3A_831 = arith.select %parallel_loop3A_829, %parallel_loop3A_830, %parallel_loop3A_827 : i32
          %parallel_loop3A_832 = arith.remsi %parallel_loop3A_798, %parallel_loop3A_831 : i32
          %parallel_loop3A_833 = arith.constant 0 : i32
          %parallel_loop3A_834 = arith.cmpi ne, %parallel_loop3A_832, %parallel_loop3A_833 : i32
          %parallel_loop3A_835 = arith.constant 0 : i32
          %parallel_loop3A_836 = arith.cmpi slt, %parallel_loop3A_832, %parallel_loop3A_835 : i32
          %parallel_loop3A_837 = arith.constant 0 : i32
          %parallel_loop3A_838 = arith.cmpi slt, %parallel_loop3A_831, %parallel_loop3A_837 : i32
          %parallel_loop3A_839 = arith.xori %parallel_loop3A_836, %parallel_loop3A_838 : i1
          %parallel_loop3A_840 = arith.andi %parallel_loop3A_839, %parallel_loop3A_834 : i1
          %parallel_loop3A_841 = arith.addi %parallel_loop3A_832, %parallel_loop3A_831 : i32
          %parallel_loop3A_842 = arith.select %parallel_loop3A_840, %parallel_loop3A_841, %parallel_loop3A_832 : i32
          %parallel_loop3A_843 = arith.constant 16 : i32
          %parallel_loop3A_844 = arith.muli %parallel_loop3A_842, %parallel_loop3A_843 : i32
          %parallel_loop3A_845 = arith.sitofp %parallel_loop3A_844 : i32 to f32
          %parallel_loop3A_846 = arith.addf %parallel_loop3A_845, %convert_element_type3A_574 : f32
          %parallel_loop3A_847 = arith.index_cast %parallel_loop3A_800 : i32 to index
          %parallel_loop3A_848 = tpu.vector_load %arg17[%parallel_loop3A_847] {strides = array<i32>} : memref<6272xf32, #tpu.memory_space<vmem>>, vector<16xf32>,
          %parallel_loop3A_849 = vector.broadcast %parallel_loop3A_826 : f32 to vector<16xf32>
          %parallel_loop3A_850 = arith.addf %parallel_loop3A_848, %parallel_loop3A_849 : vector<16xf32>
          %parallel_loop3A_851 = arith.index_cast %parallel_loop3A_800 : i32 to index
          %parallel_loop3A_852 = tpu.vector_load %arg16[%parallel_loop3A_851] {strides = array<i32>} : memref<6272xf32, #tpu.memory_space<vmem>>, vector<16xf32>,
          %parallel_loop3A_853 = vector.broadcast %parallel_loop3A_846 : f32 to vector<16xf32>
          %parallel_loop3A_854 = arith.addf %parallel_loop3A_852, %parallel_loop3A_853 : vector<16xf32>
          %parallel_loop3A_855 = arith.addf %parallel_loop3A_854, %convert_element_type3A : vector<16xf32>
          %parallel_loop3A_856 = arith.constant 2.000000e+00 : f32
          %parallel_loop3A_857 = arith.constant 2.329000e+02 : f32
          %parallel_loop3A_858 = vector.broadcast %parallel_loop3A_856 : f32 to vector<16xf32>
          %parallel_loop3A_859 = arith.maximumf %parallel_loop3A_858, %parallel_loop3A_850 : vector<16xf32>
          %parallel_loop3A_860 = vector.broadcast %parallel_loop3A_857 : f32 to vector<16xf32>
          %parallel_loop3A_861 = arith.minimumf %parallel_loop3A_860, %parallel_loop3A_859 : vector<16xf32>
          %parallel_loop3A_862 = arith.constant 2.000000e+00 : f32
          %parallel_loop3A_863 = arith.constant 2.329000e+02 : f32
          %parallel_loop3A_864 = vector.broadcast %parallel_loop3A_862 : f32 to vector<16xf32>
          %parallel_loop3A_865 = arith.maximumf %parallel_loop3A_864, %parallel_loop3A_855 : vector<16xf32>
          %parallel_loop3A_866 = vector.broadcast %parallel_loop3A_863 : f32 to vector<16xf32>
          %parallel_loop3A_867 = arith.minimumf %parallel_loop3A_866, %parallel_loop3A_865 : vector<16xf32>
          %parallel_loop3A_868 = arith.fptosi %parallel_loop3A_861 : vector<16xf32> to vector<16xi32>
          %parallel_loop3A_869 = arith.fptosi %parallel_loop3A_867 : vector<16xf32> to vector<16xi32>
          %parallel_loop3A_870 = arith.sitofp %parallel_loop3A_868 : vector<16xi32> to vector<16xf32>
          %parallel_loop3A_871 = arith.subf %parallel_loop3A_861, %parallel_loop3A_870 : vector<16xf32>
          %parallel_loop3A_872 = arith.sitofp %parallel_loop3A_869 : vector<16xi32> to vector<16xf32>
          %parallel_loop3A_873 = arith.subf %parallel_loop3A_867, %parallel_loop3A_872 : vector<16xf32>
          %parallel_loop3A_874 = arith.constant 240 : i32
          %parallel_loop3A_875 = vector.broadcast %parallel_loop3A_874 : i32 to vector<16xi32>
          %parallel_loop3A_876 = arith.muli %parallel_loop3A_868, %parallel_loop3A_875 : vector<16xi32>
          %parallel_loop3A_877 = arith.constant -476 : i32
          %parallel_loop3A_878 = vector.broadcast %parallel_loop3A_877 : i32 to vector<16xi32>
          %parallel_loop3A_879 = arith.addi %parallel_loop3A_869, %parallel_loop3A_878 : vector<16xi32>
          %parallel_loop3A_880 = arith.addi %parallel_loop3A_876, %parallel_loop3A_879 : vector<16xi32>
          %parallel_loop3A_881 = arith.constant 240 : i32
          %parallel_loop3A_882 = vector.broadcast %parallel_loop3A_881 : i32 to vector<16xi32>
          %parallel_loop3A_883 = arith.addi %parallel_loop3A_880, %parallel_loop3A_882 : vector<16xi32>
          %parallel_loop3A_884 = tpu.vector_load_idx %arg9[%parallel_loop3A_880] : memref<56160xf32, #tpu.memory_space<vmem>>[vector<16xi32>], vector<16xf32>,
          %parallel_loop3A_885 = arith.constant 1 : i32
          %parallel_loop3A_886 = vector.broadcast %parallel_loop3A_885 : i32 to vector<16xi32>
          %parallel_loop3A_887 = arith.addi %parallel_loop3A_880, %parallel_loop3A_886 : vector<16xi32>
          %parallel_loop3A_888 = tpu.vector_load_idx %arg9[%parallel_loop3A_887] : memref<56160xf32, #tpu.memory_space<vmem>>[vector<16xi32>], vector<16xf32>,
          %parallel_loop3A_889 = tpu.vector_load_idx %arg9[%parallel_loop3A_883] : memref<56160xf32, #tpu.memory_space<vmem>>[vector<16xi32>], vector<16xf32>,
          %parallel_loop3A_890 = arith.constant 1 : i32
          %parallel_loop3A_891 = vector.broadcast %parallel_loop3A_890 : i32 to vector<16xi32>
          %parallel_loop3A_892 = arith.addi %parallel_loop3A_883, %parallel_loop3A_891 : vector<16xi32>
          %parallel_loop3A_893 = tpu.vector_load_idx %arg9[%parallel_loop3A_892] : memref<56160xf32, #tpu.memory_space<vmem>>[vector<16xi32>], vector<16xf32>,
          %parallel_loop3A_894 = arith.constant 1.000000e+00 : f32
          %parallel_loop3A_895 = vector.broadcast %parallel_loop3A_894 : f32 to vector<16xf32>
          %parallel_loop3A_896 = arith.subf %parallel_loop3A_895, %parallel_loop3A_871 : vector<16xf32>
          %parallel_loop3A_897 = arith.constant 1.000000e+00 : f32
          %parallel_loop3A_898 = vector.broadcast %parallel_loop3A_897 : f32 to vector<16xf32>
          %parallel_loop3A_899 = arith.subf %parallel_loop3A_898, %parallel_loop3A_873 : vector<16xf32>
          %parallel_loop3A_900 = arith.mulf %parallel_loop3A_899, %parallel_loop3A_884 : vector<16xf32>
          %parallel_loop3A_901 = arith.mulf %parallel_loop3A_873, %parallel_loop3A_888 : vector<16xf32>
          %parallel_loop3A_902 = arith.addf %parallel_loop3A_900, %parallel_loop3A_901 : vector<16xf32>
          %parallel_loop3A_903 = arith.mulf %parallel_loop3A_896, %parallel_loop3A_902 : vector<16xf32>
          %parallel_loop3A_904 = arith.mulf %parallel_loop3A_899, %parallel_loop3A_889 : vector<16xf32>
          %parallel_loop3A_905 = arith.mulf %parallel_loop3A_873, %parallel_loop3A_893 : vector<16xf32>
          %parallel_loop3A_906 = arith.addf %parallel_loop3A_904, %parallel_loop3A_905 : vector<16xf32>
          %parallel_loop3A_907 = arith.mulf %parallel_loop3A_871, %parallel_loop3A_906 : vector<16xf32>
          %parallel_loop3A_908 = arith.addf %parallel_loop3A_903, %parallel_loop3A_907 : vector<16xf32>
          %parallel_loop3A_909 = arith.index_cast %parallel_loop3A_800 : i32 to index
          %parallel_loop3A_910 = tpu.vector_load %arg19[%parallel_loop3A_909] {strides = array<i32>} : memref<6272xf32, #tpu.memory_space<vmem>>, vector<16xf32>,
          %parallel_loop3A_911 = arith.index_cast %parallel_loop3A_800 : i32 to index
          %parallel_loop3A_912 = tpu.vector_load %arg20[%parallel_loop3A_911] {strides = array<i32>} : memref<6272xf32, #tpu.memory_space<vmem>>, vector<16xf32>,
          %parallel_loop3A_913 = arith.mulf %parallel_loop3A_910, %parallel_loop3A_912 : vector<16xf32>
          %parallel_loop3A_914 = arith.index_cast %parallel_loop3A_800 : i32 to index
          %parallel_loop3A_915 = tpu.vector_load %arg18[%parallel_loop3A_914] {strides = array<i32>} : memref<6272xf32, #tpu.memory_space<vmem>>, vector<16xf32>,
          %parallel_loop3A_916 = arith.mulf %parallel_loop3A_913, %parallel_loop3A_915 : vector<16xf32>
          %parallel_loop3A_917 = arith.index_cast %parallel_loop3A_800 : i32 to index
          %parallel_loop3A_918 = tpu.vector_load %arg10[%parallel_loop3A_917] {strides = array<i32>} : memref<6272xf32, #tpu.memory_space<vmem>>, vector<16xf32>,
          %parallel_loop3A_919 = arith.mulf %parallel_loop3A_908, %parallel_loop3A_916 : vector<16xf32>
          %parallel_loop3A_920 = arith.addf %parallel_loop3A_918, %parallel_loop3A_919 : vector<16xf32>
          %parallel_loop3A_921 = arith.index_cast %parallel_loop3A_800 : i32 to index
          %parallel_loop3A_922 = tpu.vector_load %arg10[%parallel_loop3A_921] {strides = array<i32>} : memref<6272xf32, #tpu.memory_space<vmem>>, vector<16xf32>,
          tpu.vector_store %arg10[%parallel_loop3A_921], %parallel_loop3A_920 {strides = array<i32>} : memref<6272xf32, #tpu.memory_space<vmem>>, vector<16xf32>,
        } {sc.loop_unroll_factor = 2 : i64, sc.parallel_access}
        %add3A_578 = arith.constant 2 : i32
        %add3A_579 = arith.addi %add3A_488, %add3A_578 : i32
        %min3A_580 = arith.constant 24 : i32
        %min3A_581 = arith.minsi %add3A_579, %min3A_580 : i32
        %jit3A_582 = arith.constant 5 : i32
        %div3A_583 = arith.divsi %min3A_581, %jit3A_582 : i32
        %sign3A_584 = arith.constant 0 : i32
        %sign3A_585 = arith.cmpi sgt, %min3A_581, %sign3A_584 : i32
        %sign3A_586 = arith.extui %sign3A_585 : i1 to i32
        %sign3A_587 = arith.constant 0 : i32
        %sign3A_588 = arith.cmpi slt, %min3A_581, %sign3A_587 : i32
        %sign3A_589 = arith.extui %sign3A_588 : i1 to i32
        %sign3A_590 = arith.subi %sign3A_586, %sign3A_589 : i32
        %sign3A_591 = arith.constant 0 : i32
        %sign3A_592 = arith.cmpi sgt, %jit3A_582, %sign3A_591 : i32
        %sign3A_593 = arith.extui %sign3A_592 : i1 to i32
        %sign3A_594 = arith.constant 0 : i32
        %sign3A_595 = arith.cmpi slt, %jit3A_582, %sign3A_594 : i32
        %sign3A_596 = arith.extui %sign3A_595 : i1 to i32
        %sign3A_597 = arith.subi %sign3A_593, %sign3A_596 : i32
        %ne3A_598 = arith.cmpi ne, %sign3A_590, %sign3A_597 : i32
        %rem3A_599 = arith.remsi %min3A_581, %jit3A_582 : i32
        %ne3A_600 = arith.constant 0 : i32
        %ne3A_601 = arith.cmpi ne, %rem3A_599, %ne3A_600 : i32
        %and3A_602 = arith.andi %ne3A_598, %ne3A_601 : i1
        %sub3A_603 = arith.constant 1 : i32
        %sub3A_604 = arith.subi %div3A_583, %sub3A_603 : i32
        %select_n3A_605 = arith.select %and3A_602, %sub3A_604, %div3A_583 : i32
        %jit3A_606 = arith.constant 5 : i32
        %eq3A_607 = arith.constant 0 : i32
        %eq3A_608 = arith.cmpi eq, %jit3A_606, %eq3A_607 : i32
        %jit3A_609 = arith.constant 1 : i32
        %select_n3A_610 = arith.select %eq3A_608, %jit3A_609, %jit3A_606 : i32
        %rem3A_611 = arith.remsi %min3A_581, %select_n3A_610 : i32
        %ne3A_612 = arith.constant 0 : i32
        %ne3A_613 = arith.cmpi ne, %rem3A_611, %ne3A_612 : i32
        %lt3A_614 = arith.constant 0 : i32
        %lt3A_615 = arith.cmpi slt, %rem3A_611, %lt3A_614 : i32
        %lt3A_616 = arith.constant 0 : i32
        %lt3A_617 = arith.cmpi slt, %select_n3A_610, %lt3A_616 : i32
        %ne3A_618 = arith.xori %lt3A_615, %lt3A_617 : i1
        %and3A_619 = arith.andi %ne3A_618, %ne3A_613 : i1
        %add3A_620 = arith.addi %rem3A_611, %select_n3A_610 : i32
        %select_n3A_621 = arith.select %and3A_619, %add3A_620, %rem3A_611 : i32
        %dma_start3A_622 = tpu.memref_slice %arg5[%select_n3A_74, %min3A_581, %mul3A_94] : memref<8x25x50176xf32, #tpu.memory_space<hbm>> -> memref<1x1x6272xf32, #tpu.memory_space<hbm>>
        %dma_start3A_623 = tpu.memref_squeeze %dma_start3A_622 : memref<1x1x6272xf32, #tpu.memory_space<hbm>> -> memref<6272xf32, #tpu.memory_space<hbm>>
        %dma_start3A_624 = tpu.memref_slice %arg5[%select_n3A_74, %min3A_581, %mul3A_94] : memref<8x25x50176xf32, #tpu.memory_space<hbm>> -> memref<1x1x6272xf32, #tpu.memory_space<hbm>>
        %dma_start3A_625 = tpu.memref_squeeze %dma_start3A_624 : memref<1x1x6272xf32, #tpu.memory_space<hbm>> -> memref<6272xf32, #tpu.memory_space<hbm>>
        tpu.enqueue_dma source(%dma_start3A_625 : memref<6272xf32, #tpu.memory_space<hbm>>) target(%arg16 : memref<6272xf32, #tpu.memory_space<vmem>>) target_semaphore(%arg22 : memref<!tpu.dma_semaphore, #tpu.memory_space<semaphore_mem>>)
        %dma_start3A_626 = tpu.memref_slice %arg6[%select_n3A_74, %min3A_581, %mul3A_94] : memref<8x25x50176xf32, #tpu.memory_space<hbm>> -> memref<1x1x6272xf32, #tpu.memory_space<hbm>>
        %dma_start3A_627 = tpu.memref_squeeze %dma_start3A_626 : memref<1x1x6272xf32, #tpu.memory_space<hbm>> -> memref<6272xf32, #tpu.memory_space<hbm>>
        %dma_start3A_628 = tpu.memref_slice %arg6[%select_n3A_74, %min3A_581, %mul3A_94] : memref<8x25x50176xf32, #tpu.memory_space<hbm>> -> memref<1x1x6272xf32, #tpu.memory_space<hbm>>
        %dma_start3A_629 = tpu.memref_squeeze %dma_start3A_628 : memref<1x1x6272xf32, #tpu.memory_space<hbm>> -> memref<6272xf32, #tpu.memory_space<hbm>>
        tpu.enqueue_dma source(%dma_start3A_629 : memref<6272xf32, #tpu.memory_space<hbm>>) target(%arg17 : memref<6272xf32, #tpu.memory_space<vmem>>) target_semaphore(%arg22 : memref<!tpu.dma_semaphore, #tpu.memory_space<semaphore_mem>>)
        %dma_start3A_630 = tpu.memref_slice %arg7[%select_n3A_74, %min3A_581, %mul3A_94] : memref<8x25x50176xf32, #tpu.memory_space<hbm>> -> memref<1x1x6272xf32, #tpu.memory_space<hbm>>
        %dma_start3A_631 = tpu.memref_squeeze %dma_start3A_630 : memref<1x1x6272xf32, #tpu.memory_space<hbm>> -> memref<6272xf32, #tpu.memory_space<hbm>>
        %dma_start3A_632 = tpu.memref_slice %arg7[%select_n3A_74, %min3A_581, %mul3A_94] : memref<8x25x50176xf32, #tpu.memory_space<hbm>> -> memref<1x1x6272xf32, #tpu.memory_space<hbm>>
        %dma_start3A_633 = tpu.memref_squeeze %dma_start3A_632 : memref<1x1x6272xf32, #tpu.memory_space<hbm>> -> memref<6272xf32, #tpu.memory_space<hbm>>
        tpu.enqueue_dma source(%dma_start3A_633 : memref<6272xf32, #tpu.memory_space<hbm>>) target(%arg18 : memref<6272xf32, #tpu.memory_space<vmem>>) target_semaphore(%arg22 : memref<!tpu.dma_semaphore, #tpu.memory_space<semaphore_mem>>)
        %dma_start3A_634 = tpu.memref_slice %arg3[%select_n3A_74, %select_n3A_605, %mul3A_94] : memref<8x5x50176xf32, #tpu.memory_space<hbm>> -> memref<1x1x6272xf32, #tpu.memory_space<hbm>>
        %dma_start3A_635 = tpu.memref_squeeze %dma_start3A_634 : memref<1x1x6272xf32, #tpu.memory_space<hbm>> -> memref<6272xf32, #tpu.memory_space<hbm>>
        %dma_start3A_636 = tpu.memref_slice %arg3[%select_n3A_74, %select_n3A_605, %mul3A_94] : memref<8x5x50176xf32, #tpu.memory_space<hbm>> -> memref<1x1x6272xf32, #tpu.memory_space<hbm>>
        %dma_start3A_637 = tpu.memref_squeeze %dma_start3A_636 : memref<1x1x6272xf32, #tpu.memory_space<hbm>> -> memref<6272xf32, #tpu.memory_space<hbm>>
        tpu.enqueue_dma source(%dma_start3A_637 : memref<6272xf32, #tpu.memory_space<hbm>>) target(%arg19 : memref<6272xf32, #tpu.memory_space<vmem>>) target_semaphore(%arg22 : memref<!tpu.dma_semaphore, #tpu.memory_space<semaphore_mem>>)
        %dma_start3A_638 = tpu.memref_slice %arg4[%select_n3A_74, %select_n3A_621, %mul3A_94] : memref<8x5x50176xf32, #tpu.memory_space<hbm>> -> memref<1x1x6272xf32, #tpu.memory_space<hbm>>
        %dma_start3A_639 = tpu.memref_squeeze %dma_start3A_638 : memref<1x1x6272xf32, #tpu.memory_space<hbm>> -> memref<6272xf32, #tpu.memory_space<hbm>>
        %dma_start3A_640 = tpu.memref_slice %arg4[%select_n3A_74, %select_n3A_621, %mul3A_94] : memref<8x5x50176xf32, #tpu.memory_space<hbm>> -> memref<1x1x6272xf32, #tpu.memory_space<hbm>>
        %dma_start3A_641 = tpu.memref_squeeze %dma_start3A_640 : memref<1x1x6272xf32, #tpu.memory_space<hbm>> -> memref<6272xf32, #tpu.memory_space<hbm>>
        tpu.enqueue_dma source(%dma_start3A_641 : memref<6272xf32, #tpu.memory_space<hbm>>) target(%arg20 : memref<6272xf32, #tpu.memory_space<vmem>>) target_semaphore(%arg22 : memref<!tpu.dma_semaphore, #tpu.memory_space<semaphore_mem>>)
        %dma_wait3A_642 = arith.constant 0 : i32
        %dma_wait3A_643 = arith.constant 0 : i32
        %dma_wait3A_644 = arith.constant 0 : i32
        %dma_wait3A_645 = tpu.memref_slice %arg5[%dma_wait3A_642, %dma_wait3A_643, %dma_wait3A_644] : memref<8x25x50176xf32, #tpu.memory_space<hbm>> -> memref<1x1x6272xf32, #tpu.memory_space<hbm>>
        %dma_wait3A_646 = tpu.memref_squeeze %dma_wait3A_645 : memref<1x1x6272xf32, #tpu.memory_space<hbm>> -> memref<6272xf32, #tpu.memory_space<hbm>>
        %dma_wait3A_647 = arith.constant 0 : i32
        %dma_wait3A_648 = tpu.memref_slice %arg5[%dma_wait3A_642, %dma_wait3A_643, %dma_wait3A_647] : memref<8x25x50176xf32, #tpu.memory_space<hbm>> -> memref<1x1x6272xf32, #tpu.memory_space<hbm>>
        %dma_wait3A_649 = tpu.memref_squeeze %dma_wait3A_648 : memref<1x1x6272xf32, #tpu.memory_space<hbm>> -> memref<6272xf32, #tpu.memory_space<hbm>>
        tpu.wait_dma2 semaphore(%arg21 : memref<!tpu.dma_semaphore, #tpu.memory_space<semaphore_mem>>) src(%dma_wait3A_649 : memref<6272xf32, #tpu.memory_space<hbm>>) dst(%arg11 : memref<6272xf32, #tpu.memory_space<vmem>>)
        %dma_wait3A_650 = arith.constant 0 : i32
        %dma_wait3A_651 = arith.constant 0 : i32
        %dma_wait3A_652 = arith.constant 0 : i32
        %dma_wait3A_653 = tpu.memref_slice %arg6[%dma_wait3A_650, %dma_wait3A_651, %dma_wait3A_652] : memref<8x25x50176xf32, #tpu.memory_space<hbm>> -> memref<1x1x6272xf32, #tpu.memory_space<hbm>>
        %dma_wait3A_654 = tpu.memref_squeeze %dma_wait3A_653 : memref<1x1x6272xf32, #tpu.memory_space<hbm>> -> memref<6272xf32, #tpu.memory_space<hbm>>
        %dma_wait3A_655 = arith.constant 0 : i32
        %dma_wait3A_656 = tpu.memref_slice %arg6[%dma_wait3A_650, %dma_wait3A_651, %dma_wait3A_655] : memref<8x25x50176xf32, #tpu.memory_space<hbm>> -> memref<1x1x6272xf32, #tpu.memory_space<hbm>>
        %dma_wait3A_657 = tpu.memref_squeeze %dma_wait3A_656 : memref<1x1x6272xf32, #tpu.memory_space<hbm>> -> memref<6272xf32, #tpu.memory_space<hbm>>
        tpu.wait_dma2 semaphore(%arg21 : memref<!tpu.dma_semaphore, #tpu.memory_space<semaphore_mem>>) src(%dma_wait3A_657 : memref<6272xf32, #tpu.memory_space<hbm>>) dst(%arg12 : memref<6272xf32, #tpu.memory_space<vmem>>)
        %dma_wait3A_658 = arith.constant 0 : i32
        %dma_wait3A_659 = arith.constant 0 : i32
        %dma_wait3A_660 = arith.constant 0 : i32
        %dma_wait3A_661 = tpu.memref_slice %arg7[%dma_wait3A_658, %dma_wait3A_659, %dma_wait3A_660] : memref<8x25x50176xf32, #tpu.memory_space<hbm>> -> memref<1x1x6272xf32, #tpu.memory_space<hbm>>
        %dma_wait3A_662 = tpu.memref_squeeze %dma_wait3A_661 : memref<1x1x6272xf32, #tpu.memory_space<hbm>> -> memref<6272xf32, #tpu.memory_space<hbm>>
        %dma_wait3A_663 = arith.constant 0 : i32
        %dma_wait3A_664 = tpu.memref_slice %arg7[%dma_wait3A_658, %dma_wait3A_659, %dma_wait3A_663] : memref<8x25x50176xf32, #tpu.memory_space<hbm>> -> memref<1x1x6272xf32, #tpu.memory_space<hbm>>
        %dma_wait3A_665 = tpu.memref_squeeze %dma_wait3A_664 : memref<1x1x6272xf32, #tpu.memory_space<hbm>> -> memref<6272xf32, #tpu.memory_space<hbm>>
        tpu.wait_dma2 semaphore(%arg21 : memref<!tpu.dma_semaphore, #tpu.memory_space<semaphore_mem>>) src(%dma_wait3A_665 : memref<6272xf32, #tpu.memory_space<hbm>>) dst(%arg13 : memref<6272xf32, #tpu.memory_space<vmem>>)
        %dma_wait3A_666 = arith.constant 0 : i32
        %dma_wait3A_667 = arith.constant 0 : i32
        %dma_wait3A_668 = arith.constant 0 : i32
        %dma_wait3A_669 = tpu.memref_slice %arg3[%dma_wait3A_666, %dma_wait3A_667, %dma_wait3A_668] : memref<8x5x50176xf32, #tpu.memory_space<hbm>> -> memref<1x1x6272xf32, #tpu.memory_space<hbm>>
        %dma_wait3A_670 = tpu.memref_squeeze %dma_wait3A_669 : memref<1x1x6272xf32, #tpu.memory_space<hbm>> -> memref<6272xf32, #tpu.memory_space<hbm>>
        %dma_wait3A_671 = arith.constant 0 : i32
        %dma_wait3A_672 = tpu.memref_slice %arg3[%dma_wait3A_666, %dma_wait3A_667, %dma_wait3A_671] : memref<8x5x50176xf32, #tpu.memory_space<hbm>> -> memref<1x1x6272xf32, #tpu.memory_space<hbm>>
        %dma_wait3A_673 = tpu.memref_squeeze %dma_wait3A_672 : memref<1x1x6272xf32, #tpu.memory_space<hbm>> -> memref<6272xf32, #tpu.memory_space<hbm>>
        tpu.wait_dma2 semaphore(%arg21 : memref<!tpu.dma_semaphore, #tpu.memory_space<semaphore_mem>>) src(%dma_wait3A_673 : memref<6272xf32, #tpu.memory_space<hbm>>) dst(%arg14 : memref<6272xf32, #tpu.memory_space<vmem>>)
        %dma_wait3A_674 = arith.constant 0 : i32
        %dma_wait3A_675 = arith.constant 0 : i32
        %dma_wait3A_676 = arith.constant 0 : i32
        %dma_wait3A_677 = tpu.memref_slice %arg4[%dma_wait3A_674, %dma_wait3A_675, %dma_wait3A_676] : memref<8x5x50176xf32, #tpu.memory_space<hbm>> -> memref<1x1x6272xf32, #tpu.memory_space<hbm>>
        %dma_wait3A_678 = tpu.memref_squeeze %dma_wait3A_677 : memref<1x1x6272xf32, #tpu.memory_space<hbm>> -> memref<6272xf32, #tpu.memory_space<hbm>>
        %dma_wait3A_679 = arith.constant 0 : i32
        %dma_wait3A_680 = tpu.memref_slice %arg4[%dma_wait3A_674, %dma_wait3A_675, %dma_wait3A_679] : memref<8x5x50176xf32, #tpu.memory_space<hbm>> -> memref<1x1x6272xf32, #tpu.memory_space<hbm>>
        %dma_wait3A_681 = tpu.memref_squeeze %dma_wait3A_680 : memref<1x1x6272xf32, #tpu.memory_space<hbm>> -> memref<6272xf32, #tpu.memory_space<hbm>>
        tpu.wait_dma2 semaphore(%arg21 : memref<!tpu.dma_semaphore, #tpu.memory_space<semaphore_mem>>) src(%dma_wait3A_681 : memref<6272xf32, #tpu.memory_space<hbm>>) dst(%arg15 : memref<6272xf32, #tpu.memory_space<vmem>>)
        %add3A_682 = arith.constant 1 : i32
        %add3A_683 = arith.addi %add3A_488, %add3A_682 : i32
        %jit3A_684 = arith.constant 5 : i32
        %div3A_685 = arith.divsi %add3A_683, %jit3A_684 : i32
        %sign3A_686 = arith.constant 0 : i32
        %sign3A_687 = arith.cmpi sgt, %add3A_683, %sign3A_686 : i32
        %sign3A_688 = arith.extui %sign3A_687 : i1 to i32
        %sign3A_689 = arith.constant 0 : i32
        %sign3A_690 = arith.cmpi slt, %add3A_683, %sign3A_689 : i32
        %sign3A_691 = arith.extui %sign3A_690 : i1 to i32
        %sign3A_692 = arith.subi %sign3A_688, %sign3A_691 : i32
        %sign3A_693 = arith.constant 0 : i32
        %sign3A_694 = arith.cmpi sgt, %jit3A_684, %sign3A_693 : i32
        %sign3A_695 = arith.extui %sign3A_694 : i1 to i32
        %sign3A_696 = arith.constant 0 : i32
        %sign3A_697 = arith.cmpi slt, %jit3A_684, %sign3A_696 : i32
        %sign3A_698 = arith.extui %sign3A_697 : i1 to i32
        %sign3A_699 = arith.subi %sign3A_695, %sign3A_698 : i32
        %ne3A_700 = arith.cmpi ne, %sign3A_692, %sign3A_699 : i32
        %rem3A_701 = arith.remsi %add3A_683, %jit3A_684 : i32
        %ne3A_702 = arith.constant 0 : i32
        %ne3A_703 = arith.cmpi ne, %rem3A_701, %ne3A_702 : i32
        %and3A_704 = arith.andi %ne3A_700, %ne3A_703 : i1
        %sub3A_705 = arith.constant 1 : i32
        %sub3A_706 = arith.subi %div3A_685, %sub3A_705 : i32
        %select_n3A_707 = arith.select %and3A_704, %sub3A_706, %div3A_685 : i32
        %add3A_708 = arith.addi %mul3A_92, %select_n3A_707 : i32
        %add3A_709 = arith.constant 4 : i32
        %add3A_710 = arith.addi %add3A_708, %add3A_709 : i32
        %jit3A_711 = arith.constant 5 : i32
        %eq3A_712 = arith.constant 0 : i32
        %eq3A_713 = arith.cmpi eq, %jit3A_711, %eq3A_712 : i32
        %jit3A_714 = arith.constant 1 : i32
        %select_n3A_715 = arith.select %eq3A_713, %jit3A_714, %jit3A_711 : i32
        %rem3A_716 = arith.remsi %add3A_683, %select_n3A_715 : i32
        %ne3A_717 = arith.constant 0 : i32
        %ne3A_718 = arith.cmpi ne, %rem3A_716, %ne3A_717 : i32
        %lt3A_719 = arith.constant 0 : i32
        %lt3A_720 = arith.cmpi slt, %rem3A_716, %lt3A_719 : i32
        %lt3A_721 = arith.constant 0 : i32
        %lt3A_722 = arith.cmpi slt, %select_n3A_715, %lt3A_721 : i32
        %ne3A_723 = arith.xori %lt3A_720, %lt3A_722 : i1
        %and3A_724 = arith.andi %ne3A_723, %ne3A_718 : i1
        %add3A_725 = arith.addi %rem3A_716, %select_n3A_715 : i32
        %select_n3A_726 = arith.select %and3A_724, %add3A_725, %rem3A_716 : i32
        %add3A_727 = arith.constant 4 : i32
        %add3A_728 = arith.addi %select_n3A_726, %add3A_727 : i32
        %convert_element_type3A_729 = arith.sitofp %add3A_728 : i32 to f32
        %parallel_loop3A_730 = arith.constant 0 : i32
        %parallel_loop3A_731 = arith.constant 392 : i32
        %parallel_loop3A_732 = arith.constant 1 : i32
        scf.for %parallel_loop3A_798 = %parallel_loop3A_730 to %parallel_loop3A_731 step %parallel_loop3A_732  : i32 {
          %parallel_loop3A_799 = arith.constant 16 : i32
          %parallel_loop3A_800 = arith.muli %parallel_loop3A_798, %parallel_loop3A_799 : i32
          %parallel_loop3A_801 = arith.constant 14 : i32
          %parallel_loop3A_802 = arith.divsi %parallel_loop3A_798, %parallel_loop3A_801 : i32
          %parallel_loop3A_803 = arith.constant 0 : i32
          %parallel_loop3A_804 = arith.cmpi sgt, %parallel_loop3A_798, %parallel_loop3A_803 : i32
          %parallel_loop3A_805 = arith.extui %parallel_loop3A_804 : i1 to i32
          %parallel_loop3A_806 = arith.constant 0 : i32
          %parallel_loop3A_807 = arith.cmpi slt, %parallel_loop3A_798, %parallel_loop3A_806 : i32
          %parallel_loop3A_808 = arith.extui %parallel_loop3A_807 : i1 to i32
          %parallel_loop3A_809 = arith.subi %parallel_loop3A_805, %parallel_loop3A_808 : i32
          %parallel_loop3A_810 = arith.constant 0 : i32
          %parallel_loop3A_811 = arith.cmpi sgt, %parallel_loop3A_801, %parallel_loop3A_810 : i32
          %parallel_loop3A_812 = arith.extui %parallel_loop3A_811 : i1 to i32
          %parallel_loop3A_813 = arith.constant 0 : i32
          %parallel_loop3A_814 = arith.cmpi slt, %parallel_loop3A_801, %parallel_loop3A_813 : i32
          %parallel_loop3A_815 = arith.extui %parallel_loop3A_814 : i1 to i32
          %parallel_loop3A_816 = arith.subi %parallel_loop3A_812, %parallel_loop3A_815 : i32
          %parallel_loop3A_817 = arith.cmpi ne, %parallel_loop3A_809, %parallel_loop3A_816 : i32
          %parallel_loop3A_818 = arith.remsi %parallel_loop3A_798, %parallel_loop3A_801 : i32
          %parallel_loop3A_819 = arith.constant 0 : i32
          %parallel_loop3A_820 = arith.cmpi ne, %parallel_loop3A_818, %parallel_loop3A_819 : i32
          %parallel_loop3A_821 = arith.andi %parallel_loop3A_817, %parallel_loop3A_820 : i1
          %parallel_loop3A_822 = arith.constant 1 : i32
          %parallel_loop3A_823 = arith.subi %parallel_loop3A_802, %parallel_loop3A_822 : i32
          %parallel_loop3A_824 = arith.select %parallel_loop3A_821, %parallel_loop3A_823, %parallel_loop3A_802 : i32
          %parallel_loop3A_825 = arith.addi %add3A_710, %parallel_loop3A_824 : i32
          %parallel_loop3A_826 = arith.sitofp %parallel_loop3A_825 : i32 to f32
          %parallel_loop3A_827 = arith.constant 14 : i32
          %parallel_loop3A_828 = arith.constant 0 : i32
          %parallel_loop3A_829 = arith.cmpi eq, %parallel_loop3A_827, %parallel_loop3A_828 : i32
          %parallel_loop3A_830 = arith.constant 1 : i32
          %parallel_loop3A_831 = arith.select %parallel_loop3A_829, %parallel_loop3A_830, %parallel_loop3A_827 : i32
          %parallel_loop3A_832 = arith.remsi %parallel_loop3A_798, %parallel_loop3A_831 : i32
          %parallel_loop3A_833 = arith.constant 0 : i32
          %parallel_loop3A_834 = arith.cmpi ne, %parallel_loop3A_832, %parallel_loop3A_833 : i32
          %parallel_loop3A_835 = arith.constant 0 : i32
          %parallel_loop3A_836 = arith.cmpi slt, %parallel_loop3A_832, %parallel_loop3A_835 : i32
          %parallel_loop3A_837 = arith.constant 0 : i32
          %parallel_loop3A_838 = arith.cmpi slt, %parallel_loop3A_831, %parallel_loop3A_837 : i32
          %parallel_loop3A_839 = arith.xori %parallel_loop3A_836, %parallel_loop3A_838 : i1
          %parallel_loop3A_840 = arith.andi %parallel_loop3A_839, %parallel_loop3A_834 : i1
          %parallel_loop3A_841 = arith.addi %parallel_loop3A_832, %parallel_loop3A_831 : i32
          %parallel_loop3A_842 = arith.select %parallel_loop3A_840, %parallel_loop3A_841, %parallel_loop3A_832 : i32
          %parallel_loop3A_843 = arith.constant 16 : i32
          %parallel_loop3A_844 = arith.muli %parallel_loop3A_842, %parallel_loop3A_843 : i32
          %parallel_loop3A_845 = arith.sitofp %parallel_loop3A_844 : i32 to f32
          %parallel_loop3A_846 = arith.addf %parallel_loop3A_845, %convert_element_type3A_729 : f32
          %parallel_loop3A_847 = arith.index_cast %parallel_loop3A_800 : i32 to index
          %parallel_loop3A_848 = tpu.vector_load %arg12[%parallel_loop3A_847] {strides = array<i32>} : memref<6272xf32, #tpu.memory_space<vmem>>, vector<16xf32>,
          %parallel_loop3A_849 = vector.broadcast %parallel_loop3A_826 : f32 to vector<16xf32>
          %parallel_loop3A_850 = arith.addf %parallel_loop3A_848, %parallel_loop3A_849 : vector<16xf32>
          %parallel_loop3A_851 = arith.index_cast %parallel_loop3A_800 : i32 to index
          %parallel_loop3A_852 = tpu.vector_load %arg11[%parallel_loop3A_851] {strides = array<i32>} : memref<6272xf32, #tpu.memory_space<vmem>>, vector<16xf32>,
          %parallel_loop3A_853 = vector.broadcast %parallel_loop3A_846 : f32 to vector<16xf32>
          %parallel_loop3A_854 = arith.addf %parallel_loop3A_852, %parallel_loop3A_853 : vector<16xf32>
          %parallel_loop3A_855 = arith.addf %parallel_loop3A_854, %convert_element_type3A : vector<16xf32>
          %parallel_loop3A_856 = arith.constant 2.000000e+00 : f32
          %parallel_loop3A_857 = arith.constant 2.329000e+02 : f32
          %parallel_loop3A_858 = vector.broadcast %parallel_loop3A_856 : f32 to vector<16xf32>
          %parallel_loop3A_859 = arith.maximumf %parallel_loop3A_858, %parallel_loop3A_850 : vector<16xf32>
          %parallel_loop3A_860 = vector.broadcast %parallel_loop3A_857 : f32 to vector<16xf32>
          %parallel_loop3A_861 = arith.minimumf %parallel_loop3A_860, %parallel_loop3A_859 : vector<16xf32>
          %parallel_loop3A_862 = arith.constant 2.000000e+00 : f32
          %parallel_loop3A_863 = arith.constant 2.329000e+02 : f32
          %parallel_loop3A_864 = vector.broadcast %parallel_loop3A_862 : f32 to vector<16xf32>
          %parallel_loop3A_865 = arith.maximumf %parallel_loop3A_864, %parallel_loop3A_855 : vector<16xf32>
          %parallel_loop3A_866 = vector.broadcast %parallel_loop3A_863 : f32 to vector<16xf32>
          %parallel_loop3A_867 = arith.minimumf %parallel_loop3A_866, %parallel_loop3A_865 : vector<16xf32>
          %parallel_loop3A_868 = arith.fptosi %parallel_loop3A_861 : vector<16xf32> to vector<16xi32>
          %parallel_loop3A_869 = arith.fptosi %parallel_loop3A_867 : vector<16xf32> to vector<16xi32>
          %parallel_loop3A_870 = arith.sitofp %parallel_loop3A_868 : vector<16xi32> to vector<16xf32>
          %parallel_loop3A_871 = arith.subf %parallel_loop3A_861, %parallel_loop3A_870 : vector<16xf32>
          %parallel_loop3A_872 = arith.sitofp %parallel_loop3A_869 : vector<16xi32> to vector<16xf32>
          %parallel_loop3A_873 = arith.subf %parallel_loop3A_867, %parallel_loop3A_872 : vector<16xf32>
          %parallel_loop3A_874 = arith.constant 240 : i32
          %parallel_loop3A_875 = vector.broadcast %parallel_loop3A_874 : i32 to vector<16xi32>
          %parallel_loop3A_876 = arith.muli %parallel_loop3A_868, %parallel_loop3A_875 : vector<16xi32>
          %parallel_loop3A_877 = arith.constant -476 : i32
          %parallel_loop3A_878 = vector.broadcast %parallel_loop3A_877 : i32 to vector<16xi32>
          %parallel_loop3A_879 = arith.addi %parallel_loop3A_869, %parallel_loop3A_878 : vector<16xi32>
          %parallel_loop3A_880 = arith.addi %parallel_loop3A_876, %parallel_loop3A_879 : vector<16xi32>
          %parallel_loop3A_881 = arith.constant 240 : i32
          %parallel_loop3A_882 = vector.broadcast %parallel_loop3A_881 : i32 to vector<16xi32>
          %parallel_loop3A_883 = arith.addi %parallel_loop3A_880, %parallel_loop3A_882 : vector<16xi32>
          %parallel_loop3A_884 = tpu.vector_load_idx %arg9[%parallel_loop3A_880] : memref<56160xf32, #tpu.memory_space<vmem>>[vector<16xi32>], vector<16xf32>,
          %parallel_loop3A_885 = arith.constant 1 : i32
          %parallel_loop3A_886 = vector.broadcast %parallel_loop3A_885 : i32 to vector<16xi32>
          %parallel_loop3A_887 = arith.addi %parallel_loop3A_880, %parallel_loop3A_886 : vector<16xi32>
          %parallel_loop3A_888 = tpu.vector_load_idx %arg9[%parallel_loop3A_887] : memref<56160xf32, #tpu.memory_space<vmem>>[vector<16xi32>], vector<16xf32>,
          %parallel_loop3A_889 = tpu.vector_load_idx %arg9[%parallel_loop3A_883] : memref<56160xf32, #tpu.memory_space<vmem>>[vector<16xi32>], vector<16xf32>,
          %parallel_loop3A_890 = arith.constant 1 : i32
          %parallel_loop3A_891 = vector.broadcast %parallel_loop3A_890 : i32 to vector<16xi32>
          %parallel_loop3A_892 = arith.addi %parallel_loop3A_883, %parallel_loop3A_891 : vector<16xi32>
          %parallel_loop3A_893 = tpu.vector_load_idx %arg9[%parallel_loop3A_892] : memref<56160xf32, #tpu.memory_space<vmem>>[vector<16xi32>], vector<16xf32>,
          %parallel_loop3A_894 = arith.constant 1.000000e+00 : f32
          %parallel_loop3A_895 = vector.broadcast %parallel_loop3A_894 : f32 to vector<16xf32>
          %parallel_loop3A_896 = arith.subf %parallel_loop3A_895, %parallel_loop3A_871 : vector<16xf32>
          %parallel_loop3A_897 = arith.constant 1.000000e+00 : f32
          %parallel_loop3A_898 = vector.broadcast %parallel_loop3A_897 : f32 to vector<16xf32>
          %parallel_loop3A_899 = arith.subf %parallel_loop3A_898, %parallel_loop3A_873 : vector<16xf32>
          %parallel_loop3A_900 = arith.mulf %parallel_loop3A_899, %parallel_loop3A_884 : vector<16xf32>
          %parallel_loop3A_901 = arith.mulf %parallel_loop3A_873, %parallel_loop3A_888 : vector<16xf32>
          %parallel_loop3A_902 = arith.addf %parallel_loop3A_900, %parallel_loop3A_901 : vector<16xf32>
          %parallel_loop3A_903 = arith.mulf %parallel_loop3A_896, %parallel_loop3A_902 : vector<16xf32>
          %parallel_loop3A_904 = arith.mulf %parallel_loop3A_899, %parallel_loop3A_889 : vector<16xf32>
          %parallel_loop3A_905 = arith.mulf %parallel_loop3A_873, %parallel_loop3A_893 : vector<16xf32>
          %parallel_loop3A_906 = arith.addf %parallel_loop3A_904, %parallel_loop3A_905 : vector<16xf32>
          %parallel_loop3A_907 = arith.mulf %parallel_loop3A_871, %parallel_loop3A_906 : vector<16xf32>
          %parallel_loop3A_908 = arith.addf %parallel_loop3A_903, %parallel_loop3A_907 : vector<16xf32>
          %parallel_loop3A_909 = arith.index_cast %parallel_loop3A_800 : i32 to index
          %parallel_loop3A_910 = tpu.vector_load %arg14[%parallel_loop3A_909] {strides = array<i32>} : memref<6272xf32, #tpu.memory_space<vmem>>, vector<16xf32>,
          %parallel_loop3A_911 = arith.index_cast %parallel_loop3A_800 : i32 to index
          %parallel_loop3A_912 = tpu.vector_load %arg15[%parallel_loop3A_911] {strides = array<i32>} : memref<6272xf32, #tpu.memory_space<vmem>>, vector<16xf32>,
          %parallel_loop3A_913 = arith.mulf %parallel_loop3A_910, %parallel_loop3A_912 : vector<16xf32>
          %parallel_loop3A_914 = arith.index_cast %parallel_loop3A_800 : i32 to index
          %parallel_loop3A_915 = tpu.vector_load %arg13[%parallel_loop3A_914] {strides = array<i32>} : memref<6272xf32, #tpu.memory_space<vmem>>, vector<16xf32>,
          %parallel_loop3A_916 = arith.mulf %parallel_loop3A_913, %parallel_loop3A_915 : vector<16xf32>
          %parallel_loop3A_917 = arith.index_cast %parallel_loop3A_800 : i32 to index
          %parallel_loop3A_918 = tpu.vector_load %arg10[%parallel_loop3A_917] {strides = array<i32>} : memref<6272xf32, #tpu.memory_space<vmem>>, vector<16xf32>,
          %parallel_loop3A_919 = arith.mulf %parallel_loop3A_908, %parallel_loop3A_916 : vector<16xf32>
          %parallel_loop3A_920 = arith.addf %parallel_loop3A_918, %parallel_loop3A_919 : vector<16xf32>
          %parallel_loop3A_921 = arith.index_cast %parallel_loop3A_800 : i32 to index
          %parallel_loop3A_922 = tpu.vector_load %arg10[%parallel_loop3A_921] {strides = array<i32>} : memref<6272xf32, #tpu.memory_space<vmem>>, vector<16xf32>,
          tpu.vector_store %arg10[%parallel_loop3A_921], %parallel_loop3A_920 {strides = array<i32>} : memref<6272xf32, #tpu.memory_space<vmem>>, vector<16xf32>,
        } {sc.loop_unroll_factor = 2 : i64, sc.parallel_access}
        %add3A_733 = arith.constant 3 : i32
        %add3A_734 = arith.addi %add3A_488, %add3A_733 : i32
        %min3A_735 = arith.constant 24 : i32
        %min3A_736 = arith.minsi %add3A_734, %min3A_735 : i32
        %jit3A_737 = arith.constant 5 : i32
        %div3A_738 = arith.divsi %min3A_736, %jit3A_737 : i32
        %sign3A_739 = arith.constant 0 : i32
        %sign3A_740 = arith.cmpi sgt, %min3A_736, %sign3A_739 : i32
        %sign3A_741 = arith.extui %sign3A_740 : i1 to i32
        %sign3A_742 = arith.constant 0 : i32
        %sign3A_743 = arith.cmpi slt, %min3A_736, %sign3A_742 : i32
        %sign3A_744 = arith.extui %sign3A_743 : i1 to i32
        %sign3A_745 = arith.subi %sign3A_741, %sign3A_744 : i32
        %sign3A_746 = arith.constant 0 : i32
        %sign3A_747 = arith.cmpi sgt, %jit3A_737, %sign3A_746 : i32
        %sign3A_748 = arith.extui %sign3A_747 : i1 to i32
        %sign3A_749 = arith.constant 0 : i32
        %sign3A_750 = arith.cmpi slt, %jit3A_737, %sign3A_749 : i32
        %sign3A_751 = arith.extui %sign3A_750 : i1 to i32
        %sign3A_752 = arith.subi %sign3A_748, %sign3A_751 : i32
        %ne3A_753 = arith.cmpi ne, %sign3A_745, %sign3A_752 : i32
        %rem3A_754 = arith.remsi %min3A_736, %jit3A_737 : i32
        %ne3A_755 = arith.constant 0 : i32
        %ne3A_756 = arith.cmpi ne, %rem3A_754, %ne3A_755 : i32
        %and3A_757 = arith.andi %ne3A_753, %ne3A_756 : i1
        %sub3A_758 = arith.constant 1 : i32
        %sub3A_759 = arith.subi %div3A_738, %sub3A_758 : i32
        %select_n3A_760 = arith.select %and3A_757, %sub3A_759, %div3A_738 : i32
        %jit3A_761 = arith.constant 5 : i32
        %eq3A_762 = arith.constant 0 : i32
        %eq3A_763 = arith.cmpi eq, %jit3A_761, %eq3A_762 : i32
        %jit3A_764 = arith.constant 1 : i32
        %select_n3A_765 = arith.select %eq3A_763, %jit3A_764, %jit3A_761 : i32
        %rem3A_766 = arith.remsi %min3A_736, %select_n3A_765 : i32
        %ne3A_767 = arith.constant 0 : i32
        %ne3A_768 = arith.cmpi ne, %rem3A_766, %ne3A_767 : i32
        %lt3A_769 = arith.constant 0 : i32
        %lt3A_770 = arith.cmpi slt, %rem3A_766, %lt3A_769 : i32
        %lt3A_771 = arith.constant 0 : i32
        %lt3A_772 = arith.cmpi slt, %select_n3A_765, %lt3A_771 : i32
        %ne3A_773 = arith.xori %lt3A_770, %lt3A_772 : i1
        %and3A_774 = arith.andi %ne3A_773, %ne3A_768 : i1
        %add3A_775 = arith.addi %rem3A_766, %select_n3A_765 : i32
        %select_n3A_776 = arith.select %and3A_774, %add3A_775, %rem3A_766 : i32
        %dma_start3A_777 = tpu.memref_slice %arg5[%select_n3A_74, %min3A_736, %mul3A_94] : memref<8x25x50176xf32, #tpu.memory_space<hbm>> -> memref<1x1x6272xf32, #tpu.memory_space<hbm>>
        %dma_start3A_778 = tpu.memref_squeeze %dma_start3A_777 : memref<1x1x6272xf32, #tpu.memory_space<hbm>> -> memref<6272xf32, #tpu.memory_space<hbm>>
        %dma_start3A_779 = tpu.memref_slice %arg5[%select_n3A_74, %min3A_736, %mul3A_94] : memref<8x25x50176xf32, #tpu.memory_space<hbm>> -> memref<1x1x6272xf32, #tpu.memory_space<hbm>>
        %dma_start3A_780 = tpu.memref_squeeze %dma_start3A_779 : memref<1x1x6272xf32, #tpu.memory_space<hbm>> -> memref<6272xf32, #tpu.memory_space<hbm>>
        tpu.enqueue_dma source(%dma_start3A_780 : memref<6272xf32, #tpu.memory_space<hbm>>) target(%arg11 : memref<6272xf32, #tpu.memory_space<vmem>>) target_semaphore(%arg21 : memref<!tpu.dma_semaphore, #tpu.memory_space<semaphore_mem>>)
        %dma_start3A_781 = tpu.memref_slice %arg6[%select_n3A_74, %min3A_736, %mul3A_94] : memref<8x25x50176xf32, #tpu.memory_space<hbm>> -> memref<1x1x6272xf32, #tpu.memory_space<hbm>>
        %dma_start3A_782 = tpu.memref_squeeze %dma_start3A_781 : memref<1x1x6272xf32, #tpu.memory_space<hbm>> -> memref<6272xf32, #tpu.memory_space<hbm>>
        %dma_start3A_783 = tpu.memref_slice %arg6[%select_n3A_74, %min3A_736, %mul3A_94] : memref<8x25x50176xf32, #tpu.memory_space<hbm>> -> memref<1x1x6272xf32, #tpu.memory_space<hbm>>
        %dma_start3A_784 = tpu.memref_squeeze %dma_start3A_783 : memref<1x1x6272xf32, #tpu.memory_space<hbm>> -> memref<6272xf32, #tpu.memory_space<hbm>>
        tpu.enqueue_dma source(%dma_start3A_784 : memref<6272xf32, #tpu.memory_space<hbm>>) target(%arg12 : memref<6272xf32, #tpu.memory_space<vmem>>) target_semaphore(%arg21 : memref<!tpu.dma_semaphore, #tpu.memory_space<semaphore_mem>>)
        %dma_start3A_785 = tpu.memref_slice %arg7[%select_n3A_74, %min3A_736, %mul3A_94] : memref<8x25x50176xf32, #tpu.memory_space<hbm>> -> memref<1x1x6272xf32, #tpu.memory_space<hbm>>
        %dma_start3A_786 = tpu.memref_squeeze %dma_start3A_785 : memref<1x1x6272xf32, #tpu.memory_space<hbm>> -> memref<6272xf32, #tpu.memory_space<hbm>>
        %dma_start3A_787 = tpu.memref_slice %arg7[%select_n3A_74, %min3A_736, %mul3A_94] : memref<8x25x50176xf32, #tpu.memory_space<hbm>> -> memref<1x1x6272xf32, #tpu.memory_space<hbm>>
        %dma_start3A_788 = tpu.memref_squeeze %dma_start3A_787 : memref<1x1x6272xf32, #tpu.memory_space<hbm>> -> memref<6272xf32, #tpu.memory_space<hbm>>
        tpu.enqueue_dma source(%dma_start3A_788 : memref<6272xf32, #tpu.memory_space<hbm>>) target(%arg13 : memref<6272xf32, #tpu.memory_space<vmem>>) target_semaphore(%arg21 : memref<!tpu.dma_semaphore, #tpu.memory_space<semaphore_mem>>)
        %dma_start3A_789 = tpu.memref_slice %arg3[%select_n3A_74, %select_n3A_760, %mul3A_94] : memref<8x5x50176xf32, #tpu.memory_space<hbm>> -> memref<1x1x6272xf32, #tpu.memory_space<hbm>>
        %dma_start3A_790 = tpu.memref_squeeze %dma_start3A_789 : memref<1x1x6272xf32, #tpu.memory_space<hbm>> -> memref<6272xf32, #tpu.memory_space<hbm>>
        %dma_start3A_791 = tpu.memref_slice %arg3[%select_n3A_74, %select_n3A_760, %mul3A_94] : memref<8x5x50176xf32, #tpu.memory_space<hbm>> -> memref<1x1x6272xf32, #tpu.memory_space<hbm>>
        %dma_start3A_792 = tpu.memref_squeeze %dma_start3A_791 : memref<1x1x6272xf32, #tpu.memory_space<hbm>> -> memref<6272xf32, #tpu.memory_space<hbm>>
        tpu.enqueue_dma source(%dma_start3A_792 : memref<6272xf32, #tpu.memory_space<hbm>>) target(%arg14 : memref<6272xf32, #tpu.memory_space<vmem>>) target_semaphore(%arg21 : memref<!tpu.dma_semaphore, #tpu.memory_space<semaphore_mem>>)
        %dma_start3A_793 = tpu.memref_slice %arg4[%select_n3A_74, %select_n3A_776, %mul3A_94] : memref<8x5x50176xf32, #tpu.memory_space<hbm>> -> memref<1x1x6272xf32, #tpu.memory_space<hbm>>
        %dma_start3A_794 = tpu.memref_squeeze %dma_start3A_793 : memref<1x1x6272xf32, #tpu.memory_space<hbm>> -> memref<6272xf32, #tpu.memory_space<hbm>>
        %dma_start3A_795 = tpu.memref_slice %arg4[%select_n3A_74, %select_n3A_776, %mul3A_94] : memref<8x5x50176xf32, #tpu.memory_space<hbm>> -> memref<1x1x6272xf32, #tpu.memory_space<hbm>>
        %dma_start3A_796 = tpu.memref_squeeze %dma_start3A_795 : memref<1x1x6272xf32, #tpu.memory_space<hbm>> -> memref<6272xf32, #tpu.memory_space<hbm>>
        tpu.enqueue_dma source(%dma_start3A_796 : memref<6272xf32, #tpu.memory_space<hbm>>) target(%arg15 : memref<6272xf32, #tpu.memory_space<vmem>>) target_semaphore(%arg21 : memref<!tpu.dma_semaphore, #tpu.memory_space<semaphore_mem>>)
        %scan3A_797 = arith.constant 0 : i32
        scf.yield %scan3A_797 : i32
      }
      %scan3A_401 = arith.constant 12 : i32
      %dma_wait3A_402 = arith.constant 0 : i32
      %dma_wait3A_403 = arith.constant 0 : i32
      %dma_wait3A_404 = arith.constant 0 : i32
      %dma_wait3A_405 = tpu.memref_slice %arg5[%dma_wait3A_402, %dma_wait3A_403, %dma_wait3A_404] : memref<8x25x50176xf32, #tpu.memory_space<hbm>> -> memref<1x1x6272xf32, #tpu.memory_space<hbm>>
      %dma_wait3A_406 = tpu.memref_squeeze %dma_wait3A_405 : memref<1x1x6272xf32, #tpu.memory_space<hbm>> -> memref<6272xf32, #tpu.memory_space<hbm>>
      %dma_wait3A_407 = arith.constant 0 : i32
      %dma_wait3A_408 = tpu.memref_slice %arg5[%dma_wait3A_402, %dma_wait3A_403, %dma_wait3A_407] : memref<8x25x50176xf32, #tpu.memory_space<hbm>> -> memref<1x1x6272xf32, #tpu.memory_space<hbm>>
      %dma_wait3A_409 = tpu.memref_squeeze %dma_wait3A_408 : memref<1x1x6272xf32, #tpu.memory_space<hbm>> -> memref<6272xf32, #tpu.memory_space<hbm>>
      tpu.wait_dma2 semaphore(%arg22 : memref<!tpu.dma_semaphore, #tpu.memory_space<semaphore_mem>>) src(%dma_wait3A_409 : memref<6272xf32, #tpu.memory_space<hbm>>) dst(%arg16 : memref<6272xf32, #tpu.memory_space<vmem>>)
      %dma_wait3A_410 = arith.constant 0 : i32
      %dma_wait3A_411 = arith.constant 0 : i32
      %dma_wait3A_412 = arith.constant 0 : i32
      %dma_wait3A_413 = tpu.memref_slice %arg6[%dma_wait3A_410, %dma_wait3A_411, %dma_wait3A_412] : memref<8x25x50176xf32, #tpu.memory_space<hbm>> -> memref<1x1x6272xf32, #tpu.memory_space<hbm>>
      %dma_wait3A_414 = tpu.memref_squeeze %dma_wait3A_413 : memref<1x1x6272xf32, #tpu.memory_space<hbm>> -> memref<6272xf32, #tpu.memory_space<hbm>>
      %dma_wait3A_415 = arith.constant 0 : i32
      %dma_wait3A_416 = tpu.memref_slice %arg6[%dma_wait3A_410, %dma_wait3A_411, %dma_wait3A_415] : memref<8x25x50176xf32, #tpu.memory_space<hbm>> -> memref<1x1x6272xf32, #tpu.memory_space<hbm>>
      %dma_wait3A_417 = tpu.memref_squeeze %dma_wait3A_416 : memref<1x1x6272xf32, #tpu.memory_space<hbm>> -> memref<6272xf32, #tpu.memory_space<hbm>>
      tpu.wait_dma2 semaphore(%arg22 : memref<!tpu.dma_semaphore, #tpu.memory_space<semaphore_mem>>) src(%dma_wait3A_417 : memref<6272xf32, #tpu.memory_space<hbm>>) dst(%arg17 : memref<6272xf32, #tpu.memory_space<vmem>>)
      %dma_wait3A_418 = arith.constant 0 : i32
      %dma_wait3A_419 = arith.constant 0 : i32
      %dma_wait3A_420 = arith.constant 0 : i32
      %dma_wait3A_421 = tpu.memref_slice %arg7[%dma_wait3A_418, %dma_wait3A_419, %dma_wait3A_420] : memref<8x25x50176xf32, #tpu.memory_space<hbm>> -> memref<1x1x6272xf32, #tpu.memory_space<hbm>>
      %dma_wait3A_422 = tpu.memref_squeeze %dma_wait3A_421 : memref<1x1x6272xf32, #tpu.memory_space<hbm>> -> memref<6272xf32, #tpu.memory_space<hbm>>
      %dma_wait3A_423 = arith.constant 0 : i32
      %dma_wait3A_424 = tpu.memref_slice %arg7[%dma_wait3A_418, %dma_wait3A_419, %dma_wait3A_423] : memref<8x25x50176xf32, #tpu.memory_space<hbm>> -> memref<1x1x6272xf32, #tpu.memory_space<hbm>>
      %dma_wait3A_425 = tpu.memref_squeeze %dma_wait3A_424 : memref<1x1x6272xf32, #tpu.memory_space<hbm>> -> memref<6272xf32, #tpu.memory_space<hbm>>
      tpu.wait_dma2 semaphore(%arg22 : memref<!tpu.dma_semaphore, #tpu.memory_space<semaphore_mem>>) src(%dma_wait3A_425 : memref<6272xf32, #tpu.memory_space<hbm>>) dst(%arg18 : memref<6272xf32, #tpu.memory_space<vmem>>)
      %dma_wait3A_426 = arith.constant 0 : i32
      %dma_wait3A_427 = arith.constant 0 : i32
      %dma_wait3A_428 = arith.constant 0 : i32
      %dma_wait3A_429 = tpu.memref_slice %arg3[%dma_wait3A_426, %dma_wait3A_427, %dma_wait3A_428] : memref<8x5x50176xf32, #tpu.memory_space<hbm>> -> memref<1x1x6272xf32, #tpu.memory_space<hbm>>
      %dma_wait3A_430 = tpu.memref_squeeze %dma_wait3A_429 : memref<1x1x6272xf32, #tpu.memory_space<hbm>> -> memref<6272xf32, #tpu.memory_space<hbm>>
      %dma_wait3A_431 = arith.constant 0 : i32
      %dma_wait3A_432 = tpu.memref_slice %arg3[%dma_wait3A_426, %dma_wait3A_427, %dma_wait3A_431] : memref<8x5x50176xf32, #tpu.memory_space<hbm>> -> memref<1x1x6272xf32, #tpu.memory_space<hbm>>
      %dma_wait3A_433 = tpu.memref_squeeze %dma_wait3A_432 : memref<1x1x6272xf32, #tpu.memory_space<hbm>> -> memref<6272xf32, #tpu.memory_space<hbm>>
      tpu.wait_dma2 semaphore(%arg22 : memref<!tpu.dma_semaphore, #tpu.memory_space<semaphore_mem>>) src(%dma_wait3A_433 : memref<6272xf32, #tpu.memory_space<hbm>>) dst(%arg19 : memref<6272xf32, #tpu.memory_space<vmem>>)
      %dma_wait3A_434 = arith.constant 0 : i32
      %dma_wait3A_435 = arith.constant 0 : i32
      %dma_wait3A_436 = arith.constant 0 : i32
      %dma_wait3A_437 = tpu.memref_slice %arg4[%dma_wait3A_434, %dma_wait3A_435, %dma_wait3A_436] : memref<8x5x50176xf32, #tpu.memory_space<hbm>> -> memref<1x1x6272xf32, #tpu.memory_space<hbm>>
      %dma_wait3A_438 = tpu.memref_squeeze %dma_wait3A_437 : memref<1x1x6272xf32, #tpu.memory_space<hbm>> -> memref<6272xf32, #tpu.memory_space<hbm>>
      %dma_wait3A_439 = arith.constant 0 : i32
      %dma_wait3A_440 = tpu.memref_slice %arg4[%dma_wait3A_434, %dma_wait3A_435, %dma_wait3A_439] : memref<8x5x50176xf32, #tpu.memory_space<hbm>> -> memref<1x1x6272xf32, #tpu.memory_space<hbm>>
      %dma_wait3A_441 = tpu.memref_squeeze %dma_wait3A_440 : memref<1x1x6272xf32, #tpu.memory_space<hbm>> -> memref<6272xf32, #tpu.memory_space<hbm>>
      tpu.wait_dma2 semaphore(%arg22 : memref<!tpu.dma_semaphore, #tpu.memory_space<semaphore_mem>>) src(%dma_wait3A_441 : memref<6272xf32, #tpu.memory_space<hbm>>) dst(%arg20 : memref<6272xf32, #tpu.memory_space<vmem>>)
      %dma_wait3A_442 = arith.constant 0 : i32
      %dma_wait3A_443 = arith.constant 0 : i32
      %dma_wait3A_444 = arith.constant 0 : i32
      %dma_wait3A_445 = tpu.memref_slice %arg5[%dma_wait3A_442, %dma_wait3A_443, %dma_wait3A_444] : memref<8x25x50176xf32, #tpu.memory_space<hbm>> -> memref<1x1x6272xf32, #tpu.memory_space<hbm>>
      %dma_wait3A_446 = tpu.memref_squeeze %dma_wait3A_445 : memref<1x1x6272xf32, #tpu.memory_space<hbm>> -> memref<6272xf32, #tpu.memory_space<hbm>>
      %dma_wait3A_447 = arith.constant 0 : i32
      %dma_wait3A_448 = tpu.memref_slice %arg5[%dma_wait3A_442, %dma_wait3A_443, %dma_wait3A_447] : memref<8x25x50176xf32, #tpu.memory_space<hbm>> -> memref<1x1x6272xf32, #tpu.memory_space<hbm>>
      %dma_wait3A_449 = tpu.memref_squeeze %dma_wait3A_448 : memref<1x1x6272xf32, #tpu.memory_space<hbm>> -> memref<6272xf32, #tpu.memory_space<hbm>>
      tpu.wait_dma2 semaphore(%arg21 : memref<!tpu.dma_semaphore, #tpu.memory_space<semaphore_mem>>) src(%dma_wait3A_449 : memref<6272xf32, #tpu.memory_space<hbm>>) dst(%arg11 : memref<6272xf32, #tpu.memory_space<vmem>>)
      %dma_wait3A_450 = arith.constant 0 : i32
      %dma_wait3A_451 = arith.constant 0 : i32
      %dma_wait3A_452 = arith.constant 0 : i32
      %dma_wait3A_453 = tpu.memref_slice %arg6[%dma_wait3A_450, %dma_wait3A_451, %dma_wait3A_452] : memref<8x25x50176xf32, #tpu.memory_space<hbm>> -> memref<1x1x6272xf32, #tpu.memory_space<hbm>>
      %dma_wait3A_454 = tpu.memref_squeeze %dma_wait3A_453 : memref<1x1x6272xf32, #tpu.memory_space<hbm>> -> memref<6272xf32, #tpu.memory_space<hbm>>
      %dma_wait3A_455 = arith.constant 0 : i32
      %dma_wait3A_456 = tpu.memref_slice %arg6[%dma_wait3A_450, %dma_wait3A_451, %dma_wait3A_455] : memref<8x25x50176xf32, #tpu.memory_space<hbm>> -> memref<1x1x6272xf32, #tpu.memory_space<hbm>>
      %dma_wait3A_457 = tpu.memref_squeeze %dma_wait3A_456 : memref<1x1x6272xf32, #tpu.memory_space<hbm>> -> memref<6272xf32, #tpu.memory_space<hbm>>
      tpu.wait_dma2 semaphore(%arg21 : memref<!tpu.dma_semaphore, #tpu.memory_space<semaphore_mem>>) src(%dma_wait3A_457 : memref<6272xf32, #tpu.memory_space<hbm>>) dst(%arg12 : memref<6272xf32, #tpu.memory_space<vmem>>)
      %dma_wait3A_458 = arith.constant 0 : i32
      %dma_wait3A_459 = arith.constant 0 : i32
      %dma_wait3A_460 = arith.constant 0 : i32
      %dma_wait3A_461 = tpu.memref_slice %arg7[%dma_wait3A_458, %dma_wait3A_459, %dma_wait3A_460] : memref<8x25x50176xf32, #tpu.memory_space<hbm>> -> memref<1x1x6272xf32, #tpu.memory_space<hbm>>
      %dma_wait3A_462 = tpu.memref_squeeze %dma_wait3A_461 : memref<1x1x6272xf32, #tpu.memory_space<hbm>> -> memref<6272xf32, #tpu.memory_space<hbm>>
      %dma_wait3A_463 = arith.constant 0 : i32
      %dma_wait3A_464 = tpu.memref_slice %arg7[%dma_wait3A_458, %dma_wait3A_459, %dma_wait3A_463] : memref<8x25x50176xf32, #tpu.memory_space<hbm>> -> memref<1x1x6272xf32, #tpu.memory_space<hbm>>
      %dma_wait3A_465 = tpu.memref_squeeze %dma_wait3A_464 : memref<1x1x6272xf32, #tpu.memory_space<hbm>> -> memref<6272xf32, #tpu.memory_space<hbm>>
      tpu.wait_dma2 semaphore(%arg21 : memref<!tpu.dma_semaphore, #tpu.memory_space<semaphore_mem>>) src(%dma_wait3A_465 : memref<6272xf32, #tpu.memory_space<hbm>>) dst(%arg13 : memref<6272xf32, #tpu.memory_space<vmem>>)
      %dma_wait3A_466 = arith.constant 0 : i32
      %dma_wait3A_467 = arith.constant 0 : i32
      %dma_wait3A_468 = arith.constant 0 : i32
      %dma_wait3A_469 = tpu.memref_slice %arg3[%dma_wait3A_466, %dma_wait3A_467, %dma_wait3A_468] : memref<8x5x50176xf32, #tpu.memory_space<hbm>> -> memref<1x1x6272xf32, #tpu.memory_space<hbm>>
      %dma_wait3A_470 = tpu.memref_squeeze %dma_wait3A_469 : memref<1x1x6272xf32, #tpu.memory_space<hbm>> -> memref<6272xf32, #tpu.memory_space<hbm>>
      %dma_wait3A_471 = arith.constant 0 : i32
      %dma_wait3A_472 = tpu.memref_slice %arg3[%dma_wait3A_466, %dma_wait3A_467, %dma_wait3A_471] : memref<8x5x50176xf32, #tpu.memory_space<hbm>> -> memref<1x1x6272xf32, #tpu.memory_space<hbm>>
      %dma_wait3A_473 = tpu.memref_squeeze %dma_wait3A_472 : memref<1x1x6272xf32, #tpu.memory_space<hbm>> -> memref<6272xf32, #tpu.memory_space<hbm>>
      tpu.wait_dma2 semaphore(%arg21 : memref<!tpu.dma_semaphore, #tpu.memory_space<semaphore_mem>>) src(%dma_wait3A_473 : memref<6272xf32, #tpu.memory_space<hbm>>) dst(%arg14 : memref<6272xf32, #tpu.memory_space<vmem>>)
      %dma_wait3A_474 = arith.constant 0 : i32
      %dma_wait3A_475 = arith.constant 0 : i32
      %dma_wait3A_476 = arith.constant 0 : i32
      %dma_wait3A_477 = tpu.memref_slice %arg4[%dma_wait3A_474, %dma_wait3A_475, %dma_wait3A_476] : memref<8x5x50176xf32, #tpu.memory_space<hbm>> -> memref<1x1x6272xf32, #tpu.memory_space<hbm>>
      %dma_wait3A_478 = tpu.memref_squeeze %dma_wait3A_477 : memref<1x1x6272xf32, #tpu.memory_space<hbm>> -> memref<6272xf32, #tpu.memory_space<hbm>>
      %dma_wait3A_479 = arith.constant 0 : i32
      %dma_wait3A_480 = tpu.memref_slice %arg4[%dma_wait3A_474, %dma_wait3A_475, %dma_wait3A_479] : memref<8x5x50176xf32, #tpu.memory_space<hbm>> -> memref<1x1x6272xf32, #tpu.memory_space<hbm>>
      %dma_wait3A_481 = tpu.memref_squeeze %dma_wait3A_480 : memref<1x1x6272xf32, #tpu.memory_space<hbm>> -> memref<6272xf32, #tpu.memory_space<hbm>>
      tpu.wait_dma2 semaphore(%arg21 : memref<!tpu.dma_semaphore, #tpu.memory_space<semaphore_mem>>) src(%dma_wait3A_481 : memref<6272xf32, #tpu.memory_space<hbm>>) dst(%arg15 : memref<6272xf32, #tpu.memory_space<vmem>>)
      "tpu.region"() ({
        %run_scoped3A = tpu.sem_alloc : memref<!tpu.dma_semaphore, #tpu.memory_space<semaphore_mem>>
        %dma_start3A_483 = tpu.memref_slice %arg8[%select_n3A_74, %select_n3A_90, %mul3A_94] : memref<8x3x50176xf32, #tpu.memory_space<hbm>> -> memref<1x1x6272xf32, #tpu.memory_space<hbm>>
        %dma_start3A_484 = tpu.memref_squeeze %dma_start3A_483 : memref<1x1x6272xf32, #tpu.memory_space<hbm>> -> memref<6272xf32, #tpu.memory_space<hbm>>
        %dma_start3A_485 = tpu.memref_slice %arg8[%select_n3A_74, %select_n3A_90, %mul3A_94] : memref<8x3x50176xf32, #tpu.memory_space<hbm>> -> memref<1x1x6272xf32, #tpu.memory_space<hbm>>
        %dma_start3A_486 = tpu.memref_squeeze %dma_start3A_485 : memref<1x1x6272xf32, #tpu.memory_space<hbm>> -> memref<6272xf32, #tpu.memory_space<hbm>>
        tpu.enqueue_dma source(%arg10 : memref<6272xf32, #tpu.memory_space<vmem>>) target(%dma_start3A_486 : memref<6272xf32, #tpu.memory_space<hbm>>) target_semaphore(%run_scoped3A : memref<!tpu.dma_semaphore, #tpu.memory_space<semaphore_mem>>)
        %dma_wait3A_487 = tpu.memref_slice %arg8[%select_n3A_74, %select_n3A_90, %mul3A_94] : memref<8x3x50176xf32, #tpu.memory_space<hbm>> -> memref<1x1x6272xf32, #tpu.memory_space<hbm>>
        %dma_wait3A_488 = tpu.memref_squeeze %dma_wait3A_487 : memref<1x1x6272xf32, #tpu.memory_space<hbm>> -> memref<6272xf32, #tpu.memory_space<hbm>>
        %dma_wait3A_489 = tpu.memref_slice %arg8[%select_n3A_74, %select_n3A_90, %mul3A_94] : memref<8x3x50176xf32, #tpu.memory_space<hbm>> -> memref<1x1x6272xf32, #tpu.memory_space<hbm>>
        %dma_wait3A_490 = tpu.memref_squeeze %dma_wait3A_489 : memref<1x1x6272xf32, #tpu.memory_space<hbm>> -> memref<6272xf32, #tpu.memory_space<hbm>>
        tpu.wait_dma2 semaphore(%run_scoped3A : memref<!tpu.dma_semaphore, #tpu.memory_space<semaphore_mem>>) src(%arg10 : memref<6272xf32, #tpu.memory_space<vmem>>) dst(%dma_wait3A_490 : memref<6272xf32, #tpu.memory_space<hbm>>)
        tpu.yield
      }) : () -> ()
      %scan3A_482 = arith.constant 0 : i32
      scf.yield %scan3A_482 : i32
    }
    %scan3A_7 = arith.constant 6 : i32
    return
  }
}

</mosaic_0001>

<sc_bundles>
// kernel: kernel.3.cloned.1.call-start
scs
__scs_entry_jumppad:
0x0: {  	(pc) =	sbr.rel $0x88, $3  }
0x1: {  	(tag) =	ssettag $0x0;
	lr =	simm.s32 $0x1  }
0x2: {  	[smem:$0x3F9B] =	sst lr;
	_ =	strace $0xD0000000  }
0x3: {  	_ = 	snop  }
0x4: {  	_ = 	snop  }
0x5: {  	_ = 	snop  }
0x6: {  	_ = 	snop  }
0x7: {  	_ = 	snop  }
__scs_overlays_trampoline_lowered:
0x8: {  	[smem:$0x3FAA] =	sst s0  }
0x9: {  	[smem:$0x3FAB] =	sst s1  }
0xa: {  	[smem:$0x3FAC] =	sst s2  }
0xb: {  	[smem:$0x3FAD] =	sst s3  }
0xc: {  	[smem:$0x3FAE] =	sst s4  }
0xd: {  	[smem:$0x3FAF] =	sst s5  }
0xe: {  	[smem:$0x3FB0] =	sst s6  }
0xf: {  	[smem:$0x3FB1] =	sst s7  }
0x10: {  	[smem:$0x3FB2] =	sst s8  }
0x11: {  	[smem:$0x3FB3] =	sst s9;
	s0 =	simm.s32 @!p0 $0x0  }
0x12: {  	s1 =	sld [smem:$0x3F99];
	s0 =	simm.s32 @p0 $0x1  }
0x13: {  	[smem:$0x3FB4] =	sst s0;
	s0 =	simm.s32 @!p1 $0x0  }
0x14: {  	s2 =	sld [smem:$0x3F98];
	s0 =	simm.s32 @p1 $0x1  }
0x15: {  	[smem:$0x3FB5] =	sst s0;
	s0 =	simm.s32 @!p2 $0x0  }
0x16: {  	s3 =	sld [smem:$0x3FDB];
	s0 =	simm.s32 @p2 $0x1  }
0x17: {  	s4 =	simm.s32 $0x1BF5;
	[smem:$0x3FB7] =	sst s0  }
0x18: {  	s0 =	sld [smem:$0x3F9A];
	_ =	swait.ge [sflag:s4], $0x0  }
0x19: {  	s7 =	sld [smem:$0x3F9B]  }
0x1a: {  	s8 =	sadd.s32 $0xFFFFE003, lr  }
0x1b: {  	s9 =	sadd.s32 $0xFFFFFEF7, lr;
	s5 =	simm.s32 $0xFFFFFFFF;
	p2 =	slt.u32 s8, $0xFFFFF086  }
0x1c: {  	p1 =	slt.u32 s9, $0xF7A;
	s5 =	simm.s32 @!p2 $0x0  }
0x1d: {  	s5 =	simm.s32 @p1 $0x1;
	p0 =	seq.s32 s7, s2  }
0x1e: {  	s7 =	smul.u32 @!p0 $0xF7A, s2;
	p2 =	seq.s32 @!p0 s5, $0x0  }
0x1f: {  	s9 =	smul.u32 $0xF7A, s1;
	s8 =	simm.s32 @!p0 $0x1BF5;
	p2 =	por !p2, p0  }
0x20: {  	[sflag:s8] =	ssyncset.s32 @!p0 $0xFFFFF086;
	s6 =	sadd.s32 @!p0 s3, s7;
	s7 =	simm.s32 @!p0 $0x108  }
0x21: {  	s3 =	sadd.s32 s3, s9;
	s6 =	sadd.s32 @!p0 $0x88, s6;
	s7 =	simm.s32 @p2 $0x1082  }
0x22: {  	[simem:s7], [sflag:s8] =	dma.local @!p0 [hbm:s6], $0xF7A  }
0x23: {  	s9 =	sor.u32 $0xD0000000, s2;
	s6 =	simm.s32 $0x108;
	_ =	swait.ge @!p0 [sflag:s8], $0x0  }
0x24: {  	s3 =	sadd.s32 $0x88, s3;
	s6 =	simm.s32 @!p1 $0x1082;
	[sflag:s4] =	ssyncset.s32 $0xFFFFF086  }
0x25: {  	[simem:s6], [sflag:s4] =	dma.local [hbm:s3], $0xF7A  }
0x26: {  	[smem:$0x3F9B] =	sst s1;
	(tag) =	ssettag s2;
	_ =	strace s9  }
0x27: {  	s1 =	sld [smem:$0x3FAB]  }
0x28: {  	s2 =	sld [smem:$0x3FAC]  }
0x29: {  	s4 =	sld [smem:$0x3FAE]  }
0x2a: {  	p0 =	seq.s32 s5, $0x0;
	s5 =	sld [smem:$0x3FAF]  }
0x2b: {  	s6 =	sld [smem:$0x3FB0]  }
0x2c: {  	s7 =	sld [smem:$0x3FB1]  }
0x2d: {  	s3 =	simm.s32 $0x108;
	s8 =	sld [smem:$0x3FB2]  }
0x2e: {  	s3 =	simm.s32 @!p0 $0x1082;
	s9 =	sld [smem:$0x3FB3]  }
0x2f: {  	lr =	sadd.s32 s0, s3;
	s0 =	sld [smem:$0x3FAA]  }
0x30: {  	s3 =	sld [smem:$0x3FAD]  }
0x31: {  	[smem:$0x3FB6] =	sst s10  }
0x32: {  	s10 =	sld [smem:$0x3FB4];
	_ =	sdelay $0x3  }
0x33: {  	p0 =	seq.s32 s10, $0x1;
	s10 =	sld [smem:$0x3FB6];
	_ =	sdelay $0x3  }
0x34: {  	[smem:$0x3FB6] =	sst s10  }
0x35: {  	s10 =	sld [smem:$0x3FB5];
	_ =	sdelay $0x3  }
0x36: {  	p1 =	seq.s32 s10, $0x1;
	s10 =	sld [smem:$0x3FB6];
	_ =	sdelay $0x3  }
0x37: {  	[smem:$0x3FB6] =	sst s10  }
0x38: {  	s10 =	sld [smem:$0x3FB7]  }
0x39: {  	_ = 	snop;
	(pc) =	sbr.ind lr, $3  }
0x3a: {  	_ = 	snop  }
0x3b: {  	_ = 	snop  }
0x3c: {  	p2 =	seq.s32 s10, $0x1;
	s10 =	sld [smem:$0x3FB6]  }
0x3d: {  	_ =	shalt  }
0x3e: {  	_ =	shalt  }
0x3f: {  	_ =	shalt  }
0x40: {  	_ =	shalt  }
0x41: {  	_ =	shalt  }
0x42: {  	_ =	shalt  }
0x43: {  	_ =	shalt  }
0x44: {  	_ =	shalt  }
0x45: {  	_ =	shalt  }
0x46: {  	_ =	shalt  }
0x47: {  	_ =	shalt  }
0x48: {  	_ =	shalt  }
0x49: {  	_ =	shalt  }
0x4a: {  	_ =	shalt  }
0x4b: {  	_ =	shalt  }
0x4c: {  	_ =	shalt  }
0x4d: {  	_ =	shalt  }
0x4e: {  	_ =	shalt  }
0x4f: {  	_ =	shalt  }
0x50: {  	_ =	shalt  }
0x51: {  	_ =	shalt  }
0x52: {  	_ =	shalt  }
0x53: {  	_ =	shalt  }
0x54: {  	_ =	shalt  }
0x55: {  	_ =	shalt  }
0x56: {  	_ =	shalt  }
0x57: {  	_ =	shalt  }
0x58: {  	_ =	shalt  }
0x59: {  	_ =	shalt  }
0x5a: {  	_ =	shalt  }
0x5b: {  	_ =	shalt  }
0x5c: {  	_ =	shalt  }
0x5d: {  	_ =	shalt  }
0x5e: {  	_ =	shalt  }
0x5f: {  	_ =	shalt  }
0x60: {  	_ =	shalt  }
0x61: {  	_ =	shalt  }
0x62: {  	_ =	shalt  }
0x63: {  	_ =	shalt  }
0x64: {  	_ =	shalt  }
0x65: {  	_ =	shalt  }
0x66: {  	_ =	shalt  }
0x67: {  	_ =	shalt  }
0x68: {  	_ =	shalt  }
0x69: {  	_ =	shalt  }
0x6a: {  	_ =	shalt  }
0x6b: {  	_ =	shalt  }
0x6c: {  	_ =	shalt  }
0x6d: {  	_ =	shalt  }
0x6e: {  	_ =	shalt  }
0x6f: {  	_ =	shalt  }
0x70: {  	_ =	shalt  }
0x71: {  	_ =	shalt  }
0x72: {  	_ =	shalt  }
0x73: {  	_ =	shalt  }
0x74: {  	_ =	shalt  }
0x75: {  	_ =	shalt  }
0x76: {  	_ =	shalt  }
0x77: {  	_ =	shalt  }
0x78: {  	_ =	shalt  }
0x79: {  	_ =	shalt  }
0x7a: {  	_ =	shalt  }
0x7b: {  	_ =	shalt  }
0x7c: {  	_ =	shalt  }
0x7d: {  	_ =	shalt  }
0x7e: {  	_ =	shalt  }
0x7f: {  	_ =	shalt  }
0x80: {  	_ =	shalt  }
0x81: {  	_ =	shalt  }
0x82: {  	_ =	shalt  }
0x83: {  	_ =	shalt  }
0x84: {  	_ =	shalt  }
0x85: {  	_ =	shalt  }
0x86: {  	_ =	shalt  }
0x87: {  	_ =	shalt  }
.Lfunc_end0:
.L_simem_size_0:
called_computation_lowered:
.L_overlay_start_0:
0x88: {  	s2 =	sld [smem:$0x3FD9]  }
0x89: {  	s3 =	sld [smem:$0x3FFE];
	_ =	sdelay $0x1  }
0x8a: {  	s1 =	srdreg.scid  }
0x8b: {  	s0 =	sand.u32 $0x1, s1  }
0x8c: {  	s17 =	sshll.u32 s0, $0xA;
	s2 =	sadd.s32 s3, s2  }
0x8d: {  	s2 =	sadd.s32 s2, s17  }
0x8e: {  	[smem:$0x3FC2] =	sst s2  }
0x8f: {  	_ = 	snop  }
0x90: {  	s2 =	sld [smem:$0x3FD0];
	(tm) =	ssettm $0x1  }
0x91: {  	s18 =	sld [smem:$0x3FFB];
	_ =	sdelay $0x3  }
0x92: {  	_ =	strace s18  }
0x93: {  	s3 =	sld [smem:$0x3FFC];
	_ =	sdelay $0x3  }
0x94: {  	_ =	strace s3  }
0x95: {  	s3 =	sld [smem:$0x3FFD];
	_ =	sdelay $0x3  }
0x96: {  	_ =	strace s3  }
0x97: {  	_ =	strace $0x8FFFFFFF  }
0x98: {  	s19 =	sld [smem:$0x3FDB];
	_ =	sdelay $0x1  }
0x99: {  	s4 =	simm.s32 $_scs_section_size  }
0x9a: {  	s5 =	simm.s32 $_size__tile_overlayer_lowered;
	s6 =	simm.s32 $_tile_overlayer_lowered  }
0x9b: {  	s22 =	simm.s32 $0x1BFF;
	s21 =	sshll.u32 s6, $0x1;
	s3 =	sadd.s32 s4, s19  }
0x9c: {  	s7 =	simm.s32 $0x0;
	s20 =	sshll.u32 s5, $0x1;
	s5 =	sadd.s32 s21, s3  }
0x9d: {  	[timem:s7], [sflag:s22] =	dma.local [hbm:s5], s20  }
0x9e: {  	_ =	swait.ge [sflag:s22], s20  }
0x9f: {  	s4 =	ssub.s32 $0x0, s20;
	[sflag:s22] =	ssyncset.done $0x0  }
0xa0: {  	[sflag:s22] =	ssyncadd.s32 s4;
	_ =	sdelay $0x1  }
0xa1: {  	s23 =	simm.s32 $0x1B8B  }
0xa2: {  	_ =	swait.ge [sflag:s23], $0x1  }
0xa3: {  	[sflag:s23] =	ssyncset.done $0x0  }
0xa4: {  	s25 =	simm.s32 $0x1B8E;
	s24 =	sld [smem:$0x3FFE];
	[sflag:s23] =	ssyncadd.s32 $0xFFFFFFFF  }
0xa5: {  	s26 =	simm.s32 $execute0_lowered;
	[smem:$0x3FD2] =	sst s25  }
0xa6: {  	s5 =	sshll.u32 s26, $0x1;
	_ =	strace $0x80000046;
	[dreg:$0x1] =	wrdreg $0xFFFFFFFF  }
0xa7: {  	s28 =	simm.s32 $_size_execute0_lowered;
	s3 =	sadd.s32 s3, s5;
	[dreg:$0x0] =	wrdreg $0x0  }
0xa8: {  	s5 =	sshll.u32 s28, $0x1;
	[dreg:$0x2] =	wrdreg s3  }
0xa9: {  	[dreg:$0x3] =	wrdreg s5  }
0xaa: {  	[dreg:$0x4] =	wrdreg $0xC0  }
0xab: {  	_ =	task [dreg:s7], $0x5FFFF  }
0xac: {  	[dreg:$0x1] =	wrdreg $0xFFFFFFFF  }
0xad: {  	[dreg:$0x0] =	wrdreg $0x60  }
0xae: {  	[dreg:$0x2] =	wrdreg s2  }
0xaf: {  	[dreg:$0x3] =	wrdreg s24  }
0xb0: {  	[dreg:$0x4] =	wrdreg $0x9  }
0xb1: {  	_ =	task.clear_ibuf [dreg:s7], $0x5FFFF;
	_ =	strace $0x90000046  }
0xb2: {  	s29 =	simm.s32 $0x9;
	_ =	strace $0x80000048  }
0xb3: {  	_ =	swait.ge [sflag:s29], $0x1  }
0xb4: {  	[sflag:s29] =	ssyncadd.s32 $0xFFFFFFFF  }
0xb5: {  	_ =	strace $0x90000048  }
0xb6: {  	_ =	sfence  }
0xb7: {  	s30 =	sld [smem:$0x0];
	_ =	sdelay $0x2  }
0xb8: {  	s31 =	sshll.u32 s1, $0xD;
	s1 =	sshrl.u32 s1, $0x2  }
0xb9: {  	s3 =	sand.u32 $0x4000, s31;
	s1 =	sadd.s32 s1, s30  }
0xba: {  	s0 =	sor.u32 s3, s0;
	s1 =	sshll.u32 s1, $0x11  }
0xbb: {  	s0 =	sor.u32 s1, s0  }
0xbc: {  	s0 =	sadd.s32 $0x8F2B, s0  }
0xbd: {  	[sflag:s0] =	ssyncadd.remote.s32 $0x1  }
0xbe: {  	_ =	sfence.sel $0xFFFF  }
0xbf: {  	[dreg:$0x0] =	wrdreg $0xFFFFFFFF;
	(pc) =	sbr.abs _section_cstart, $3  }
0xc0: {  	[dreg:$0x1] =	wrdreg $0xFFFFFFFF  }
0xc1: {  	_ =	task.clear_ibuf [dreg:s7], $0x2FFFF;
	_ =	strace $0x9FFFFFFF  }
0xc2: {  	(tm) =	ssettm $0x7FFFFFFF  }
0xc3: {  	_ =	shalt  }
tec
execute0_lowered:
.L_overlay_start_1:
0x0: {  	(tag) =	ssettag $0x1  }
0x1: {  	v0 =	vimm.f32 $1.500000000e+01;
	vm0 =	vcmask $0x300  }
0x2: {  	vm14 =	vcmask $0x704;
	v0 =	vsel vm0, $0x0, v0  }
0x3: {  	vm15 =	vcmask $0xB08;
	v0 =	vsel vm14, $0x3F800000, v0  }
0x4: {  	vm4 =	vcmask $0xF0C;
	v0 =	vsel vm15, $0x40000000, v0  }
0x5: {  	s0 =	rddreg [dreg:$0x1];
	s2 =	simm.s32 $0x0;
	vm5 =	vcmask $0x1310;
	v0 =	vsel vm4, $0x40400000, v0  }
0x6: {  	s1 =	srdreg.scid;
	s10 =	stileid.u32;
	vm6 =	vcmask $0x1714;
	s13 =	simm.s32 $0x1;
	v0 =	vsel vm5, $0x40800000, v0  }
0x7: {  	vm7 =	vcmask $0x1B18;
	s14 =	simm.s32 $0xF3E0;
	s15 =	simm.s32 $0x10C60;
	s16 =	simm.s32 $0x124E0;
	v0 =	vsel vm6, $0x40A00000, v0  }
0x8: {  	vm8 =	vcmask $0x1F1C;
	s17 =	simm.s32 $0x13D60;
	s18 =	simm.s32 $0x155E0;
	s25 =	simm.s32 $0x2;
	v0 =	vsel vm7, $0x40C00000, v0  }
0x9: {  	vm9 =	vcmask $0x2320;
	[smem:$0x7FF] =	sst s2;
	s1 =	sand.u32 $0x1, s1;
	s3 =	sshll.u32 s10, $0x1;
	v0 =	vsel vm8, $0x40E00000, v0  }
0xa: {  	vm10 =	vcmask $0x2724;
	s4 =	sadd.s32 $0x1C00, s0;
	s5 =	sadd.s32 $0x3F000, s0;
	s7 =	sadd.s32 $0x7C400, s0;
	v0 =	vsel vm9, $0x41000000, v0  }
0xb: {  	vm11 =	vcmask $0x2B28;
	s8 =	sadd.s32 $0x1AE800, s0;
	_ =	strace $0x80000047;
	s3 =	sor.u32 s1, s3;
	v0 =	vsel vm10, $0x41100000, v0  }
0xc: {  	vm12 =	vcmask $0x2F2C;
	s1 =	ssub.s32 $0x2, s1;
	[dreg:$0x5] =	wrdreg s3;
	s3 =	smul.u32 $0x3, s3;
	v0 =	vsel vm11, $0x41200000, v0  }
0xd: {  	vm13 =	vcmask $0x3330;
	s9 =	sadd.s32 $0x2E0C00, s0;
	s0 =	sadd.s32 $0x413000, s0;
	s6 =	sshrl.u32 s1, $0x1;
	v0 =	vsel vm12, $0x41300000, v0  }
0xe: {  	[dreg:$0x6] =	wrdreg s0;
	vm14 =	vcmask $0x3734;
	s30 =	ssub.s32 s1, s6;
	s31 =	sadd.s32 $0xFFFFFFB8, s3;
	v0 =	vsel vm13, $0x41400000, v0  }
0xf: {  	p0 =	sgt.u32 s10, $0xB;
	vm15 =	vcmask $0x3B38;
	s0 =	smax.u32 s30, $0x1;
	[dreg:$0x7] =	wrdreg s31;
	v0 =	vsel vm14, $0x41500000, v0  }
0x10: {  	p1 =	slt.u32 s10, $0xC;
	s1 =	simm.s32 $0x0;
	[dreg:$0x8] =	wrdreg s0;
	v0 =	vsel vm15, $0x41600000, v0  }
.LBB2_1:
0x11: {  	[dreg:$0x9] =	wrdreg s1;
	s11 =	simm.s32 $0x0  }
.LBB2_2:
0x12: {  	s0 =	sshrl.u32 s11, $0x1;
	s1 =	rddreg [dreg:$0x7]  }
0x13: {  	s0 =	sadd.s32 s0, s1;
	s1 =	rddreg [dreg:$0x5]  }
0x14: {  	s0 =	smov.u32 @p1 s1  }
0x15: {  	s1 =	smulhi.u32 $0x55555556, s0;
	s3 =	sshra.s32 s0, $0x1F  }
0x16: {  	s3 =	smul.u32 $0x55555556, s3;
	_ =	sdelay $0x1  }
0x17: {  	s1 =	sadd.s32 s3, s1  }
0x18: {  	s3 =	sshrl.u32 s1, $0x1F  }
0x19: {  	s1 =	sadd.s32 s3, s1  }
0x1a: {  	s3 =	smul.u32 $0xFFFFFFFD, s1;
	_ =	sdelay $0x1  }
0x1b: {  	s19 =	sadd.s32 s0, s3  }
0x1c: {  	p2 =	slt.s32 s0, $0x1;
	p3 =	sne.s32 s19, $0x0  }
0x1d: {  	p2 =	por !p2, !p3  }
0x1e: {  	s0 =	sor.u32 $0x6, s11;
	s3 =	simm.s32 $0x1;
	p2 =	por !p2, !p2  }
0x1f: {  	s0 =	smov.u32 @p1 s11;
	s3 =	simm.s32 @!p2 $0x0  }
0x20: {  	s10 =	smul.u32 $0x1880, s0;
	s20 =	ssub.s32 s1, s3  }
0x21: {  	s1 =	smul.u32 $0x132400, s20;
	_ =	sdelay $0x1  }
0x22: {  	s3 =	sadd.s32 s10, s1  }
0x23: {  	s1 =	sshrl.u32 s3, $0x3  }
0x24: {  	s12 =	smul.u32 $0x3D400, s20;
	s6 =	sadd.s32 s7, s1  }
0x25: {  	[tilespmem:s14], [sflag:$0x1] =	stream.linear.gather [hbm4b:s6+s2], $0x1880, $0x38;
	[tilespmem:$0x1E8E0] =	vst v63  }
0x26: {  	s12 =	sadd.s32 s10, s12;
	s31 =	sadd.s32 s8, s1  }
0x27: {  	[tilespmem:s15], [sflag:$0x1] =	stream.linear.gather [hbm4b:s31+s2], $0x1880, $0x38;
	[tilespmem:$0x1E8E0] =	vst v63  }
0x28: {  	s21 =	sshrl.u32 s12, $0x3;
	s1 =	sadd.s32 s9, s1  }
0x29: {  	[tilespmem:s16], [sflag:$0x1] =	stream.linear.gather [hbm4b:s1+s2], $0x1880, $0x38;
	[tilespmem:$0x1E8E0] =	vst v63  }
0x2a: {  	s26 =	sadd.s32 s4, s21  }
0x2b: {  	[tilespmem:s17], [sflag:$0x1] =	stream.linear.gather [hbm4b:s26+s2], $0x1880, $0x38;
	[tilespmem:$0x1E8E0] =	vst v63  }
0x2c: {  	s22 =	sadd.s32 $0xC400, s3;
	s1 =	sadd.s32 s5, s21  }
0x2d: {  	[tilespmem:s18], [sflag:$0x1] =	stream.linear.gather [hbm4b:s1+s2], $0x1880, $0x38;
	[tilespmem:$0x1E8E0] =	vst v63  }
0x2e: {  	s1 =	sshrl.u32 s22, $0x3  }
0x2f: {  	s24 =	simm.s32 $0x16E60;
	s30 =	simm.s32 $0x186E0;
	s23 =	sadd.s32 s7, s1  }
0x30: {  	[tilespmem:s24], [sflag:$0x2] =	stream.linear.gather [hbm4b:s23+s2], $0x1880, $0x38;
	[tilespmem:$0x1E8E0] =	vst v63  }
0x31: {  	p6 =	seq.s32 s11, $0x0;
	[dreg:$0xc] =	wrdreg s10;
	s23 =	sand.u32 $0x1, s11  }
0x32: {  	s31 =	simm.s32 $0x19F60;
	s29 =	sadd.s32 s8, s1;
	p5 =	seq.s32 s23, $0x1  }
0x33: {  	[tilespmem:s30], [sflag:$0x2] =	stream.linear.gather [hbm4b:s29+s2], $0x1880, $0x38;
	[tilespmem:$0x1E8E0] =	vst v63  }
0x34: {  	s21 =	sadd.s32 $0xC400, s12;
	s1 =	sadd.s32 s9, s1;
	p2 =	por !p5, !p5  }
0x35: {  	[tilespmem:s31], [sflag:$0x2] =	stream.linear.gather [hbm4b:s1+s2], $0x1880, $0x38;
	[tilespmem:$0x1E8E0] =	vst v63  }
0x36: {  	s10 =	simm.s32 $0x1B7E0;
	p2 =	por !p0, !p2;
	s1 =	sshrl.u32 s21, $0x3  }
0x37: {  	[tilespmem:s10], [sflag:$0x2] =	stream.linear.gather [hbm4b:s26+s2], $0x1880, $0x38;
	[tilespmem:$0x1E8E0] =	vst v63  }
0x38: {  	s22 =	simm.s32 $0x1D060;
	p2 =	por !p2, !p2;
	s1 =	sadd.s32 s5, s1  }
0x39: {  	[tilespmem:s22], [sflag:$0x2] =	stream.linear.gather [hbm4b:s1+s2], $0x1880, $0x38;
	[tilespmem:$0x1E8E0] =	vst v63  }
0x3a: {  	p3 =	slt.s32 s19, $0x0;
	p2 =	por p6, p2;
	s1 =	sadd.s32 $0x3, s19  }
0x3b: {  	s19 =	smov.u32 @p3 s1;
	s1 =	smul.u32 @p2 $0x29220, s20  }
0x3c: {  	s6 =	smul.u32 @p2 $0xDB60, s19;
	_ =	sdelay $0x1  }
0x3d: {  	s1 =	sadd.s32 @p2 s6, s1  }
0x3e: {  	s6 =	rddreg @p2 [dreg:$0x0];
	s1 =	sshrl.u32 @p2 s1, $0x3  }
0x3f: {  	s1 =	sadd.s32 @p2 s6, s1  }
0x40: {  	[tilespmem:s2], [sflag:$0x3] =	stream.linear.gather @p2 [hbm4b:s1+s2], $0xDB60, $0x38;
	[tilespmem:$0x1E8E0] =	vst v63  }
0x41: {  	[dreg:$0xa] =	wrdreg s11;
	s1 =	simm.s32 @p2 $0x3  }
0x42: {  	_ =	swait.ge @p2 [sflag:s1], $0xDB60  }
0x43: {  	[dreg:$0xd] =	wrdreg s20;
	[sflag:s1] =	ssyncset.done @p2 $0x0  }
0x44: {  	[dreg:$0xb] =	wrdreg s19;
	[sflag:s1] =	ssyncadd.s32 @p2 $0xFFFF24A0  }
0x45: {  	_ =	swait.ge [sflag:s13], $0x1880  }
0x46: {  	[sflag:s13] =	ssyncset.done $0x0  }
0x47: {  	[sflag:s13] =	ssyncadd.s32 $0xFFFFE780  }
0x48: {  	_ =	swait.ge [sflag:s13], $0x1880  }
0x49: {  	[sflag:s13] =	ssyncset.done $0x0  }
0x4a: {  	[sflag:s13] =	ssyncadd.s32 $0xFFFFE780  }
0x4b: {  	s24 =	simm.s32 $0x1;
	_ =	swait.ge [sflag:s13], $0x1880  }
0x4c: {  	s1 =	sand.u32 $0xFFFE, s24;
	[sflag:s13] =	ssyncset.done $0x0  }
0x4d: {  	s1 =	sshrl.u32 s1, $0x1;
	[sflag:s13] =	ssyncadd.s32 $0xFFFFE780  }
0x4e: {  	s1 =	smul.u32 $0x4925, s1;
	_ =	swait.ge [sflag:s13], $0x1880  }
0x4f: {  	[sflag:s13] =	ssyncset.done $0x0  }
0x50: {  	s0 =	smul.u32 $0x1C, s0;
	s1 =	sshrl.u32 s1, $0x11;
	[sflag:s13] =	ssyncadd.s32 $0xFFFFE780  }
0x51: {  	s29 =	simm.s32 $0x0;
	s1 =	smul.u32 $0xE, s1;
	_ =	swait.ge [sflag:s13], $0x1880  }
0x52: {  	s30 =	simm.s32 $0xF3F0;
	s6 =	sand.u32 $0xFFFE, s29;
	[sflag:s13] =	ssyncset.done $0x0  }
0x53: {  	s6 =	sshrl.u32 s6, $0x1;
	s1 =	ssub.s32 $0x1, s1;
	[sflag:s13] =	ssyncadd.s32 $0xFFFFE780  }
0x54: {  	s31 =	simm.s32 $0x10C70;
	s6 =	smul.u32 $0x4925, s6;
	s1 =	sshll.u32 s1, $0x4;
	v1 =	vld [tilespmem:s30+$0x0]  }
0x55: {  	s20 =	sor.u32 $0x4, s1;
	v2 =	vld [tilespmem:s31+$0x0]  }
0x56: {  	s21 =	sshrl.u32 s6, $0x11;
	s1 =	sadd.s32 $0x4, s0;
	s22 =	sand.u32 $0xFFF4, s20  }
0x57: {  	s23 =	sadd.s32 s21, s1;
	s6 =	scvt.s32.f32 s22  }
0x58: {  	s19 =	scvt.s32.f32 s23  }
0x59: {  	s0 =	smul.u32 $0xE, s21;
	v1 =	vadd.f32 s6, v1  }
0x5a: {  	v2 =	vadd.f32 s19, v2  }
0x5b: {  	s0 =	ssub.s32 $0x0, s0;
	v1 =	vadd.f32 v0, v1  }
0x5c: {  	s0 =	sshll.u32 s0, $0x4;
	v3 =	vld [tilespmem:s30+$0xFFFFFFF0];
	v2 =	vmax.f32 v2, $2.000000000e+00  }
0x5d: {  	s0 =	sor.u32 $0x4, s0;
	v2 =	vmin.f32 v2, $2.328999940e+02;
	v1 =	vmax.f32 v1, $2.000000000e+00  }
0x5e: {  	s0 =	sand.u32 $0xFFF4, s0;
	v4 =	vld [tilespmem:s31+$0xFFFFFFF0];
	v5 =	vtrunc.f32 v2;
	v1 =	vmin.f32 v1, $2.328999940e+02  }
0x5f: {  	s0 =	scvt.s32.f32 s0;
	v5 =	vcvt.f32.s32 v5;
	v6 =	vtrunc.f32 v1  }
0x60: {  	v6 =	vcvt.f32.s32 v6  }
0x61: {  	v3 =	vadd.f32 s0, v3;
	v7 =	vmul.u32 $0xF0, v5  }
0x62: {  	v8 =	vadd.s32 $0xFFFFFE24, v6  }
0x63: {  	v4 =	vadd.f32 s19, v4;
	v3 =	vadd.f32 v0, v3;
	v7 =	vadd.s32 v7, v8  }
0x64: {  	s24 =	simm.s32 $0x3;
	v8 =	vand.u32 $0x7, v8;
	v9 =	vadd.s32 $0x1, v7;
	v10 =	vand.u32 $0xFFFFFFF8, v7  }
0x65: {  	s0 =	sand.u32 $0xFFFE, s24;
	v4 =	vmax.f32 v4, $2.000000000e+00;
	v8 =	vor.u32 v8, v10;
	v10 =	vadd.s32 $0xF1, v7  }
0x66: {  	s0 =	sshrl.u32 s0, $0x1;
	v11 =	vmin.f32 v4, $2.328999940e+02;
	v3 =	vmax.f32 v3, $2.000000000e+00;
	v4 =	vadd.s32 $0xF0, v8  }
0x67: {  	s0 =	smul.u32 $0x4925, s0;
	v3 =	vmin.f32 v3, $2.328999940e+02;
	v8 =	vtrunc.f32 v11  }
0x68: {  	v12 =	vtrunc.f32 v3;
	v8 =	vcvt.f32.s32 v8;
	v7 =	vld.idx.msk [tilespmem:v7+s2+$0x0], $0xffff  }
0x69: {  	s11 =	simm.s32 $0x2;
	s0 =	sshrl.u32 s0, $0x11;
	v12 =	vcvt.f32.s32 v12;
	v9 =	vld.idx.msk [tilespmem:v9+s2+$0x0], $0xffff  }
0x6a: {  	s29 =	sand.u32 $0xFFFE, s11;
	s0 =	smul.u32 $0xE, s0;
	v6 =	vcvt.s32.f32 v6;
	v13 =	vmul.u32 $0xF0, v8;
	v10 =	vld.idx.msk [tilespmem:v10+s2+$0x0], $0xffff  }
0x6b: {  	s6 =	sshrl.u32 s29, $0x1;
	s24 =	simm.s32 $0x10C90;
	v14 =	vcvt.s32.f32 v12;
	v12 =	vadd.s32 $0xFFFFFE24, v12;
	v15 =	vld.idx.msk [tilespmem:v4+s2+$0x0], $0xffff  }
0x6c: {  	s28 =	simm.s32 $0xF410;
	s30 =	smul.u32 $0x4925, s6;
	s0 =	ssub.s32 $0x3, s0;
	v6 =	vsub.f32 v1, v6;
	v16 =	vadd.s32 v13, v12;
	v13 =	vld [tilespmem:s24+$0x0]  }
0x6d: {  	v5 =	vcvt.s32.f32 v5;
	s0 =	sshll.u32 s0, $0x4;
	v4 =	vand.u32 $0x7, v12;
	v12 =	vld [tilespmem:s28+$0x0]  }
0x6e: {  	s10 =	simm.s32 $0x155F0;
	s31 =	sshrl.u32 s30, $0x11;
	s0 =	sor.u32 $0x4, s0;
	v1 =	vsub.f32 v3, v14;
	v14 =	vsub.f32 $1.000000000e+00, v6;
	v3 =	vand.u32 $0xFFFFFFF8, v16  }
0x6f: {  	v20 =	vld [tilespmem:s10+$0x0];
	s6 =	simm.s32 $0x13D70;
	s29 =	sadd.s32 s31, s1;
	v2 =	vsub.f32 v2, v5;
	s30 =	sand.u32 $0xFFF4, s0;
	v8 =	vcvt.s32.f32 v8;
	v3 =	vor.u32 v4, v3  }
0x70: {  	v17 =	vld [tilespmem:s6+$0x0];
	s29 =	scvt.s32.f32 s29;
	s30 =	scvt.s32.f32 s30;
	v18 =	vadd.s32 $0x1, v16;
	v19 =	vadd.s32 $0xF0, v3;
	v3 =	vmul.f32 v14, v7  }
0x71: {  	s19 =	smul.u32 $0xE, s31;
	s0 =	simm.s32 $0x124F0;
	v4 =	vsub.f32 $1.000000000e+00, v1;
	v5 =	vmul.f32 v6, v9;
	v6 =	vmul.f32 v6, v10  }
0x72: {  	v10 =	vld [tilespmem:s0+$0x0];
	v7 =	vadd.f32 s29, v13;
	v9 =	vmul.f32 v14, v15;
	v12 =	vadd.f32 s30, v12  }
0x73: {  	s19 =	ssub.s32 $0x2, s19;
	v13 =	vsub.f32 $1.000000000e+00, v2;
	v5 =	vadd.f32 v3, v5  }
0x74: {  	s19 =	sshll.u32 s19, $0x4;
	v14 =	vadd.s32 $0xF1, v16;
	v15 =	vld [tilespmem:s28+$0xFFFFFFF0];
	v3 =	vsub.f32 v11, v8;
	v6 =	vadd.f32 v9, v6  }
0x75: {  	s19 =	sor.u32 $0x4, s19;
	v8 =	vld [tilespmem:s24+$0xFFFFFFF0];
	v7 =	vmax.f32 v7, $2.000000000e+00;
	v9 =	vmul.f32 v20, v17;
	v12 =	vadd.f32 v0, v12  }
0x76: {  	s19 =	sand.u32 $0xFFF4, s19;
	v13 =	vmul.f32 v5, v13;
	v17 =	vld.idx.msk [tilespmem:v18+s2+$0x0], $0xffff;
	v5 =	vmin.f32 v7, $2.328999940e+02;
	v6 =	vmul.f32 v6, v2  }
0x77: {  	s19 =	scvt.s32.f32 s19;
	v11 =	vld.idx.msk [tilespmem:v19+s2+$0x0], $0xffff;
	v7 =	vmul.f32 v10, v9;
	v9 =	vmax.f32 v12, $2.000000000e+00;
	v12 =	vtrunc.f32 v5  }
0x78: {  	v2 =	vsub.f32 $1.000000000e+00, v3;
	v10 =	vmin.f32 v9, $2.328999940e+02;
	v9 =	vcvt.f32.s32 v12  }
0x79: {  	v15 =	vadd.f32 s19, v15;
	v6 =	vadd.f32 v6, v13  }
0x7a: {  	v8 =	vadd.f32 s29, v8;
	v13 =	vld.idx.msk [tilespmem:v14+s2+$0x0], $0xffff;
	v12 =	vtrunc.f32 v10;
	v21 =	vmul.u32 $0xF0, v9  }
0x7b: {  	v14 =	vld.idx.msk [tilespmem:v16+s2+$0x0], $0xffff;
	v18 =	vmul.f32 v6, v7;
	v6 =	vadd.f32 v0, v15;
	v15 =	vcvt.f32.s32 v12  }
0x7c: {  	v16 =	vmul.f32 v4, v11;
	v7 =	vld [tilespmem:s6+$0xFFFFFFF0];
	v12 =	vmax.f32 v8, $2.000000000e+00;
	v11 =	vmul.f32 v1, v17  }
0x7d: {  	s19 =	simm.s32 $0xDB70;
	v8 =	vld [tilespmem:s10+$0xFFFFFFF0];
	v12 =	vmin.f32 v12, $2.328999940e+02;
	v17 =	vmax.f32 v6, $2.000000000e+00;
	v19 =	vadd.s32 $0xFFFFFE24, v15  }
0x7e: {  	v6 =	vld [tilespmem:s0+$0xFFFFFFF0];
	[tilespmem:s19+$0x0] =	vst v18;
	v20 =	vtrunc.f32 v12;
	v17 =	vmin.f32 v17, $2.328999940e+02;
	v18 =	vadd.s32 v21, v19  }
.LBB2_3:
0x7f: {  	s29 =	sadd.s32 $0x3, s11;
	v21 =	vadd.s32 $0x1, v18;
	v22 =	vand.u32 $0xFFFFFFF8, v18;
	v19 =	vand.u32 $0x7, v19  }
0x80: {  	v23 =	vtrunc.f32 v17;
	s30 =	sand.u32 $0xFFFE, s29;
	v19 =	vor.u32 v19, v22;
	v22 =	vadd.s32 $0xF1, v18  }
0x81: {  	v20 =	vcvt.f32.s32 v20;
	v23 =	vcvt.f32.s32 v23;
	s30 =	sshrl.u32 s30, $0x1;
	v19 =	vadd.s32 $0xF0, v19  }
0x82: {  	v14 =	vmul.f32 v4, v14;
	v1 =	vmul.f32 v1, v13;
	s30 =	smul.u32 $0x4925, s30  }
0x83: {  	s11 =	sadd.s32 $0x2, s11;
	v13 =	vmul.u32 $0xF0, v20;
	v4 =	vcvt.s32.f32 v23;
	v23 =	vadd.s32 $0xFFFFFE24, v23;
	v18 =	vld.idx.msk [tilespmem:v18+s2+$0x0], $0xffff  }
0x84: {  	s31 =	sand.u32 $0xFFFE, s11;
	p2 =	slt.u32 s11, $0x186;
	v20 =	vcvt.s32.f32 v20;
	v16 =	vadd.f32 v16, v1;
	v24 =	vand.u32 $0x7, v23;
	s30 =	sshrl.u32 s30, $0x11;
	v21 =	vld.idx.msk [tilespmem:v21+s2+$0x0], $0xffff  }
0x85: {  	s31 =	sshrl.u32 s31, $0x1;
	v1 =	vsub.f32 v17, v4;
	v17 =	vadd.s32 v13, v23;
	v13 =	vcvt.s32.f32 v15;
	s30 =	smul.u32 $0xE, s30;
	v15 =	vld.idx.msk [tilespmem:v22+s2+$0x0], $0xffff  }
0x86: {  	s24 =	sadd.s32 $0x20, s24;
	s31 =	smul.u32 $0x4925, s31;
	v22 =	vadd.s32 $0x1, v17;
	v4 =	vand.u32 $0xFFFFFFF8, v17;
	v23 =	vadd.s32 $0xF1, v17;
	v19 =	vld.idx.msk [tilespmem:v19+s2+$0x0], $0xffff  }
0x87: {  	s28 =	sadd.s32 $0x20, s28;
	v24 =	vor.u32 v24, v4;
	v4 =	vsub.f32 $1.000000000e+00, v1;
	v10 =	vsub.f32 v10, v13;
	s29 =	ssub.s32 s29, s30;
	v25 =	vld [tilespmem:s24+$0x0]  }
0x88: {  	s6 =	sadd.s32 $0x20, s6;
	v11 =	vadd.f32 v14, v11;
	v12 =	vsub.f32 v12, v20;
	s30 =	sshrl.u32 s31, $0x11;
	v20 =	vadd.s32 $0xF0, v24;
	s29 =	sshll.u32 s29, $0x4;
	v13 =	vld [tilespmem:s28+$0x0]  }
0x89: {  	v9 =	vcvt.s32.f32 v9;
	s10 =	sadd.s32 $0x20, s10;
	v16 =	vmul.f32 v16, v3;
	s31 =	sadd.s32 s30, s1;
	v14 =	vsub.f32 $1.000000000e+00, v10;
	s29 =	sor.u32 $0x4, s29;
	v24 =	vld [tilespmem:s6+$0x0]  }
0x8a: {  	v7 =	vmul.f32 v8, v7;
	v11 =	vmul.f32 v11, v2;
	v2 =	vsub.f32 $1.000000000e+00, v12;
	v3 =	vmovc v12;
	s30 =	smul.u32 $0xE, s30;
	s31 =	scvt.s32.f32 s31;
	s29 =	sand.u32 $0xFFF4, s29;
	v26 =	vld [tilespmem:s10+$0x0]  }
0x8b: {  	s0 =	sadd.s32 $0x20, s0;
	v5 =	vsub.f32 v5, v9;
	v12 =	vmul.f32 v10, v21;
	v9 =	vmul.f32 v14, v18;
	v8 =	vld [tilespmem:s28+$0xFFFFFFF0];
	s29 =	scvt.s32.f32 s29  }
0x8c: {  	s30 =	ssub.s32 s11, s30;
	v10 =	vmul.f32 v10, v15;
	v14 =	vmul.f32 v14, v19;
	v18 =	vadd.f32 s31, v25;
	v15 =	vld [tilespmem:s0+$0x0]  }
0x8d: {  	v6 =	vmul.f32 v6, v7;
	v21 =	vsub.f32 $1.000000000e+00, v5;
	s30 =	sshll.u32 s30, $0x4;
	v19 =	vld [tilespmem:s24+$0xFFFFFFF0];
	v13 =	vadd.f32 s29, v13  }
0x8e: {  	v7 =	vadd.f32 v9, v12;
	s29 =	sor.u32 $0x4, s30;
	v9 =	vadd.f32 v14, v10;
	v20 =	vld.idx.msk [tilespmem:v20+s2+$0x0], $0xffff  }
0x8f: {  	v11 =	vadd.f32 v16, v11;
	s29 =	sand.u32 $0xFFF4, s29;
	v10 =	vmax.f32 v18, $2.000000000e+00;
	v12 =	vld.idx.msk [tilespmem:v22+s2+$0x0], $0xffff;
	v18 =	vmul.f32 v26, v24  }
0x90: {  	v21 =	vmul.f32 v7, v21;
	s29 =	scvt.s32.f32 s29;
	v16 =	vadd.f32 v0, v13;
	v9 =	vmul.f32 v9, v5;
	v13 =	vld.idx.msk [tilespmem:v23+s2+$0x0], $0xffff  }
0x91: {  	v6 =	vmul.f32 v11, v6;
	v5 =	vmin.f32 v10, $2.328999940e+02;
	v14 =	vld.idx.msk [tilespmem:v17+s2+$0x0], $0xffff;
	v15 =	vmul.f32 v15, v18  }
0x92: {  	v11 =	vtrunc.f32 v5;
	v10 =	vmax.f32 v16, $2.000000000e+00;
	v16 =	vadd.f32 v9, v21;
	v7 =	vld [tilespmem:s6+$0xFFFFFFF0]  }
0x93: {  	v17 =	vadd.f32 s29, v8;
	v9 =	vcvt.f32.s32 v11;
	v10 =	vmin.f32 v10, $2.328999940e+02;
	v8 =	vld [tilespmem:s10+$0xFFFFFFF0];
	[tilespmem:s19+$0xFFFFFFF0] =	vst v6  }
.Ltmp0:
0x94: {  	v11 =	vadd.f32 s31, v19;
	v18 =	vtrunc.f32 v10;
	v19 =	vmul.f32 v16, v15;
	v6 =	vld [tilespmem:s0+$0xFFFFFFF0];
	(pc) =	sbr.rel @p2 .LBB2_3-.Ltmp0, $4  }
0x95: {  	v17 =	vadd.f32 v0, v17;
	v16 =	vmul.f32 v4, v20;
	s19 =	sadd.s32 $0x20, s19;
	v15 =	vcvt.f32.s32 v18  }
0x96: {  	v21 =	vmul.u32 $0xF0, v9;
	v18 =	vmax.f32 v11, $2.000000000e+00;
	v11 =	vmul.f32 v1, v12;
	[tilespmem:s19+$0x0] =	vst v19  }
0x97: {  	v12 =	vmin.f32 v18, $2.328999940e+02;
	v17 =	vmax.f32 v17, $2.000000000e+00;
	v19 =	vadd.s32 $0xFFFFFE24, v15  }
0x98: {  	v17 =	vmin.f32 v17, $2.328999940e+02;
	v20 =	vtrunc.f32 v12;
	v18 =	vadd.s32 v21, v19  }
0x99: {  	v21 =	vtrunc.f32 v17;
	v20 =	vcvt.f32.s32 v20;
	v23 =	vand.u32 $0xFFFFFFF8, v18  }
0x9a: {  	v19 =	vand.u32 $0x7, v19;
	v25 =	vadd.s32 $0x1, v18;
	v21 =	vcvt.f32.s32 v21  }
0x9b: {  	v37 =	vadd.s32 $0xF1, v18;
	v19 =	vor.u32 v19, v23;
	v22 =	vmul.u32 $0xF0, v20  }
0x9c: {  	v19 =	vadd.s32 $0xF0, v19;
	v24 =	vadd.s32 $0xFFFFFE24, v21  }
0x9d: {  	v1 =	vmul.f32 v1, v13;
	v22 =	vadd.s32 v22, v24  }
0x9e: {  	v38 =	vld.idx.msk [tilespmem:v18+s2+$0x0], $0xffff;
	v24 =	vand.u32 $0x7, v24;
	v26 =	vand.u32 $0xFFFFFFF8, v22;
	v39 =	vadd.s32 $0x1, v22  }
0x9f: {  	v25 =	vld.idx.msk [tilespmem:v25+s2+$0x0], $0xffff;
	v27 =	vadd.s32 $0xF1, v22;
	v24 =	vor.u32 v24, v26  }
0xa0: {  	v1 =	vadd.f32 v16, v1;
	v23 =	vld.idx.msk [tilespmem:v37+s2+$0x0], $0xffff;
	v24 =	vadd.s32 $0xF0, v24  }
0xa1: {  	v40 =	vcvt.s32.f32 v15;
	v41 =	vld.idx.msk [tilespmem:v19+s2+$0x0], $0xffff  }
0xa2: {  	v4 =	vmul.f32 v4, v14;
	v1 =	vmul.f32 v1, v3;
	v3 =	vld.idx.msk [tilespmem:v22+s2+$0x0], $0xffff  }
0xa3: {  	v10 =	vsub.f32 v10, v40;
	v21 =	vcvt.s32.f32 v21;
	v44 =	vld.idx.msk [tilespmem:v39+s2+$0x0], $0xffff  }
0xa4: {  	v9 =	vcvt.s32.f32 v9;
	v45 =	vcvt.s32.f32 v20;
	v4 =	vadd.f32 v4, v11;
	v47 =	vld.idx.msk [tilespmem:v27+s2+$0x0], $0xffff  }
0xa5: {  	s6 =	sadd.s32 $0x20, s6;
	v50 =	vmul.f32 v8, v7;
	v48 =	vsub.f32 $1.000000000e+00, v10;
	v42 =	vsub.f32 v17, v21;
	v43 =	vld.idx.msk [tilespmem:v24+s2+$0x0], $0xffff  }
0xa6: {  	s10 =	sadd.s32 $0x20, s10;
	v49 =	vld [tilespmem:s6+$0x0];
	v5 =	vsub.f32 v5, v9;
	v12 =	vsub.f32 v12, v45;
	v2 =	vmul.f32 v4, v2  }
0xa7: {  	v51 =	vld [tilespmem:s10+$0x0];
	v52 =	vmul.f32 v48, v38;
	v46 =	vsub.f32 $1.000000000e+00, v42;
	v53 =	vmul.f32 v10, v25  }
0xa8: {  	v55 =	vld [tilespmem:s6+$0xFFFFFFF0];
	v56 =	vsub.f32 $1.000000000e+00, v5;
	v10 =	vmul.f32 v10, v23;
	v15 =	vmul.f32 v48, v41  }
0xa9: {  	s0 =	sadd.s32 $0x20, s0;
	v57 =	vld [tilespmem:s10+$0xFFFFFFF0];
	v54 =	vsub.f32 $1.000000000e+00, v12;
	v3 =	vmul.f32 v46, v3;
	v59 =	vmul.f32 v42, v44  }
0xaa: {  	v58 =	vld [tilespmem:s0+$0x0];
	v8 =	vadd.f32 v52, v53;
	v11 =	vmul.f32 v42, v47;
	v17 =	vmul.f32 v46, v43  }
0xab: {  	v61 =	vld [tilespmem:s0+$0xFFFFFFF0];
	v4 =	vmul.f32 v6, v50;
	v60 =	vadd.f32 v15, v10;
	v3 =	vadd.f32 v3, v59  }
0xac: {  	v7 =	vmul.f32 v51, v49;
	v8 =	vmul.f32 v8, v56;
	v11 =	vadd.f32 v17, v11  }
0xad: {  	v1 =	vadd.f32 v1, v2;
	v5 =	vmul.f32 v60, v5;
	v2 =	vmul.f32 v3, v54  }
0xae: {  	v3 =	vmul.f32 v57, v55;
	v62 =	vmul.f32 v11, v12  }
0xaf: {  	v7 =	vmul.f32 v58, v7;
	v5 =	vadd.f32 v5, v8  }
0xb0: {  	v1 =	vmul.f32 v1, v4;
	v3 =	vmul.f32 v61, v3;
	v2 =	vadd.f32 v62, v2  }
0xb1: {  	v63 =	vmul.f32 v5, v7  }
0xb2: {  	s22 =	sadd.s32 $0x20, s19;
	s23 =	sadd.s32 $0x18800, s3;
	[tilespmem:s19+$0xFFFFFFF0] =	vst v1;
	v1 =	vmul.f32 v2, v3  }
0xb3: {  	s6 =	sshrl.u32 s23, $0x3;
	[tilespmem:s22+$0x0] =	vst v63  }
0xb4: {  	s28 =	simm.s32 $0x0;
	s24 =	sadd.s32 s7, s6;
	[tilespmem:s22+$0xFFFFFFF0] =	vst v1  }
0xb5: {  	[tilespmem:s14], [sflag:$0x1] =	stream.linear.gather [hbm4b:s24+s28], $0x1880, $0x38;
	[tilespmem:$0x1E8E0] =	vst v63  }
0xb6: {  	s29 =	sadd.s32 s8, s6  }
0xb7: {  	[tilespmem:s15], [sflag:$0x1] =	stream.linear.gather [hbm4b:s29+s28], $0x1880, $0x38;
	[tilespmem:$0x1E8E0] =	vst v63  }
0xb8: {  	s31 =	sadd.s32 $0x18800, s12;
	s30 =	sadd.s32 s9, s6  }
0xb9: {  	[tilespmem:s16], [sflag:$0x1] =	stream.linear.gather [hbm4b:s30+s28], $0x1880, $0x38;
	[tilespmem:$0x1E8E0] =	vst v63  }
0xba: {  	s0 =	sshrl.u32 s31, $0x3  }
0xbb: {  	[tilespmem:s17], [sflag:$0x1] =	stream.linear.gather [hbm4b:s26+s28], $0x1880, $0x38;
	[tilespmem:$0x1E8E0] =	vst v63  }
0xbc: {  	s0 =	sadd.s32 s5, s0  }
0xbd: {  	[tilespmem:s18], [sflag:$0x1] =	stream.linear.gather [hbm4b:s0+s28], $0x1880, $0x38;
	[tilespmem:$0x1E8E0] =	vst v63  }
.LBB2_5:
0xbe: {  	_ =	swait.ge [sflag:s25], $0x1880  }
0xbf: {  	[sflag:s25] =	ssyncset.done $0x0  }
0xc0: {  	[sflag:s25] =	ssyncadd.s32 $0xFFFFE780  }
0xc1: {  	_ =	swait.ge [sflag:s25], $0x1880  }
0xc2: {  	[sflag:s25] =	ssyncset.done $0x0  }
0xc3: {  	s0 =	sshllo.u32 s28, $0x1;
	s10 =	simm.s32 $0x1;
	[sflag:s25] =	ssyncadd.s32 $0xFFFFE780  }
0xc4: {  	s6 =	sand.u32 $0xFF, s0;
	s10 =	sand.u32 $0xFFFE, s10;
	_ =	swait.ge [sflag:s25], $0x1880  }
0xc5: {  	s6 =	smul.u32 $0xCD, s6;
	s10 =	sshrl.u32 s10, $0x1;
	[sflag:s25] =	ssyncset.done $0x0  }
0xc6: {  	s21 =	simm.s32 $0x0;
	s10 =	smul.u32 $0x4925, s10;
	[sflag:s25] =	ssyncadd.s32 $0xFFFFE780  }
0xc7: {  	s19 =	simm.s32 $0x16E70;
	s6 =	sshrl.u32 s6, $0xA;
	_ =	swait.ge [sflag:s25], $0x1880  }
0xc8: {  	s11 =	smul.u32 $0x5, s6;
	s10 =	sshrl.u32 s10, $0x11;
	[sflag:s25] =	ssyncset.done $0x0  }
0xc9: {  	s23 =	simm.s32 $0x186F0;
	s10 =	smul.u32 $0xE, s10;
	[sflag:s25] =	ssyncadd.s32 $0xFFFFE780  }
0xca: {  	s22 =	sand.u32 $0xFFFE, s21;
	s6 =	sadd.s32 s6, s1;
	_ =	swait.ge [sflag:s25], $0x1880  }
0xcb: {  	s0 =	ssub.s32 s0, s11;
	s10 =	ssub.s32 $0x1, s10;
	[sflag:s25] =	ssyncset.done $0x0  }
0xcc: {  	[dreg:$0x3] =	wrdreg s6;
	s6 =	sshrl.u32 s22, $0x1;
	[sflag:s25] =	ssyncadd.s32 $0xFFFFE780  }
0xcd: {  	s0 =	sadd.s32 $0x4, s0;
	s10 =	sshll.u32 s10, $0x4;
	s24 =	smul.u32 $0x4925, s6;
	v1 =	vld [tilespmem:s19+$0x0]  }
0xce: {  	s20 =	sand.u32 $0xFFF0, s10;
	s6 =	sand.u32 $0xFF, s0;
	v2 =	vld [tilespmem:s23+$0x0]  }
0xcf: {  	s26 =	rddreg [dreg:$0x3];
	s0 =	sor.u32 s6, s20;
	s21 =	sshrl.u32 s24, $0x11  }
0xd0: {  	s0 =	scvt.s32.f32 s0;
	s24 =	sadd.s32 s21, s26;
	s10 =	smul.u32 $0xE, s21  }
0xd1: {  	s24 =	scvt.s32.f32 s24  }
0xd2: {  	v4 =	vld [tilespmem:s23+$0xFFFFFFF0];
	s22 =	ssub.s32 $0x0, s10;
	v1 =	vadd.f32 s0, v1  }
0xd3: {  	v3 =	vld [tilespmem:s19+$0xFFFFFFF0];
	v2 =	vadd.f32 s24, v2;
	s0 =	sshll.u32 s22, $0x4  }
0xd4: {  	s0 =	sand.u32 $0xFFF0, s0;
	v1 =	vadd.f32 v0, v1  }
0xd5: {  	v2 =	vmax.f32 v2, $2.000000000e+00;
	s0 =	sor.u32 s6, s0  }
0xd6: {  	v2 =	vmin.f32 v2, $2.328999940e+02;
	s0 =	scvt.s32.f32 s0;
	v1 =	vmax.f32 v1, $2.000000000e+00  }
0xd7: {  	v4 =	vadd.f32 s24, v4;
	v5 =	vtrunc.f32 v2;
	v1 =	vmin.f32 v1, $2.328999940e+02  }
0xd8: {  	v5 =	vcvt.f32.s32 v5;
	v3 =	vadd.f32 s0, v3;
	v6 =	vtrunc.f32 v1  }
0xd9: {  	v6 =	vcvt.f32.s32 v6  }
0xda: {  	v4 =	vmax.f32 v4, $2.000000000e+00;
	v7 =	vmul.u32 $0xF0, v5;
	v3 =	vadd.f32 v0, v3  }
0xdb: {  	v4 =	vmin.f32 v4, $2.328999940e+02;
	v8 =	vadd.s32 $0xFFFFFE24, v6  }
0xdc: {  	v11 =	vtrunc.f32 v4;
	v3 =	vmax.f32 v3, $2.000000000e+00;
	v7 =	vadd.s32 v7, v8  }
0xdd: {  	s23 =	simm.s32 $0x3;
	v11 =	vcvt.f32.s32 v11;
	v8 =	vand.u32 $0x7, v8;
	v3 =	vmin.f32 v3, $2.328999940e+02  }
0xde: {  	s0 =	sand.u32 $0xFFFE, s23;
	v9 =	vadd.s32 $0x1, v7;
	v10 =	vand.u32 $0xFFFFFFF8, v7;
	v12 =	vtrunc.f32 v3  }
0xdf: {  	s24 =	simm.s32 $0x2;
	s22 =	simm.s32 $0x1D070;
	s0 =	sshrl.u32 s0, $0x1;
	v8 =	vor.u32 v8, v10;
	v10 =	vadd.s32 $0xF1, v7;
	v12 =	vcvt.f32.s32 v12  }
0xe0: {  	s10 =	sand.u32 $0xFFFE, s24;
	v18 =	vld [tilespmem:s22+$0x0];
	s0 =	smul.u32 $0x4925, s0;
	v13 =	vmul.u32 $0xF0, v11;
	v8 =	vadd.s32 $0xF0, v8  }
0xe1: {  	s24 =	simm.s32 $0x18710;
	s10 =	sshrl.u32 s10, $0x1;
	v14 =	vcvt.s32.f32 v12;
	v12 =	vadd.s32 $0xFFFFFE24, v12;
	v7 =	vld.idx.msk [tilespmem:v7+s2+$0x0], $0xffff  }
0xe2: {  	s10 =	smul.u32 $0x4925, s10;
	s0 =	sshrl.u32 s0, $0x11;
	v6 =	vcvt.s32.f32 v6;
	v15 =	vand.u32 $0x7, v12;
	v12 =	vadd.s32 v13, v12;
	v13 =	vld [tilespmem:s24+$0x0]  }
0xe3: {  	v11 =	vcvt.s32.f32 v11;
	s0 =	smul.u32 $0xE, s0;
	v9 =	vld.idx.msk [tilespmem:v9+s2+$0x0], $0xffff  }
0xe4: {  	s20 =	simm.s32 $0x16E90;
	v16 =	vsub.f32 v1, v6;
	v6 =	vand.u32 $0xFFFFFFF8, v12;
	v10 =	vld.idx.msk [tilespmem:v10+s2+$0x0], $0xffff  }
0xe5: {  	s26 =	rddreg [dreg:$0x3];
	s10 =	sshrl.u32 s10, $0x11;
	v5 =	vcvt.s32.f32 v5;
	v1 =	vsub.f32 v4, v11;
	s0 =	ssub.s32 $0x3, s0;
	v4 =	vor.u32 v15, v6;
	v8 =	vld.idx.msk [tilespmem:v8+s2+$0x0], $0xffff  }
0xe6: {  	s19 =	sadd.s32 s10, s26;
	s29 =	sshll.u32 s0, $0x4;
	v11 =	vsub.f32 $1.000000000e+00, v16;
	v3 =	vsub.f32 v3, v14;
	v14 =	vld [tilespmem:s20+$0x0];
	v4 =	vadd.s32 $0xF0, v4  }
0xe7: {  	s21 =	simm.s32 $0x1B7F0;
	v21 =	vld [tilespmem:s24+$0xFFFFFFF0];
	s30 =	scvt.s32.f32 s19;
	s29 =	sand.u32 $0xFFF0, s29  }
0xe8: {  	v2 =	vsub.f32 v2, v5;
	s29 =	sor.u32 s6, s29;
	v20 =	vadd.s32 $0xF1, v12;
	v15 =	vld [tilespmem:s21+$0x0];
	v5 =	vmul.f32 v11, v7  }
0xe9: {  	s23 =	simm.s32 $0x19F70;
	s10 =	smul.u32 $0xE, s10;
	s29 =	scvt.s32.f32 s29;
	v7 =	vmul.f32 v16, v9;
	v9 =	vadd.f32 s30, v13;
	v13 =	vadd.s32 $0x1, v12;
	v12 =	vld.idx.msk [tilespmem:v12+s2+$0x0], $0xffff  }
0xea: {  	v19 =	vsub.f32 $1.000000000e+00, v2;
	v10 =	vmul.f32 v16, v10;
	v8 =	vmul.f32 v11, v8;
	v11 =	vld [tilespmem:s23+$0x0]  }
0xeb: {  	s10 =	ssub.s32 $0x2, s10;
	v14 =	vadd.f32 s29, v14;
	v5 =	vadd.f32 v5, v7;
	v4 =	vld.idx.msk [tilespmem:v4+s2+$0x0], $0xffff  }
0xec: {  	s10 =	sshll.u32 s10, $0x4;
	v17 =	vsub.f32 $1.000000000e+00, v3;
	v16 =	vld [tilespmem:s20+$0xFFFFFFF0];
	v7 =	vadd.f32 v8, v10;
	v8 =	vmax.f32 v9, $2.000000000e+00  }
0xed: {  	s10 =	sand.u32 $0xFFF0, s10;
	v9 =	vmul.f32 v18, v15;
	v10 =	vadd.f32 v0, v14;
	v5 =	vmul.f32 v5, v19  }
0xee: {  	s10 =	sor.u32 s6, s10;
	v12 =	vmul.f32 v17, v12;
	v2 =	vmul.f32 v7, v2;
	v7 =	vmin.f32 v8, $2.328999940e+02  }
0xef: {  	s10 =	scvt.s32.f32 s10;
	v8 =	vmul.f32 v11, v9;
	v9 =	vmax.f32 v10, $2.000000000e+00;
	v10 =	vtrunc.f32 v7  }
0xf0: {  	v11 =	vadd.f32 s30, v21;
	v15 =	vmul.f32 v17, v4;
	v2 =	vadd.f32 v2, v5  }
0xf1: {  	v5 =	vadd.f32 s10, v16;
	v9 =	vmin.f32 v9, $2.328999940e+02;
	v10 =	vcvt.f32.s32 v10  }
0xf2: {  	v14 =	vtrunc.f32 v9;
	v4 =	vmax.f32 v11, $2.000000000e+00;
	v2 =	vmul.f32 v2, v8  }
0xf3: {  	v13 =	vld.idx.msk [tilespmem:v13+s2+$0x0], $0xffff;
	s10 =	simm.s32 $0xDB70;
	v5 =	vadd.f32 v0, v5;
	v8 =	vcvt.f32.s32 v14;
	v18 =	vmin.f32 v4, $2.328999940e+02  }
0xf4: {  	v16 =	vld [tilespmem:s10+$0x0];
	v11 =	vmul.u32 $0xF0, v10;
	v10 =	vcvt.s32.f32 v10;
	v19 =	vtrunc.f32 v18  }
0xf5: {  	v14 =	vld.idx.msk [tilespmem:v20+s2+$0x0], $0xffff;
	v4 =	vmax.f32 v5, $2.000000000e+00;
	v5 =	vadd.s32 $0xFFFFFE24, v8;
	v19 =	vcvt.f32.s32 v19  }
0xf6: {  	s26 =	simm.s32 $0x5;
	v4 =	vmin.f32 v4, $2.328999940e+02;
	v11 =	vadd.s32 v11, v5;
	v5 =	vand.u32 $0x7, v5  }
0xf7: {  	v22 =	vld [tilespmem:s21+$0xFFFFFFF0];
	s20 =	sand.u32 $0xFFFE, s26;
	v20 =	vadd.s32 $0x1, v11;
	v21 =	vand.u32 $0xFFFFFFF8, v11;
	v23 =	vtrunc.f32 v4  }
0xf8: {  	v24 =	vld [tilespmem:s22+$0xFFFFFFF0];
	s0 =	sshrl.u32 s20, $0x1;
	v5 =	vor.u32 v5, v21;
	v21 =	vadd.s32 $0xF1, v11;
	v23 =	vcvt.f32.s32 v23  }
0xf9: {  	v25 =	vld [tilespmem:s23+$0xFFFFFFF0];
	s29 =	simm.s32 $0x18730;
	s0 =	smul.u32 $0x4925, s0;
	v26 =	vadd.f32 v2, v16;
	v2 =	vmul.f32 v3, v13;
	v5 =	vadd.s32 $0xF0, v5  }
0xfa: {  	v6 =	vsub.f32 $1.000000000e+00, v1;
	v28 =	vld [tilespmem:s29+$0x0];
	v13 =	vmul.f32 v3, v14;
	v3 =	vcvt.s32.f32 v23  }
0xfb: {  	s24 =	simm.s32 $0x4;
	s0 =	sshrl.u32 s0, $0x11;
	v7 =	vsub.f32 v7, v10;
	v14 =	vmul.u32 $0xF0, v19;
	v19 =	vcvt.s32.f32 v19;
	v11 =	vld.idx.msk [tilespmem:v11+s2+$0x0], $0xffff  }
0xfc: {  	s21 =	sand.u32 $0xFFFE, s24;
	s0 =	smul.u32 $0xE, s0;
	v16 =	vadd.s32 $0xFFFFFE24, v23;
	v20 =	vld.idx.msk [tilespmem:v20+s2+$0x0], $0xffff;
	v4 =	vsub.f32 v4, v3;
	v3 =	vcvt.s32.f32 v8  }
0xfd: {  	s11 =	sshrl.u32 s21, $0x1;
	v12 =	vadd.f32 v12, v2;
	v13 =	vadd.f32 v15, v13;
	v14 =	vadd.s32 v14, v16;
	v8 =	vld.idx.msk [tilespmem:v21+s2+$0x0], $0xffff  }
0xfe: {  	s19 =	simm.s32 $0x16EB0;
	s11 =	smul.u32 $0x4925, s11;
	s0 =	ssub.s32 $0x5, s0;
	v23 =	vand.u32 $0x7, v16;
	v17 =	vand.u32 $0xFFFFFFF8, v14;
	v27 =	vld.idx.msk [tilespmem:v5+s2+$0x0], $0xffff;
	v9 =	vsub.f32 v9, v3  }
0xff: {  	s31 =	simm.s32 $0x1D090;
	s30 =	simm.s32 $0x1B810;
	s0 =	sshll.u32 s0, $0x4;
	v6 =	vmul.f32 v12, v6;
	v13 =	vmul.f32 v13, v1;
	v17 =	vor.u32 v23, v17;
	v23 =	vld [tilespmem:s19+$0x0]  }
0x100: {  	s22 =	rddreg [dreg:$0x3];
	s11 =	sshrl.u32 s11, $0x11;
	s0 =	sand.u32 $0xFFF0, s0;
	v3 =	vsub.f32 v18, v19;
	v17 =	vadd.s32 $0xF0, v17;
	v18 =	vld [tilespmem:s30+$0x0];
	v15 =	vsub.f32 $1.000000000e+00, v9  }
0x101: {  	v22 =	vmul.f32 v24, v22;
	s26 =	sadd.s32 s11, s22;
	s11 =	smul.u32 $0xE, s11;
	s0 =	sor.u32 s6, s0;
	v61 =	vsub.f32 $1.000000000e+00, v7;
	v5 =	vsub.f32 $1.000000000e+00, v4;
	v19 =	vld [tilespmem:s31+$0x0]  }
0x102: {  	s26 =	scvt.s32.f32 s26;
	s20 =	scvt.s32.f32 s0;
	s0 =	simm.s32 $0x19F90;
	v6 =	vadd.f32 v13, v6;
	v10 =	vmul.f32 v15, v11;
	v11 =	vmul.f32 v9, v20  }
0x103: {  	v2 =	vsub.f32 $1.000000000e+00, v3;
	v8 =	vmul.f32 v9, v8;
	v9 =	vld [tilespmem:s0+$0x0];
	v15 =	vmul.f32 v15, v27  }
0x104: {  	s11 =	ssub.s32 $0x4, s11;
	v12 =	vld [tilespmem:s19+$0xFFFFFFF0];
	v16 =	vadd.s32 $0x1, v14;
	v20 =	vadd.f32 s26, v28;
	v23 =	vadd.f32 s20, v23  }
0x105: {  	s11 =	sshll.u32 s11, $0x4;
	v21 =	vadd.s32 $0xF1, v14;
	v13 =	vld.idx.msk [tilespmem:v17+s2+$0x0], $0xffff;
	v10 =	vadd.f32 v10, v11;
	v8 =	vadd.f32 v15, v8  }
0x106: {  	s11 =	sand.u32 $0xFFF0, s11;
	v18 =	vmul.f32 v19, v18;
	v11 =	vmul.f32 v25, v22;
	v22 =	vld [tilespmem:s29+$0xFFFFFFF0];
	v17 =	vadd.f32 v0, v23  }
0x107: {  	s23 =	sor.u32 s6, s11;
	s11 =	simm.s32 $0xDB90;
	v1 =	vld [tilespmem:s10+$0xFFFFFFF0];
	v15 =	vmax.f32 v20, $2.000000000e+00;
	v10 =	vmul.f32 v10, v61;
	v8 =	vmul.f32 v8, v7  }
0x108: {  	s20 =	scvt.s32.f32 s23;
	v20 =	vld [tilespmem:s11+$0x0];
	v7 =	vmin.f32 v15, $2.328999940e+02;
	v18 =	vmul.f32 v9, v18;
	v9 =	vmul.f32 v6, v11  }
0x109: {  	v15 =	vld.idx.msk [tilespmem:v16+s2+$0x0], $0xffff;
	v6 =	vmax.f32 v17, $2.000000000e+00;
	v11 =	vtrunc.f32 v7;
	v8 =	vadd.f32 v8, v10  }
0x10a: {  	v17 =	vld.idx.msk [tilespmem:v21+s2+$0x0], $0xffff;
	v10 =	vadd.f32 s20, v12;
	v12 =	vmin.f32 v6, $2.328999940e+02;
	v11 =	vcvt.f32.s32 v11  }
0x10b: {  	v16 =	vld.idx.msk [tilespmem:v14+s2+$0x0], $0xffff;
	v6 =	vadd.f32 s26, v22;
	v14 =	vtrunc.f32 v12;
	v18 =	vmul.f32 v8, v18  }
0x10c: {  	v13 =	vmul.f32 v5, v13;
	v8 =	vld [tilespmem:s30+$0xFFFFFFF0];
	v21 =	vadd.f32 v0, v10;
	v19 =	vcvt.f32.s32 v14  }
0x10d: {  	v10 =	vld [tilespmem:s31+$0xFFFFFFF0];
	v14 =	vmax.f32 v6, $2.000000000e+00;
	v62 =	vmul.u32 $0xF0, v11;
	v63 =	vadd.f32 v18, v20  }
0x10e: {  	[tilespmem:s10+$0x0] =	vst v26;
	v6 =	vld [tilespmem:s0+$0xFFFFFFF0];
	v18 =	vmin.f32 v14, $2.328999940e+02;
	v20 =	vmax.f32 v21, $2.000000000e+00;
	v22 =	vadd.s32 $0xFFFFFE24, v19  }
0x10f: {  	s26 =	sshll.u32 s28, $0x1;
	v14 =	vld [tilespmem:s11+$0xFFFFFFF0];
	v20 =	vmin.f32 v20, $2.328999940e+02;
	v23 =	vtrunc.f32 v18;
	v21 =	vadd.s32 v62, v22;
	[tilespmem:s11+$0x0] =	vst v63  }
.LBB2_6:
0x110: {  	s20 =	sadd.s32 $0x3, s24;
	v24 =	vadd.s32 $0x1, v21;
	v25 =	vand.u32 $0xFFFFFFF8, v21;
	v22 =	vand.u32 $0x7, v22  }
0x111: {  	v26 =	vtrunc.f32 v20;
	v56 =	vadd.s32 $0xF1, v21;
	v15 =	vmul.f32 v4, v15;
	s21 =	sand.u32 $0xFFFE, s20  }
0x112: {  	v16 =	vmul.f32 v5, v16;
	v11 =	vcvt.s32.f32 v11;
	v22 =	vor.u32 v22, v25;
	s21 =	sshrl.u32 s21, $0x1  }
0x113: {  	v23 =	vcvt.f32.s32 v23;
	v26 =	vcvt.f32.s32 v26;
	v22 =	vadd.s32 $0xF0, v22;
	s21 =	smul.u32 $0x4925, s21  }
0x114: {  	v21 =	vld.idx.msk [tilespmem:v21+s2+$0x0], $0xffff;
	s29 =	sadd.s32 $0x20, s29;
	v15 =	vadd.f32 v16, v15;
	v7 =	vsub.f32 v7, v11;
	v17 =	vmul.f32 v4, v17  }
0x115: {  	s24 =	sadd.s32 $0x2, s24;
	v58 =	vld [tilespmem:s29+$0x0];
	v4 =	vadd.f32 v9, v1;
	v1 =	vmovc v14;
	v9 =	vcvt.s32.f32 v26;
	v14 =	vmul.u32 $0xF0, v23;
	s21 =	sshrl.u32 s21, $0x11  }
0x116: {  	s22 =	sand.u32 $0xFFFE, s24;
	v26 =	vadd.s32 $0xFFFFFE24, v26;
	v23 =	vcvt.s32.f32 v23;
	v8 =	vmul.f32 v10, v8;
	v24 =	vld.idx.msk [tilespmem:v24+s2+$0x0], $0xffff;
	s21 =	smul.u32 $0xE, s21  }
0x117: {  	s22 =	sshrl.u32 s22, $0x1;
	v60 =	vsub.f32 $1.000000000e+00, v7;
	[tilespmem:s10+$0xFFFFFFF0] =	vst v4;
	v4 =	vsub.f32 v20, v9;
	v9 =	vcvt.s32.f32 v19;
	v19 =	vld.idx.msk [tilespmem:v56+s2+$0x0], $0xffff  }
0x118: {  	s19 =	sadd.s32 $0x20, s19;
	s22 =	smul.u32 $0x4925, s22;
	v27 =	vand.u32 $0x7, v26;
	v14 =	vadd.s32 v14, v26;
	v18 =	vsub.f32 v18, v23;
	v22 =	vld.idx.msk [tilespmem:v22+s2+$0x0], $0xffff;
	s20 =	ssub.s32 s20, s21  }
0x119: {  	s23 =	rddreg [dreg:$0x3];
	s30 =	sadd.s32 $0x20, s30;
	v13 =	vadd.f32 v13, v17;
	v5 =	vand.u32 $0xFFFFFFF8, v14;
	v9 =	vsub.f32 v12, v9;
	v12 =	vld [tilespmem:s19+$0x0];
	s20 =	sshll.u32 s20, $0x4  }
0x11a: {  	s31 =	sadd.s32 $0x20, s31;
	v59 =	vld [tilespmem:s30+$0x0];
	v61 =	vmul.f32 v15, v2;
	v20 =	vadd.s32 $0x1, v14;
	v27 =	vor.u32 v27, v5;
	s21 =	sshrl.u32 s22, $0x11;
	s20 =	sand.u32 $0xFFF0, s20  }
0x11b: {  	v28 =	vld [tilespmem:s31+$0x0];
	v16 =	vsub.f32 $1.000000000e+00, v18;
	v13 =	vmul.f32 v13, v3;
	s22 =	sadd.s32 s21, s23;
	s21 =	smul.u32 $0xE, s21;
	v17 =	vsub.f32 $1.000000000e+00, v9;
	s20 =	sor.u32 s6, s20  }
0x11c: {  	s0 =	sadd.s32 $0x20, s0;
	v3 =	vmovc v18;
	v23 =	vadd.s32 $0xF0, v27;
	s22 =	scvt.s32.f32 s22;
	v18 =	vmul.f32 v9, v24;
	v9 =	vmul.f32 v9, v19;
	s20 =	scvt.s32.f32 s20  }
0x11d: {  	v5 =	vsub.f32 $1.000000000e+00, v4;
	v19 =	vld [tilespmem:s0+$0x0];
	v11 =	vmul.f32 v17, v21;
	v17 =	vmul.f32 v17, v22  }
0x11e: {  	v6 =	vmul.f32 v6, v8;
	v10 =	vld [tilespmem:s19+$0xFFFFFFF0];
	s21 =	ssub.s32 s24, s21;
	v21 =	vadd.f32 s22, v58;
	v12 =	vadd.f32 s20, v12  }
0x11f: {  	v57 =	vadd.s32 $0xF1, v14;
	s21 =	sshll.u32 s21, $0x4;
	v22 =	vld [tilespmem:s29+$0xFFFFFFF0];
	v11 =	vadd.f32 v11, v18;
	v9 =	vadd.f32 v17, v9  }
0x120: {  	v2 =	vmovc v16;
	v16 =	vmul.f32 v28, v59;
	v13 =	vadd.f32 v13, v61;
	v15 =	vld.idx.msk [tilespmem:v20+s2+$0x0], $0xffff;
	s23 =	sand.u32 $0xFFF0, s21;
	v8 =	vmax.f32 v21, $2.000000000e+00  }
0x121: {  	s10 =	smov.u32 s11;
	s11 =	sadd.s32 $0x20, s11;
	v23 =	vld.idx.msk [tilespmem:v23+s2+$0x0], $0xffff;
	s20 =	sor.u32 s6, s23;
	v12 =	vadd.f32 v0, v12;
	v11 =	vmul.f32 v11, v60;
	v18 =	vmul.f32 v9, v7  }
0x122: {  	v20 =	vld [tilespmem:s11+$0x0];
	s20 =	scvt.s32.f32 s20;
	v7 =	vmin.f32 v8, $2.328999940e+02;
	v19 =	vmul.f32 v19, v16;
	v9 =	vmul.f32 v13, v6  }
0x123: {  	v8 =	vtrunc.f32 v7;
	v6 =	vmax.f32 v12, $2.000000000e+00;
	v13 =	vadd.f32 v18, v11  }
0x124: {  	p2 =	slt.u32 s24, $0x186;
	v16 =	vld.idx.msk [tilespmem:v14+s2+$0x0], $0xffff;
	v14 =	vadd.f32 s20, v10;
	v11 =	vcvt.f32.s32 v8;
	v12 =	vmin.f32 v6, $2.328999940e+02  }
.Ltmp1:
0x125: {  	v17 =	vld.idx.msk [tilespmem:v57+s2+$0x0], $0xffff;
	v18 =	vadd.f32 s22, v22;
	v6 =	vtrunc.f32 v12;
	v21 =	vmul.f32 v13, v19;
	(pc) =	sbr.rel @p2 .LBB2_6-.Ltmp1, $4  }
0x126: {  	v10 =	vld [tilespmem:s31+$0xFFFFFFF0];
	v22 =	vadd.f32 v0, v14;
	v13 =	vmul.f32 v5, v23;
	v19 =	vcvt.f32.s32 v6  }
0x127: {  	v8 =	vld [tilespmem:s30+$0xFFFFFFF0];
	v18 =	vmax.f32 v18, $2.000000000e+00;
	v62 =	vmul.u32 $0xF0, v11;
	v63 =	vadd.f32 v21, v20  }
0x128: {  	v14 =	vld [tilespmem:s11+$0xFFFFFFF0];
	v18 =	vmin.f32 v18, $2.328999940e+02;
	v20 =	vmax.f32 v22, $2.000000000e+00;
	v22 =	vadd.s32 $0xFFFFFE24, v19  }
0x129: {  	v6 =	vld [tilespmem:s0+$0xFFFFFFF0];
	v23 =	vtrunc.f32 v18;
	v20 =	vmin.f32 v20, $2.328999940e+02;
	v21 =	vadd.s32 v62, v22;
	[tilespmem:s11+$0x0] =	vst v63  }
0x12a: {  	_ = 	snop  }
0x12b: {  	v24 =	vtrunc.f32 v20;
	v23 =	vcvt.f32.s32 v23;
	v25 =	vadd.s32 $0x1, v21  }
0x12c: {  	v27 =	vand.u32 $0xFFFFFFF8, v21;
	v22 =	vand.u32 $0x7, v22;
	v24 =	vcvt.f32.s32 v24  }
0x12d: {  	v48 =	vadd.s32 $0xF1, v21;
	v22 =	vor.u32 v22, v27;
	v26 =	vmul.u32 $0xF0, v23  }
0x12e: {  	v21 =	vld.idx.msk [tilespmem:v21+s2+$0x0], $0xffff;
	s6 =	sadd.s32 $0x20, s30;
	v22 =	vadd.s32 $0xF0, v22;
	v28 =	vadd.s32 $0xFFFFFE24, v24  }
0x12f: {  	v15 =	vmul.f32 v4, v15;
	s19 =	sadd.s32 $0x20, s31;
	v50 =	vld [tilespmem:s6+$0x0];
	v26 =	vadd.s32 v26, v28  }
0x130: {  	v51 =	vld [tilespmem:s19+$0x0];
	v28 =	vand.u32 $0x7, v28;
	v29 =	vand.u32 $0xFFFFFFF8, v26;
	v49 =	vadd.s32 $0x1, v26  }
0x131: {  	v19 =	vcvt.s32.f32 v19;
	v25 =	vld.idx.msk [tilespmem:v25+s2+$0x0], $0xffff;
	v30 =	vadd.s32 $0xF1, v26;
	v28 =	vor.u32 v28, v29  }
0x132: {  	v4 =	vmul.f32 v4, v17;
	v5 =	vmul.f32 v5, v16;
	v27 =	vld.idx.msk [tilespmem:v48+s2+$0x0], $0xffff;
	v28 =	vadd.s32 $0xF0, v28  }
0x133: {  	v12 =	vsub.f32 v12, v19;
	v22 =	vld.idx.msk [tilespmem:v22+s2+$0x0], $0xffff  }
0x134: {  	v17 =	vcvt.s32.f32 v23;
	v4 =	vadd.f32 v13, v4;
	v5 =	vadd.f32 v5, v15;
	v15 =	vld.idx.msk [tilespmem:v26+s2+$0x0], $0xffff  }
0x135: {  	v11 =	vcvt.s32.f32 v11;
	v24 =	vcvt.s32.f32 v24;
	v19 =	vld.idx.msk [tilespmem:v49+s2+$0x0], $0xffff  }
0x136: {  	v17 =	vsub.f32 v18, v17;
	v18 =	vsub.f32 $1.000000000e+00, v12;
	v3 =	vmul.f32 v4, v3;
	v13 =	vld.idx.msk [tilespmem:v30+s2+$0x0], $0xffff  }
0x137: {  	v4 =	vmul.f32 v10, v8;
	v2 =	vmul.f32 v5, v2;
	v20 =	vsub.f32 v20, v24;
	v23 =	vld.idx.msk [tilespmem:v28+s2+$0x0], $0xffff  }
0x138: {  	s0 =	sadd.s32 $0x20, s0;
	v52 =	vld [tilespmem:s6+$0xFFFFFFF0];
	v7 =	vsub.f32 v7, v11;
	v10 =	vmul.f32 v18, v21;
	v11 =	vmul.f32 v12, v25  }
0x139: {  	v21 =	vld [tilespmem:s0+$0x0];
	v16 =	vsub.f32 $1.000000000e+00, v20;
	v12 =	vmul.f32 v12, v27;
	v18 =	vmul.f32 v18, v22  }
0x13a: {  	v5 =	vmul.f32 v51, v50;
	v22 =	vsub.f32 $1.000000000e+00, v7;
	v10 =	vadd.f32 v10, v11;
	v11 =	vld [tilespmem:s19+$0xFFFFFFF0]  }
0x13b: {  	v12 =	vadd.f32 v18, v12;
	v15 =	vmul.f32 v16, v15;
	v13 =	vmul.f32 v20, v13  }
0x13c: {  	v8 =	vsub.f32 $1.000000000e+00, v17;
	v18 =	vmul.f32 v20, v19;
	v23 =	vmul.f32 v16, v23  }
0x13d: {  	v2 =	vadd.f32 v3, v2;
	v10 =	vmul.f32 v10, v22;
	v7 =	vmul.f32 v12, v7;
	v16 =	vld [tilespmem:s0+$0xFFFFFFF0]  }
0x13e: {  	s22 =	sadd.s32 $0x20, s11;
	v4 =	vmul.f32 v6, v4;
	v12 =	vadd.f32 v15, v18;
	v13 =	vadd.f32 v23, v13  }
0x13f: {  	v5 =	vmul.f32 v21, v5;
	v15 =	vld [tilespmem:s22+$0x0];
	v7 =	vadd.f32 v7, v10;
	v10 =	vmul.f32 v11, v52  }
0x140: {  	v8 =	vmul.f32 v12, v8;
	v13 =	vmul.f32 v13, v17  }
0x141: {  	s23 =	smin.u32 s26, $0x15;
	v1 =	vadd.f32 v9, v1;
	v3 =	vld [tilespmem:s22+$0xFFFFFFF0];
	v2 =	vmul.f32 v2, v4  }
0x142: {  	s6 =	sadd.s32 $0x3, s23;
	v5 =	vmul.f32 v7, v5;
	v6 =	vmul.f32 v16, v10;
	v7 =	vadd.f32 v13, v8  }
0x143: {  	s24 =	smul.u32 $0xC400, s6  }
0x144: {  	[tilespmem:s10+$0xFFFFFFF0] =	vst v1;
	v1 =	vadd.f32 v2, v14;
	v4 =	vadd.f32 v5, v15;
	v5 =	vmul.f32 v7, v6  }
0x145: {  	s20 =	sadd.s32 s24, s3;
	s0 =	smulhi.u32 $0x33333334, s6  }
0x146: {  	s10 =	sshrl.u32 s20, $0x3;
	[tilespmem:s11+$0xFFFFFFF0] =	vst v1;
	v2 =	vadd.f32 v5, v3  }
0x147: {  	s20 =	simm.s32 $0x186E0;
	s21 =	sadd.s32 s7, s10;
	s23 =	smul.u32 $0x5, s0;
	[tilespmem:s22+$0x0] =	vst v4  }
0x148: {  	s24 =	sadd.s32 s8, s10;
	s0 =	smul.u32 $0xC400, s0;
	[tilespmem:s22+$0xFFFFFFF0] =	vst v2;
	s22 =	simm.s32 $0x16E60  }
0x149: {  	[tilespmem:s22], [sflag:$0x2] =	stream.linear.gather [hbm4b:s21+s2], $0x1880, $0x38;
	[tilespmem:$0x1E8E0] =	vst v63  }
0x14a: {  	s10 =	sadd.s32 s9, s10;
	s0 =	sadd.s32 s0, s12;
	s6 =	ssub.s32 s6, s23  }
0x14b: {  	[tilespmem:s20], [sflag:$0x2] =	stream.linear.gather [hbm4b:s24+s2], $0x1880, $0x38;
	[tilespmem:$0x1E8E0] =	vst v63  }
0x14c: {  	s0 =	sshrl.u32 s0, $0x3;
	s6 =	smul.u32 $0xC400, s6;
	s20 =	simm.s32 $0x19F60  }
0x14d: {  	[tilespmem:s20], [sflag:$0x2] =	stream.linear.gather [hbm4b:s10+s2], $0x1880, $0x38;
	[tilespmem:$0x1E8E0] =	vst v63  }
0x14e: {  	s0 =	sadd.s32 s4, s0;
	s21 =	simm.s32 $0x1B7E0;
	s22 =	sadd.s32 s6, s12  }
0x14f: {  	[tilespmem:s21], [sflag:$0x2] =	stream.linear.gather [hbm4b:s0+s2], $0x1880, $0x38;
	[tilespmem:$0x1E8E0] =	vst v63  }
0x150: {  	s0 =	sshrl.u32 s22, $0x3  }
0x151: {  	s23 =	simm.s32 $0x1D060;
	s0 =	sadd.s32 s5, s0  }
0x152: {  	[tilespmem:s23], [sflag:$0x2] =	stream.linear.gather [hbm4b:s0+s2], $0x1880, $0x38;
	[tilespmem:$0x1E8E0] =	vst v63  }
0x153: {  	_ =	swait.ge [sflag:s13], $0x1880  }
0x154: {  	[sflag:s13] =	ssyncset.done $0x0  }
0x155: {  	[sflag:s13] =	ssyncadd.s32 $0xFFFFE780  }
0x156: {  	s24 =	sadd.s32 $0x2, s26;
	_ =	swait.ge [sflag:s13], $0x1880  }
0x157: {  	s10 =	smulhi.u32 $0x66666667, s24;
	[sflag:s13] =	ssyncset.done $0x0  }
0x158: {  	s11 =	simm.s32 $0x1;
	[sflag:s13] =	ssyncadd.s32 $0xFFFFE780  }
0x159: {  	s6 =	sshrl.u32 s10, $0x1;
	s10 =	sand.u32 $0xFFFE, s11;
	_ =	swait.ge [sflag:s13], $0x1880  }
0x15a: {  	s10 =	sshrl.u32 s10, $0x1;
	[sflag:s13] =	ssyncset.done $0x0  }
0x15b: {  	s10 =	smul.u32 $0x4925, s10;
	[sflag:s13] =	ssyncadd.s32 $0xFFFFE780  }
0x15c: {  	s20 =	simm.s32 $0x0;
	_ =	swait.ge [sflag:s13], $0x1880  }
0x15d: {  	s19 =	smul.u32 $0x5, s6;
	s10 =	sshrl.u32 s10, $0x11;
	[sflag:s13] =	ssyncset.done $0x0  }
0x15e: {  	s21 =	sand.u32 $0xFFFE, s20;
	s10 =	smul.u32 $0xE, s10;
	[sflag:s13] =	ssyncadd.s32 $0xFFFFE780  }
0x15f: {  	s6 =	sadd.s32 s6, s1;
	s0 =	ssub.s32 s24, s19;
	_ =	swait.ge [sflag:s13], $0x1880  }
0x160: {  	s19 =	simm.s32 $0xF3F0;
	s10 =	ssub.s32 $0x1, s10;
	[sflag:s13] =	ssyncset.done $0x0  }
0x161: {  	[dreg:$0x4] =	wrdreg s6;
	s6 =	sshrl.u32 s21, $0x1;
	[sflag:s13] =	ssyncadd.s32 $0xFFFFE780  }
0x162: {  	s11 =	simm.s32 $0x10C70;
	s10 =	sshll.u32 s10, $0x4;
	s22 =	smul.u32 $0x4925, s6;
	v1 =	vld [tilespmem:s19+$0x0]  }
0x163: {  	s23 =	sand.u32 $0xFFF0, s10;
	s6 =	sadd.s32 $0x4, s0;
	v2 =	vld [tilespmem:s11+$0x0]  }
0x164: {  	s21 =	rddreg [dreg:$0x4];
	s0 =	sor.u32 s23, s6;
	s24 =	sshrl.u32 s22, $0x11  }
0x165: {  	s0 =	scvt.s32.f32 s0;
	s20 =	sadd.s32 s24, s21;
	s10 =	smul.u32 $0xE, s24  }
0x166: {  	s20 =	scvt.s32.f32 s20  }
0x167: {  	v4 =	vld [tilespmem:s11+$0xFFFFFFF0];
	s10 =	ssub.s32 $0x0, s10;
	v1 =	vadd.f32 s0, v1  }
0x168: {  	v3 =	vld [tilespmem:s19+$0xFFFFFFF0];
	v2 =	vadd.f32 s20, v2;
	s0 =	sshll.u32 s10, $0x4  }
0x169: {  	s0 =	sand.u32 $0xFFF0, s0;
	v1 =	vadd.f32 v0, v1  }
0x16a: {  	v2 =	vmax.f32 v2, $2.000000000e+00;
	s0 =	sor.u32 s0, s6  }
0x16b: {  	v2 =	vmin.f32 v2, $2.328999940e+02;
	s0 =	scvt.s32.f32 s0;
	v1 =	vmax.f32 v1, $2.000000000e+00  }
0x16c: {  	v4 =	vadd.f32 s20, v4;
	v5 =	vtrunc.f32 v2;
	v1 =	vmin.f32 v1, $2.328999940e+02  }
0x16d: {  	v5 =	vcvt.f32.s32 v5;
	v3 =	vadd.f32 s0, v3;
	v6 =	vtrunc.f32 v1  }
0x16e: {  	v6 =	vcvt.f32.s32 v6  }
0x16f: {  	v4 =	vmax.f32 v4, $2.000000000e+00;
	v7 =	vmul.u32 $0xF0, v5;
	v3 =	vadd.f32 v0, v3  }
0x170: {  	v4 =	vmin.f32 v4, $2.328999940e+02;
	v8 =	vadd.s32 $0xFFFFFE24, v6  }
0x171: {  	s19 =	simm.s32 $0x3;
	v11 =	vtrunc.f32 v4;
	v3 =	vmax.f32 v3, $2.000000000e+00;
	v7 =	vadd.s32 v7, v8  }
0x172: {  	s0 =	sand.u32 $0xFFFE, s19;
	v11 =	vcvt.f32.s32 v11;
	v3 =	vmin.f32 v3, $2.328999940e+02;
	v9 =	vadd.s32 $0x1, v7  }
0x173: {  	s20 =	simm.s32 $0x2;
	s0 =	sshrl.u32 s0, $0x1;
	v8 =	vand.u32 $0x7, v8;
	v10 =	vand.u32 $0xFFFFFFF8, v7;
	v12 =	vtrunc.f32 v3  }
0x174: {  	s10 =	sand.u32 $0xFFFE, s20;
	s20 =	simm.s32 $0x10C90;
	s0 =	smul.u32 $0x4925, s0;
	v8 =	vor.u32 v8, v10;
	v10 =	vadd.s32 $0xF1, v7;
	v12 =	vcvt.f32.s32 v12  }
0x175: {  	v15 =	vld [tilespmem:s20+$0x0];
	v8 =	vadd.s32 $0xF0, v8  }
0x176: {  	v14 =	vmul.u32 $0xF0, v11;
	s0 =	sshrl.u32 s0, $0x11;
	v13 =	vcvt.s32.f32 v12;
	v7 =	vld.idx.msk [tilespmem:v7+s2+$0x0], $0xffff  }
0x177: {  	s23 =	simm.s32 $0xF410;
	s10 =	sshrl.u32 s10, $0x1;
	s0 =	smul.u32 $0xE, s0;
	v12 =	vadd.s32 $0xFFFFFE24, v12;
	v9 =	vld.idx.msk [tilespmem:v9+s2+$0x0], $0xffff  }
0x178: {  	s10 =	smul.u32 $0x4925, s10;
	v6 =	vcvt.s32.f32 v6;
	v3 =	vsub.f32 v3, v13;
	v13 =	vadd.s32 v14, v12;
	v14 =	vld [tilespmem:s23+$0x0]  }
0x179: {  	v11 =	vcvt.s32.f32 v11;
	s0 =	ssub.s32 $0x3, s0;
	v10 =	vld.idx.msk [tilespmem:v10+s2+$0x0], $0xffff  }
0x17a: {  	s21 =	rddreg [dreg:$0x4];
	s10 =	sshrl.u32 s10, $0x11;
	v6 =	vsub.f32 v1, v6;
	s22 =	sshll.u32 s0, $0x4;
	v1 =	vand.u32 $0x7, v12;
	v12 =	vand.u32 $0xFFFFFFF8, v13;
	v8 =	vld.idx.msk [tilespmem:v8+s2+$0x0], $0xffff  }
0x17b: {  	s11 =	sadd.s32 s10, s21;
	v5 =	vcvt.s32.f32 v5;
	s0 =	simm.s32 $0x13D70;
	s22 =	sand.u32 $0xFFF0, s22;
	v12 =	vor.u32 v1, v12  }
0x17c: {  	s19 =	simm.s32 $0x155F0;
	s11 =	scvt.s32.f32 s11;
	v17 =	vsub.f32 $1.000000000e+00, v6;
	v18 =	vld [tilespmem:s0+$0x0];
	s22 =	sor.u32 s22, s6;
	v1 =	vsub.f32 v4, v11;
	v4 =	vadd.s32 $0xF0, v12  }
0x17d: {  	s10 =	smul.u32 $0xE, s10;
	v2 =	vsub.f32 v2, v5;
	s22 =	scvt.s32.f32 s22;
	v16 =	vsub.f32 $1.000000000e+00, v3;
	v11 =	vld [tilespmem:s19+$0x0]  }
0x17e: {  	s24 =	simm.s32 $0x124F0;
	v5 =	vmul.f32 v17, v7;
	v7 =	vmul.f32 v6, v9;
	v9 =	vadd.f32 s11, v15  }
0x17f: {  	s10 =	ssub.s32 $0x2, s10;
	v12 =	vadd.f32 s22, v14;
	v6 =	vmul.f32 v6, v10;
	v10 =	vld [tilespmem:s24+$0x0];
	v8 =	vmul.f32 v17, v8  }
0x180: {  	s10 =	sshll.u32 s10, $0x4;
	v14 =	vadd.s32 $0x1, v13;
	v15 =	vsub.f32 $1.000000000e+00, v2;
	v5 =	vadd.f32 v5, v7;
	v17 =	vld [tilespmem:s23+$0xFFFFFFF0]  }
0x181: {  	s23 =	sand.u32 $0xFFF0, s10;
	v9 =	vmax.f32 v9, $2.000000000e+00;
	v4 =	vld.idx.msk [tilespmem:v4+s2+$0x0], $0xffff;
	v6 =	vadd.f32 v8, v6;
	v8 =	vadd.f32 v0, v12  }
0x182: {  	v7 =	vadd.s32 $0xF1, v13;
	v11 =	vmul.f32 v11, v18;
	v9 =	vmin.f32 v9, $2.328999940e+02;
	v12 =	vld [tilespmem:s20+$0xFFFFFFF0];
	s20 =	sor.u32 s23, s6  }
0x183: {  	v5 =	vmul.f32 v5, v15;
	s20 =	scvt.s32.f32 s20;
	v2 =	vmul.f32 v6, v2;
	v6 =	vmax.f32 v8, $2.000000000e+00  }
0x184: {  	s10 =	simm.s32 $0xDB70;
	v8 =	vmul.f32 v10, v11;
	v11 =	vtrunc.f32 v9;
	v15 =	vmin.f32 v6, $2.328999940e+02  }
0x185: {  	v10 =	vld [tilespmem:s10+$0x0];
	v17 =	vadd.f32 s20, v17;
	v2 =	vadd.f32 v2, v5;
	v6 =	vtrunc.f32 v15  }
0x186: {  	v5 =	vcvt.f32.s32 v11;
	v11 =	vsub.f32 $1.000000000e+00, v1;
	v18 =	vcvt.f32.s32 v6  }
0x187: {  	v6 =	vadd.f32 s11, v12;
	v12 =	vld.idx.msk [tilespmem:v14+s2+$0x0], $0xffff;
	v14 =	vadd.f32 v0, v17;
	v17 =	vmul.f32 v16, v4  }
0x188: {  	s31 =	simm.s32 $0xF430;
	s20 =	simm.s32 $0x5;
	v2 =	vmul.f32 v2, v8;
	v8 =	vmul.u32 $0xF0, v5;
	v5 =	vcvt.s32.f32 v5  }
0x189: {  	v56 =	vld [tilespmem:s31+$0x0];
	s11 =	sand.u32 $0xFFFE, s20;
	v4 =	vadd.s32 $0xFFFFFE24, v18;
	v19 =	vmax.f32 v6, $2.000000000e+00;
	v18 =	vcvt.s32.f32 v18  }
0x18a: {  	v7 =	vld.idx.msk [tilespmem:v7+s2+$0x0], $0xffff;
	s21 =	sshrl.u32 s11, $0x1;
	s11 =	simm.s32 $0x4;
	v6 =	vadd.f32 v2, v10;
	v2 =	vadd.s32 v8, v4;
	v10 =	vmin.f32 v19, $2.328999940e+02  }
0x18b: {  	s20 =	smul.u32 $0x4925, s21;
	s22 =	sand.u32 $0xFFFE, s11;
	v8 =	vld.idx.msk [tilespmem:v13+s2+$0x0], $0xffff;
	v13 =	vmax.f32 v14, $2.000000000e+00;
	v4 =	vand.u32 $0x7, v4;
	v14 =	vadd.s32 $0x1, v2  }
0x18c: {  	v54 =	vld [tilespmem:s24+$0xFFFFFFF0];
	s23 =	sshrl.u32 s22, $0x1;
	v13 =	vmin.f32 v13, $2.328999940e+02;
	v20 =	vtrunc.f32 v10;
	v21 =	vand.u32 $0xFFFFFFF8, v2  }
0x18d: {  	v19 =	vld [tilespmem:s0+$0xFFFFFFF0];
	v53 =	vadd.s32 $0xF1, v2;
	s20 =	sshrl.u32 s20, $0x11;
	s0 =	smul.u32 $0x4925, s23;
	v23 =	vtrunc.f32 v13;
	v4 =	vor.u32 v4, v21  }
0x18e: {  	v22 =	vld [tilespmem:s19+$0xFFFFFFF0];
	v20 =	vcvt.f32.s32 v20;
	s19 =	smul.u32 $0xE, s20;
	v12 =	vmul.f32 v3, v12;
	v4 =	vadd.s32 $0xF0, v4  }
0x18f: {  	v15 =	vsub.f32 v15, v18;
	v18 =	vld [tilespmem:s31+$0xFFFFFFF0];
	v3 =	vmul.f32 v3, v7;
	v21 =	vcvt.f32.s32 v23;
	s20 =	sshrl.u32 s0, $0x11  }
0x190: {  	v5 =	vsub.f32 v9, v5;
	v23 =	vmul.u32 $0xF0, v20;
	s21 =	ssub.s32 $0x5, s19;
	s22 =	smul.u32 $0xE, s20;
	v20 =	vcvt.s32.f32 v20;
	v7 =	vld.idx.msk [tilespmem:v2+s2+$0x0], $0xffff  }
0x191: {  	v3 =	vadd.f32 v17, v3;
	v2 =	vcvt.s32.f32 v21;
	v21 =	vadd.s32 $0xFFFFFE24, v21;
	s0 =	sshll.u32 s21, $0x4;
	v14 =	vld.idx.msk [tilespmem:v14+s2+$0x0], $0xffff  }
0x192: {  	v17 =	vsub.f32 $1.000000000e+00, v15;
	v8 =	vmul.f32 v16, v8;
	v55 =	vand.u32 $0x7, v21;
	v16 =	vld.idx.msk [tilespmem:v53+s2+$0x0], $0xffff;
	s0 =	sand.u32 $0xFFF0, s0;
	s19 =	ssub.s32 $0x4, s22  }
0x193: {  	v60 =	vmul.f32 v3, v1;
	v1 =	vmul.f32 v22, v19;
	v3 =	vsub.f32 v10, v20;
	s0 =	sor.u32 s0, s6;
	s24 =	sshll.u32 s19, $0x4;
	s19 =	simm.s32 $0x10CB0;
	v58 =	vld.idx.msk [tilespmem:v4+s2+$0x0], $0xffff  }
0x194: {  	v19 =	vsub.f32 $1.000000000e+00, v5;
	v2 =	vsub.f32 v13, v2;
	v13 =	vadd.s32 v23, v21;
	s0 =	scvt.s32.f32 s0;
	s22 =	sand.u32 $0xFFF0, s24;
	v59 =	vld [tilespmem:s19+$0x0]  }
0x195: {  	s29 =	simm.s32 $0x13D90;
	s23 =	rddreg [dreg:$0x4];
	v8 =	vadd.f32 v8, v12;
	v21 =	vadd.s32 $0x1, v13;
	v23 =	vand.u32 $0xFFFFFFF8, v13;
	s22 =	sor.u32 s22, s6  }
0x196: {  	s20 =	sadd.s32 s20, s23;
	v12 =	vld [tilespmem:s29+$0x0];
	v23 =	vor.u32 v55, v23;
	v4 =	vsub.f32 $1.000000000e+00, v2;
	v27 =	vadd.f32 s0, v56;
	s0 =	simm.s32 $0x15610;
	s22 =	scvt.s32.f32 s22  }
0x197: {  	s20 =	scvt.s32.f32 s20;
	v23 =	vadd.s32 $0xF0, v23;
	v7 =	vmul.f32 v17, v7;
	v61 =	vld [tilespmem:s0+$0x0];
	v9 =	vmul.f32 v15, v14  }
0x198: {  	s30 =	simm.s32 $0x12510;
	v15 =	vmul.f32 v15, v16;
	v14 =	vadd.f32 s22, v18;
	v18 =	vld [tilespmem:s19+$0xFFFFFFF0];
	v10 =	vmul.f32 v17, v58  }
0x199: {  	v57 =	vadd.s32 $0xF1, v13;
	v16 =	vld [tilespmem:s30+$0x0];
	v17 =	vadd.f32 s20, v59;
	v7 =	vadd.f32 v7, v9  }
0x19a: {  	v8 =	vmul.f32 v8, v11;
	v9 =	vadd.f32 v10, v15;
	v10 =	vmul.f32 v54, v1  }
0x19b: {  	[tilespmem:s10+$0x0] =	vst v6;
	v6 =	vld [tilespmem:s30+$0xFFFFFFF0];
	v11 =	vmax.f32 v17, $2.000000000e+00;
	v17 =	vadd.f32 v0, v27;
	v19 =	vmul.f32 v7, v19  }
0x19c: {  	s24 =	simm.s32 $0xDB90;
	v8 =	vadd.f32 v60, v8;
	v20 =	vld.idx.msk [tilespmem:v23+s2+$0x0], $0xffff;
	v12 =	vmul.f32 v61, v12;
	v5 =	vmul.f32 v9, v5  }
0x19d: {  	v23 =	vld [tilespmem:s24+$0x0];
	v7 =	vmin.f32 v11, $2.328999940e+02;
	v18 =	vadd.f32 s20, v18;
	v11 =	vmax.f32 v17, $2.000000000e+00  }
0x19e: {  	v1 =	vld [tilespmem:s10+$0xFFFFFFF0];
	v22 =	vmul.f32 v16, v12;
	v16 =	vtrunc.f32 v7;
	v19 =	vadd.f32 v5, v19  }
0x19f: {  	v15 =	vld.idx.msk [tilespmem:v21+s2+$0x0], $0xffff;
	v9 =	vmul.f32 v8, v10;
	v12 =	vmin.f32 v11, $2.328999940e+02;
	v11 =	vcvt.f32.s32 v16  }
0x1a0: {  	v14 =	vadd.f32 v0, v14;
	v17 =	vld.idx.msk [tilespmem:v57+s2+$0x0], $0xffff;
	v10 =	vtrunc.f32 v12;
	v21 =	vmul.f32 v19, v22  }
0x1a1: {  	v8 =	vld [tilespmem:s29+$0xFFFFFFF0];
	v5 =	vsub.f32 $1.000000000e+00, v3;
	v18 =	vmax.f32 v18, $2.000000000e+00;
	v19 =	vcvt.f32.s32 v10  }
0x1a2: {  	v16 =	vld.idx.msk [tilespmem:v13+s2+$0x0], $0xffff;
	v13 =	vmul.f32 v4, v20;
	v62 =	vmul.u32 $0xF0, v11;
	v63 =	vadd.f32 v21, v23  }
0x1a3: {  	v18 =	vmin.f32 v18, $2.328999940e+02;
	v20 =	vmax.f32 v14, $2.000000000e+00;
	v14 =	vld [tilespmem:s24+$0xFFFFFFF0];
	v22 =	vadd.s32 $0xFFFFFE24, v19  }
0x1a4: {  	v10 =	vld [tilespmem:s0+$0xFFFFFFF0];
	v20 =	vmin.f32 v20, $2.328999940e+02;
	v23 =	vtrunc.f32 v18;
	v21 =	vadd.s32 v62, v22;
	[tilespmem:s24+$0x0] =	vst v63  }
.LBB2_8:
0x1a5: {  	s20 =	sadd.s32 $0x3, s11;
	v24 =	vadd.s32 $0x1, v21;
	v25 =	vand.u32 $0xFFFFFFF8, v21;
	v22 =	vand.u32 $0x7, v22  }
0x1a6: {  	v26 =	vtrunc.f32 v20;
	v56 =	vadd.s32 $0xF1, v21;
	v15 =	vmul.f32 v2, v15;
	s21 =	sand.u32 $0xFFFE, s20  }
0x1a7: {  	v16 =	vmul.f32 v4, v16;
	v11 =	vcvt.s32.f32 v11;
	v22 =	vor.u32 v22, v25;
	s21 =	sshrl.u32 s21, $0x1  }
0x1a8: {  	v23 =	vcvt.f32.s32 v23;
	v26 =	vcvt.f32.s32 v26;
	v22 =	vadd.s32 $0xF0, v22;
	s21 =	smul.u32 $0x4925, s21  }
0x1a9: {  	v21 =	vld.idx.msk [tilespmem:v21+s2+$0x0], $0xffff;
	s19 =	sadd.s32 $0x20, s19;
	v15 =	vadd.f32 v16, v15;
	v7 =	vsub.f32 v7, v11;
	v17 =	vmul.f32 v2, v17  }
0x1aa: {  	s11 =	sadd.s32 $0x2, s11;
	v58 =	vld [tilespmem:s19+$0x0];
	v2 =	vadd.f32 v9, v1;
	v1 =	vmovc v14;
	v9 =	vcvt.s32.f32 v26;
	v14 =	vmul.u32 $0xF0, v23;
	s21 =	sshrl.u32 s21, $0x11  }
0x1ab: {  	s22 =	sand.u32 $0xFFFE, s11;
	v26 =	vadd.s32 $0xFFFFFE24, v26;
	v23 =	vcvt.s32.f32 v23;
	v8 =	vmul.f32 v10, v8;
	v24 =	vld.idx.msk [tilespmem:v24+s2+$0x0], $0xffff;
	s21 =	smul.u32 $0xE, s21  }
0x1ac: {  	s22 =	sshrl.u32 s22, $0x1;
	v60 =	vsub.f32 $1.000000000e+00, v7;
	[tilespmem:s10+$0xFFFFFFF0] =	vst v2;
	v2 =	vsub.f32 v20, v9;
	v9 =	vcvt.s32.f32 v19;
	v19 =	vld.idx.msk [tilespmem:v56+s2+$0x0], $0xffff  }
0x1ad: {  	s31 =	sadd.s32 $0x20, s31;
	s22 =	smul.u32 $0x4925, s22;
	v27 =	vand.u32 $0x7, v26;
	v14 =	vadd.s32 v14, v26;
	v18 =	vsub.f32 v18, v23;
	v22 =	vld.idx.msk [tilespmem:v22+s2+$0x0], $0xffff;
	s20 =	ssub.s32 s20, s21  }
0x1ae: {  	s23 =	rddreg [dreg:$0x4];
	s29 =	sadd.s32 $0x20, s29;
	v13 =	vadd.f32 v13, v17;
	v4 =	vand.u32 $0xFFFFFFF8, v14;
	v9 =	vsub.f32 v12, v9;
	v12 =	vld [tilespmem:s31+$0x0];
	s20 =	sshll.u32 s20, $0x4  }
0x1af: {  	s0 =	sadd.s32 $0x20, s0;
	v59 =	vld [tilespmem:s29+$0x0];
	v61 =	vmul.f32 v15, v5;
	v20 =	vadd.s32 $0x1, v14;
	v27 =	vor.u32 v27, v4;
	s21 =	sshrl.u32 s22, $0x11;
	s20 =	sand.u32 $0xFFF0, s20  }
0x1b0: {  	v28 =	vld [tilespmem:s0+$0x0];
	v16 =	vsub.f32 $1.000000000e+00, v18;
	v13 =	vmul.f32 v13, v3;
	s22 =	sadd.s32 s21, s23;
	s21 =	smul.u32 $0xE, s21;
	v17 =	vsub.f32 $1.000000000e+00, v9;
	s20 =	sor.u32 s20, s6  }
0x1b1: {  	s30 =	sadd.s32 $0x20, s30;
	v3 =	vmovc v18;
	v23 =	vadd.s32 $0xF0, v27;
	s22 =	scvt.s32.f32 s22;
	v18 =	vmul.f32 v9, v24;
	v9 =	vmul.f32 v9, v19;
	s20 =	scvt.s32.f32 s20  }
0x1b2: {  	v4 =	vsub.f32 $1.000000000e+00, v2;
	v19 =	vld [tilespmem:s30+$0x0];
	v11 =	vmul.f32 v17, v21;
	v17 =	vmul.f32 v17, v22  }
0x1b3: {  	v6 =	vmul.f32 v6, v8;
	v10 =	vld [tilespmem:s31+$0xFFFFFFF0];
	s21 =	ssub.s32 s11, s21;
	v21 =	vadd.f32 s22, v58;
	v12 =	vadd.f32 s20, v12  }
0x1b4: {  	v57 =	vadd.s32 $0xF1, v14;
	s21 =	sshll.u32 s21, $0x4;
	v22 =	vld [tilespmem:s19+$0xFFFFFFF0];
	v11 =	vadd.f32 v11, v18;
	v9 =	vadd.f32 v17, v9  }
0x1b5: {  	v5 =	vmovc v16;
	v16 =	vmul.f32 v28, v59;
	v13 =	vadd.f32 v13, v61;
	v15 =	vld.idx.msk [tilespmem:v20+s2+$0x0], $0xffff;
	s23 =	sand.u32 $0xFFF0, s21;
	v8 =	vmax.f32 v21, $2.000000000e+00  }
0x1b6: {  	s10 =	smov.u32 s24;
	s24 =	sadd.s32 $0x20, s24;
	v23 =	vld.idx.msk [tilespmem:v23+s2+$0x0], $0xffff;
	s20 =	sor.u32 s23, s6;
	v12 =	vadd.f32 v0, v12;
	v11 =	vmul.f32 v11, v60;
	v18 =	vmul.f32 v9, v7  }
0x1b7: {  	v20 =	vld [tilespmem:s24+$0x0];
	s20 =	scvt.s32.f32 s20;
	v7 =	vmin.f32 v8, $2.328999940e+02;
	v19 =	vmul.f32 v19, v16;
	v9 =	vmul.f32 v13, v6  }
0x1b8: {  	v8 =	vtrunc.f32 v7;
	v6 =	vmax.f32 v12, $2.000000000e+00;
	v13 =	vadd.f32 v18, v11  }
0x1b9: {  	p2 =	slt.u32 s11, $0x186;
	v16 =	vld.idx.msk [tilespmem:v14+s2+$0x0], $0xffff;
	v14 =	vadd.f32 s20, v10;
	v11 =	vcvt.f32.s32 v8;
	v12 =	vmin.f32 v6, $2.328999940e+02  }
.Ltmp2:
0x1ba: {  	v17 =	vld.idx.msk [tilespmem:v57+s2+$0x0], $0xffff;
	v18 =	vadd.f32 s22, v22;
	v6 =	vtrunc.f32 v12;
	v21 =	vmul.f32 v13, v19;
	(pc) =	sbr.rel @p2 .LBB2_8-.Ltmp2, $4  }
0x1bb: {  	v10 =	vld [tilespmem:s0+$0xFFFFFFF0];
	v22 =	vadd.f32 v0, v14;
	v13 =	vmul.f32 v4, v23;
	v19 =	vcvt.f32.s32 v6  }
0x1bc: {  	v8 =	vld [tilespmem:s29+$0xFFFFFFF0];
	v18 =	vmax.f32 v18, $2.000000000e+00;
	v62 =	vmul.u32 $0xF0, v11;
	v63 =	vadd.f32 v21, v20  }
0x1bd: {  	v14 =	vld [tilespmem:s24+$0xFFFFFFF0];
	v18 =	vmin.f32 v18, $2.328999940e+02;
	v20 =	vmax.f32 v22, $2.000000000e+00;
	v22 =	vadd.s32 $0xFFFFFE24, v19  }
0x1be: {  	v6 =	vld [tilespmem:s30+$0xFFFFFFF0];
	v23 =	vtrunc.f32 v18;
	v20 =	vmin.f32 v20, $2.328999940e+02;
	v21 =	vadd.s32 v62, v22;
	[tilespmem:s24+$0x0] =	vst v63  }
0x1bf: {  	_ =	sdelay $0x1  }
0x1c0: {  	v24 =	vtrunc.f32 v20;
	v23 =	vcvt.f32.s32 v23;
	v25 =	vadd.s32 $0x1, v21  }
0x1c1: {  	v27 =	vand.u32 $0xFFFFFFF8, v21;
	v22 =	vand.u32 $0x7, v22;
	v24 =	vcvt.f32.s32 v24  }
0x1c2: {  	v36 =	vadd.s32 $0xF1, v21;
	v37 =	vld.idx.msk [tilespmem:v21+s2+$0x0], $0xffff;
	s6 =	sadd.s32 $0x20, s29;
	v22 =	vor.u32 v22, v27;
	v26 =	vmul.u32 $0xF0, v23  }
0x1c3: {  	s0 =	sadd.s32 $0x20, s0;
	v31 =	vld [tilespmem:s6+$0x0];
	v22 =	vadd.s32 $0xF0, v22;
	v28 =	vadd.s32 $0xFFFFFE24, v24  }
0x1c4: {  	v47 =	vld [tilespmem:s0+$0x0];
	v26 =	vadd.s32 v26, v28  }
0x1c5: {  	v53 =	vld [tilespmem:s6+$0xFFFFFFF0];
	v28 =	vand.u32 $0x7, v28;
	v29 =	vand.u32 $0xFFFFFFF8, v26;
	v38 =	vadd.s32 $0x1, v26  }
0x1c6: {  	v25 =	vld.idx.msk [tilespmem:v25+s2+$0x0], $0xffff;
	v30 =	vadd.s32 $0xF1, v26;
	v28 =	vor.u32 v28, v29  }
0x1c7: {  	v19 =	vcvt.s32.f32 v19;
	v27 =	vld.idx.msk [tilespmem:v36+s2+$0x0], $0xffff;
	v28 =	vadd.s32 $0xF0, v28  }
0x1c8: {  	v15 =	vmul.f32 v2, v15;
	v2 =	vmul.f32 v2, v17;
	v22 =	vld.idx.msk [tilespmem:v22+s2+$0x0], $0xffff  }
0x1c9: {  	v4 =	vmul.f32 v4, v16;
	v12 =	vsub.f32 v12, v19;
	v46 =	vld.idx.msk [tilespmem:v26+s2+$0x0], $0xffff  }
0x1ca: {  	v11 =	vcvt.s32.f32 v11;
	v2 =	vadd.f32 v13, v2;
	v24 =	vcvt.s32.f32 v24;
	v42 =	vld.idx.msk [tilespmem:v38+s2+$0x0], $0xffff  }
0x1cb: {  	v23 =	vcvt.s32.f32 v23;
	v4 =	vadd.f32 v4, v15;
	v45 =	vsub.f32 $1.000000000e+00, v12;
	v44 =	vld.idx.msk [tilespmem:v30+s2+$0x0], $0xffff  }
0x1cc: {  	v2 =	vmul.f32 v2, v3;
	v3 =	vmul.f32 v10, v8;
	v39 =	vsub.f32 v20, v24;
	v40 =	vld.idx.msk [tilespmem:v28+s2+$0x0], $0xffff  }
0x1cd: {  	v54 =	vld [tilespmem:s0+$0xFFFFFFF0];
	v7 =	vsub.f32 v7, v11;
	v4 =	vmul.f32 v4, v5;
	v49 =	vmul.f32 v45, v37  }
0x1ce: {  	v55 =	vmul.f32 v47, v31;
	v43 =	vsub.f32 $1.000000000e+00, v39;
	v50 =	vmul.f32 v12, v25  }
0x1cf: {  	v41 =	vsub.f32 v18, v23;
	v12 =	vmul.f32 v12, v27;
	v22 =	vmul.f32 v45, v22  }
0x1d0: {  	s11 =	sadd.s32 $0x20, s30;
	v52 =	vsub.f32 $1.000000000e+00, v7;
	v15 =	vmul.f32 v43, v46;
	v13 =	vmul.f32 v39, v44  }
0x1d1: {  	v51 =	vld [tilespmem:s11+$0x0];
	v48 =	vsub.f32 $1.000000000e+00, v41;
	v17 =	vmul.f32 v39, v42;
	v20 =	vmul.f32 v43, v40  }
0x1d2: {  	v56 =	vld [tilespmem:s11+$0xFFFFFFF0];
	v59 =	vmul.f32 v54, v53;
	v10 =	vadd.f32 v49, v50;
	v12 =	vadd.f32 v22, v12  }
0x1d3: {  	v3 =	vmul.f32 v6, v3;
	v57 =	vadd.f32 v15, v17;
	v13 =	vadd.f32 v20, v13  }
0x1d4: {  	s20 =	sadd.s32 $0x20, s24;
	v10 =	vmul.f32 v10, v52;
	v7 =	vmul.f32 v12, v7  }
0x1d5: {  	v58 =	vld [tilespmem:s20+$0x0];
	v2 =	vadd.f32 v2, v4;
	v8 =	vmul.f32 v57, v48;
	v13 =	vmul.f32 v13, v41  }
0x1d6: {  	v1 =	vadd.f32 v9, v1;
	v60 =	vld [tilespmem:s20+$0xFFFFFFF0];
	v5 =	vmul.f32 v51, v55;
	v7 =	vadd.f32 v7, v10  }
0x1d7: {  	s21 =	smin.u32 s26, $0x14;
	v61 =	vmul.f32 v56, v59;
	v2 =	vmul.f32 v2, v3;
	v62 =	vadd.f32 v13, v8  }
0x1d8: {  	s6 =	sadd.s32 $0x4, s21;
	v5 =	vmul.f32 v7, v5  }
0x1d9: {  	s22 =	smul.u32 $0xC400, s6;
	[tilespmem:s10+$0xFFFFFFF0] =	vst v1;
	v1 =	vadd.f32 v2, v14;
	v63 =	vmul.f32 v62, v61  }
0x1da: {  	s26 =	smulhi.u32 $0x33333334, s6;
	v3 =	vadd.f32 v5, v58  }
0x1db: {  	s23 =	sadd.s32 s22, s3;
	[tilespmem:s24+$0xFFFFFFF0] =	vst v1;
	v2 =	vadd.f32 v63, v60  }
0x1dc: {  	s28 =	sadd.s32 $0x1, s28;
	s30 =	smul.u32 $0x5, s26;
	s10 =	sshrl.u32 s23, $0x3;
	[tilespmem:s20+$0x0] =	vst v3  }
0x1dd: {  	p2 =	sne.s32 s28, $0xC;
	s0 =	smul.u32 $0xC400, s26;
	s29 =	sadd.s32 s7, s10;
	[tilespmem:s20+$0xFFFFFFF0] =	vst v2  }
0x1de: {  	[tilespmem:s14], [sflag:$0x1] =	stream.linear.gather [hbm4b:s29+s2], $0x1880, $0x38;
	[tilespmem:$0x1E8E0] =	vst v63  }
0x1df: {  	s19 =	sadd.s32 s8, s10;
	s0 =	sadd.s32 s0, s12;
	s6 =	ssub.s32 s6, s30  }
0x1e0: {  	[tilespmem:s15], [sflag:$0x1] =	stream.linear.gather [hbm4b:s19+s2], $0x1880, $0x38;
	[tilespmem:$0x1E8E0] =	vst v63  }
0x1e1: {  	s10 =	sadd.s32 s9, s10;
	s0 =	sshrl.u32 s0, $0x3;
	s6 =	smul.u32 $0xC400, s6  }
0x1e2: {  	[tilespmem:s16], [sflag:$0x1] =	stream.linear.gather [hbm4b:s10+s2], $0x1880, $0x38;
	[tilespmem:$0x1E8E0] =	vst v63  }
.Ltmp3:
0x1e3: {  	s0 =	sadd.s32 s4, s0;
	s31 =	sadd.s32 s6, s12;
	(pc) =	sbr.rel @p2 .LBB2_5-.Ltmp3, $4  }
0x1e4: {  	[tilespmem:s17], [sflag:$0x1] =	stream.linear.gather [hbm4b:s0+s2], $0x1880, $0x38;
	[tilespmem:$0x1E8E0] =	vst v63  }
0x1e5: {  	s0 =	sshrl.u32 s31, $0x3  }
0x1e6: {  	s0 =	sadd.s32 s5, s0  }
0x1e7: {  	[tilespmem:s18], [sflag:$0x1] =	stream.linear.gather [hbm4b:s0+s2], $0x1880, $0x38;
	[tilespmem:$0x1E8E0] =	vst v63  }
0x1e8: {  	_ =	swait.ge [sflag:s25], $0x1880  }
0x1e9: {  	[sflag:s25] =	ssyncset.done $0x0  }
0x1ea: {  	[sflag:s25] =	ssyncadd.s32 $0xFFFFE780  }
0x1eb: {  	_ =	swait.ge [sflag:s25], $0x1880  }
0x1ec: {  	[sflag:s25] =	ssyncset.done $0x0  }
0x1ed: {  	[sflag:s25] =	ssyncadd.s32 $0xFFFFE780  }
0x1ee: {  	_ =	swait.ge [sflag:s25], $0x1880  }
0x1ef: {  	[sflag:s25] =	ssyncset.done $0x0  }
0x1f0: {  	[sflag:s25] =	ssyncadd.s32 $0xFFFFE780  }
0x1f1: {  	_ =	swait.ge [sflag:s25], $0x1880  }
0x1f2: {  	[sflag:s25] =	ssyncset.done $0x0  }
0x1f3: {  	[sflag:s25] =	ssyncadd.s32 $0xFFFFE780  }
0x1f4: {  	_ =	swait.ge [sflag:s25], $0x1880  }
0x1f5: {  	[sflag:s25] =	ssyncset.done $0x0  }
0x1f6: {  	[sflag:s25] =	ssyncadd.s32 $0xFFFFE780  }
0x1f7: {  	_ =	swait.ge [sflag:s13], $0x1880  }
0x1f8: {  	[sflag:s13] =	ssyncset.done $0x0  }
0x1f9: {  	[sflag:s13] =	ssyncadd.s32 $0xFFFFE780  }
0x1fa: {  	_ =	swait.ge [sflag:s13], $0x1880  }
0x1fb: {  	[sflag:s13] =	ssyncset.done $0x0  }
0x1fc: {  	[sflag:s13] =	ssyncadd.s32 $0xFFFFE780  }
0x1fd: {  	_ =	swait.ge [sflag:s13], $0x1880  }
0x1fe: {  	[sflag:s13] =	ssyncset.done $0x0  }
0x1ff: {  	[sflag:s13] =	ssyncadd.s32 $0xFFFFE780  }
0x200: {  	_ =	swait.ge [sflag:s13], $0x1880  }
0x201: {  	s0 =	rddreg [dreg:$0xb]  }
0x202: {  	s1 =	rddreg [dreg:$0xd];
	s0 =	smul.u32 $0xC400, s0  }
0x203: {  	[sflag:s13] =	ssyncset.done $0x0;
	s3 =	rddreg [dreg:$0xc];
	s1 =	smul.u32 $0x24C00, s1  }
0x204: {  	[sflag:s13] =	ssyncadd.s32 $0xFFFFE780;
	s0 =	sadd.s32 s3, s0  }
0x205: {  	s30 =	simm.s32 $0xDB60;
	_ =	swait.ge [sflag:s13], $0x1880;
	s0 =	sadd.s32 s1, s0  }
0x206: {  	[sflag:s13] =	ssyncset.done $0x0;
	s29 =	rddreg [dreg:$0x6];
	s0 =	sshrl.u32 s0, $0x3  }
0x207: {  	s31 =	simm.s32 $0x3;
	[sflag:s13] =	ssyncadd.s32 $0xFFFFE780;
	s0 =	sadd.s32 s29, s0  }
0x208: {  	[hbm4b:s0+s2] =	stream.linear.scatter [tilespmem:s30], [sflag:$0x3], $0x1880, $0x38;
	[tilespmem:$0x1E8E0] =	vst v63  }
0x209: {  	_ =	swait.ge [sflag:s31], $0x1880  }
0x20a: {  	s11 =	rddreg [dreg:$0xa]  }
0x20b: {  	s11 =	sadd.s32 $0x1, s11  }
0x20c: {  	p2 =	sne.s32 s11, $0x6  }
.Ltmp4:
0x20d: {  	_ = 	snop;
	(pc) =	sbr.rel @p2 .LBB2_2-.Ltmp4, $3  }
0x20e: {  	_ =	sdelay $0x1  }
0x20f: {  	[sflag:s31] =	ssyncset.done $0x0  }
0x210: {  	[sflag:s31] =	ssyncadd.s32 $0xFFFFE780  }
0x211: {  	s1 =	rddreg [dreg:$0x9]  }
0x212: {  	s0 =	rddreg [dreg:$0x8];
	s1 =	sadd.s32 $0x1, s1  }
0x213: {  	p2 =	sne.s32 s1, s0  }
.Ltmp5:
0x214: {  	_ = 	snop;
	(pc) =	sbr.rel @p2 .LBB2_1-.Ltmp5, $1  }
0x215: {  	_ =	sdelay $0x3  }
0x216: {  	_ =	sfence.sel $0x180000  }
0x217: {  	[bflag:$0x0] =	sbarrier.arrive $0xFFFF  }
0x218: {  	_ =	strace $0x90000047  }
0x219: {  	s0 =	stileid.u32;
	[bflag:$0x2] =	sbarrier.arrive $0xFFFF  }
0x21a: {  	p0 =	sne.s32 s0, $0x0;
	s0 =	rddreg [dreg:$0x2]  }
0x21b: {  	s0 =	sadd.s32 @!p0 $0x100000, s0  }
0x21c: {  	[sflag:s0] =	ssyncadd.tile.s32 @!p0 $0x1;
	_ =	shalt  }
.Lfunc_end2:
_tile_overlayer_lowered:
.L_overlay_start_2:
0x21d: {  	(tag) =	ssettag $0x2  }
0x21e: {  	s0 =	rddreg [dreg:$0x0];
	s2 =	stileid.u32  }
0x21f: {  	s1 =	rddreg [dreg:$0x1];
	p0 =	sne.s32 s2, $0x0  }
0x220: {  	s3 =	rddreg [dreg:$0x2];
	[bflag:$0x3] =	sbarrier.arrive $0xFFFF;
	s2 =	simm.s32 @!p0 $0x1C03  }
0x221: {  	[timem:s3], [sflag:s2] =	dma.local @!p0 [hbm:s0], s1  }
0x222: {  	s0 =	simm.s32 @!p0 $0x3  }
0x223: {  	_ =	swait.ge @!p0 [sflag:s0], s1  }
0x224: {  	s1 =	ssub.s32 @!p0 $0x0, s1;
	[sflag:s0] =	ssyncset.done @!p0 $0x0  }
0x225: {  	[sflag:s0] =	ssyncadd.s32 @!p0 s1  }
0x226: {  	[bflag:$0x3] =	sbarrier.arrive $0xFFFF  }
0x227: {  	_ =	shalt  }

</sc_bundles>
